<compile_context>
chip_gen: v7x
topology: tpu7x:2x2x1
jax: 0.10.2.dev20260603
libtpu: 0.0.44.dev20260713+nightly
codegen_flags: <defaults>
</compile_context>

<pallas_src>
import functools

import jax
import jax.numpy as jnp
from jax import lax
from jax.experimental import pallas as pl
from jax.experimental.pallas import tpu as pltpu
from jax.experimental.pallas import tpu_sc as plsc

N_NUM = 13
N_CAT = 26
CARD = 100000
D = 64
BATCH = 4096
N_TOK = N_NUM + N_CAT

NC = 2
NS = 16
NW = NC * NS
L = 16

SUB = 512
NSUB = 197
TAIL1 = 195 * SUB
TAIL2 = TAIL1 + 128
UNITS = N_CAT * NSUB
UNITS_LO = UNITS // NW
UNITS_EXTRA = UNITS % NW
PAIR_CAP = BATCH + L
DUMP = 2 * PAIR_CAP
ROWS = 128
NCB = 13
IDMASK = (1 << 17) - 1


def _num_tokens_tc(x_num, num_weight, num_bias, ln_gamma, ln_beta):

    def body(x_ref, w_ref, b_ref, g_ref, be_ref, o_ref):
        x = x_ref[...]
        t = x[:, :, None] * w_ref[...][None] + b_ref[...][None]
        mu = jnp.mean(t, axis=-1, keepdims=True)
        var = jnp.mean((t - mu) * (t - mu), axis=-1, keepdims=True)
        t = (t - mu) / jnp.sqrt(var + 1e-5)
        o_ref[...] = t * g_ref[...][None] + be_ref[...][None]

    Bb = 512
    g2 = ln_gamma.reshape(1, D)
    b2 = ln_beta.reshape(1, D)
    return pl.pallas_call(
        body,
        grid=(BATCH // Bb,),
        in_specs=[
            pl.BlockSpec((Bb, N_NUM), lambda i: (i, 0)),
            pl.BlockSpec((N_NUM, D), lambda i: (0, 0)),
            pl.BlockSpec((N_NUM, D), lambda i: (0, 0)),
            pl.BlockSpec((1, D), lambda i: (0, 0)),
            pl.BlockSpec((1, D), lambda i: (0, 0)),
        ],
        out_specs=pl.BlockSpec((Bb, N_NUM, D), lambda i: (i, 0, 0)),
        out_shape=jax.ShapeDtypeStruct((BATCH, N_NUM, D), jnp.float32),
    )(x_num, num_weight, num_bias, g2, b2)


def _scalar(v16):
    return lax.reduce_max(v16, axes=(0,))


def _sc_cat_tokens(tabt, xc3, tail2):
    mesh = plsc.VectorSubcoreMesh(core_axis_name="c", subcore_axis_name="s")

    @functools.partial(
        pl.kernel,
        mesh=mesh,
        out_type=jax.ShapeDtypeStruct((BATCH * N_CAT, 128), jnp.float32),
        scratch_types=[
            pltpu.VMEM((8, BATCH // 8), jnp.int32),
            pltpu.VMEM((2 * PAIR_CAP + L,), jnp.int32),
            pltpu.VMEM((2 * PAIR_CAP + L,), jnp.int32),
            pltpu.VMEM((PAIR_CAP + L,), jnp.int32),
            pltpu.VMEM((D, SUB), jnp.float32),
            pltpu.VMEM((D, SUB), jnp.float32),
            pltpu.VMEM((ROWS, 128), jnp.float32),
            pltpu.VMEM((1, ROWS), jnp.int32),
            pltpu.SMEM((64,), jnp.int32),
            pltpu.SemaphoreType.DMA,
            pltpu.SemaphoreType.DMA,
            pltpu.SemaphoreType.DMA,
        ],
        compiler_params=pltpu.CompilerParams(needs_layout_passes=False),
    )
    def k(tab_hbm, xc_hbm, tail_hbm, out_hbm, idsv, pairs, coarse, ulist,
          sega, segb, rows, orow, cbs, sema, semb, sem2):
        cid = lax.axis_index("c")
        sid = lax.axis_index("s")
        wid = sid * NC + cid
        u0 = wid * UNITS_LO + jnp.minimum(wid, UNITS_EXTRA)
        u1 = u0 + UNITS_LO + jnp.where(wid < UNITS_EXTRA, 1, 0)
        f0 = lax.div(u0, jnp.int32(NSUB))
        f1 = lax.div(u1 - 1, jnp.int32(NSUB))
        lanes = lax.iota(jnp.int32, L)
        zeros16 = jnp.zeros((L,), jnp.int32)

        def stage(u, seg, sem):
            f = lax.div(u, jnp.int32(NSUB))
            s = u - f * NSUB

            @pl.when(s < NSUB - 2)
            def _():
                pltpu.async_copy(tab_hbm.at[f, :, pl.ds(s * SUB, SUB)], seg,
                                 sem)

            @pl.when(s == NSUB - 2)
            def _():
                pltpu.async_copy(tab_hbm.at[f, :, pl.ds(TAIL1, 128)],
                                 seg.at[:, pl.ds(0, 128)], sem)

            @pl.when(s == NSUB - 1)
            def _():
                pltpu.async_copy(tail_hbm.at[f], seg.at[:, pl.ds(0, 128)], sem)

        def wait_stage(u, seg, sem):
            f = lax.div(u, jnp.int32(NSUB))
            s = u - f * NSUB

            @pl.when(s < NSUB - 2)
            def _():
                pltpu.make_async_copy(tab_hbm.at[f, :, pl.ds(s * SUB, SUB)],
                                      seg, sem).wait()

            @pl.when(s >= NSUB - 2)
            def _():
                pltpu.make_async_copy(tail_hbm.at[f],
                                      seg.at[:, pl.ds(0, 128)], sem).wait()

        stage(u0, sega, sema)

        def plane_scan(f, carry):
            fi = f - f0
            slo = jnp.maximum(u0 - f * NSUB, 0)
            shi = jnp.minimum(u1 - f * NSUB, NSUB)
            pltpu.sync_copy(xc_hbm.at[f], idsv)

            def chunk(i, off):
                r = lax.div(i, jnp.int32(32))
                c = (i - r * 32) * L
                ids = idsv[r, pl.ds(c, L)]
                ids = jnp.minimum(jnp.maximum(ids, 0), CARD)
                w = lax.shift_right_logical(ids, 9) + jnp.where(
                    ids >= TAIL2, 1, 0)
                m = (w >= slo) & (w < shi)
                b = i * L + lanes
                packed = ids | (b << 17)
                mi = m.astype(jnp.int32)
                pos = plsc.cumsum(mi) - 1
                dst = jnp.where(m, fi * PAIR_CAP + off + pos, DUMP)
                plsc.store_scatter(pairs, [dst], packed)
                return off + lax.reduce_sum(mi, axes=(0,))

            n = lax.fori_loop(0, BATCH // L, chunk, jnp.int32(0))
            cbs[fi * 16 + 14] = n
            return carry

        lax.fori_loop(f0, f1 + 1, plane_scan, 0)

        def plane_bucket(f, carry):
            fi = f - f0
            n_f = cbs[fi * 16 + 14]
            ntrip = lax.div(n_f + (L - 1), jnp.int32(L))

            def cbloop(cb, off):
                cbs[fi * 16 + cb] = off

                def ch(i, o2):
                    p = pairs[pl.ds(fi * PAIR_CAP + i * L, L)]
                    pid = p & jnp.int32(IDMASK)
                    valid = (i * L + lanes) < n_f
                    w = lax.shift_right_logical(pid, 9) + jnp.where(
                        pid >= TAIL2, 1, 0)
                    m = valid & (lax.shift_right_logical(w, 4) == cb)
                    mi = m.astype(jnp.int32)
                    pos = plsc.cumsum(mi) - 1
                    dst = jnp.where(m, o2 + pos, DUMP)
                    plsc.store_scatter(coarse, [dst], p)
                    return o2 + lax.reduce_sum(mi, axes=(0,))

                return lax.fori_loop(0, ntrip, ch, off)

            offf = lax.fori_loop(0, NCB, cbloop, fi * PAIR_CAP)
            cbs[fi * 16 + NCB] = offf
            return carry

        lax.fori_loop(f0, f1 + 1, plane_bucket, 0)

        def process(u, seg, rpos):
            valid_u = u < u1
            f = lax.div(u, jnp.int32(NSUB))
            s = u - f * NSUB
            fi = jnp.minimum(f - f0, 1)
            cb = lax.shift_right_logical(s, 4)
            cstart = cbs[fi * 16 + cb]
            cend = cbs[fi * 16 + cb + 1]
            cn = jnp.where(valid_u, cend - cstart, 0)

            def cchunk(i, uoff):
                p = coarse[pl.ds(cstart + i * L, L)]
                pid = p & jnp.int32(IDMASK)
                valid = (i * L + lanes) < cn
                w = lax.shift_right_logical(pid, 9) + jnp.where(
                    pid >= TAIL2, 1, 0)
                m = valid & (w == s)
                mi = m.astype(jnp.int32)
                pos = plsc.cumsum(mi) - 1
                dst = jnp.where(m, uoff + pos, PAIR_CAP)
                plsc.store_scatter(ulist, [dst], p)
                return uoff + lax.reduce_sum(mi, axes=(0,))

            n_u = lax.fori_loop(0, lax.div(cn + (L - 1), jnp.int32(L)),
                                cchunk, jnp.int32(0))
            base = jnp.where(s == NSUB - 1, TAIL2, s * SUB)

            def token(t, rpos2):
                p = plsc.load_gather(ulist, [jnp.full((L,), t, jnp.int32)])
                col = (p & jnp.int32(IDMASK)) - base
                orow_v = lax.shift_right_logical(p, 17) * N_CAT + f
                rr = rpos2 & (ROWS - 1)
                for q in range(D // L):
                    vals = plsc.load_gather(seg, [lanes + q * L, col])
                    rows[rr, pl.ds(q * L, L)] = vals
                plsc.store_scatter(
                    orow, [zeros16, jnp.full((L,), rr, jnp.int32)], orow_v)

                @pl.when(rr == ROWS - 1)
                def _():
                    pltpu.async_copy(rows, out_hbm.at[orow.at[0]], sem2).wait()

                return rpos2 + 1

            return lax.fori_loop(0, n_u, token, rpos)

        def pair_body(kk, rpos):
            ua = u0 + 2 * kk
            ub = ua + 1

            wait_stage(ua, sega, sema)

            @pl.when(ub < u1)
            def _():
                stage(ub, segb, semb)

            rpos = process(ua, sega, rpos)

            @pl.when(ub < u1)
            def _():
                wait_stage(ub, segb, semb)

            @pl.when(ub + 1 < u1)
            def _():
                stage(ub + 1, sega, sema)

            return process(ub, segb, rpos)

        npair = lax.div(u1 - u0 + 1, jnp.int32(2))
        rpos = lax.fori_loop(0, npair, pair_body, jnp.int32(0))

        rem = rpos & (ROWS - 1)

        @pl.when(rem > 0)
        def _():
            last_or = plsc.load_gather(
                orow, [zeros16, jnp.full((L,), rem - 1, jnp.int32)])

            def padrow(i, c):
                r = rem + i
                for q in range(D // L):
                    rows[r, pl.ds(q * L, L)] = rows[rem - 1, pl.ds(q * L, L)]
                return c

            lax.fori_loop(0, ROWS - rem, padrow, 0)

            def padidx(i, c):
                colv = i * L + lanes
                cur = orow[0, pl.ds(i * L, L)]
                orow[0, pl.ds(i * L, L)] = jnp.where(colv < rem, cur, last_or)
                return c

            lax.fori_loop(0, ROWS // L, padidx, 0)
            pltpu.async_copy(rows, out_hbm.at[orow.at[0]], sem2).wait()

    return k(tabt, xc3, tail2)


def kernel(x_num, x_cat, num_weight, num_bias, ln_gamma, ln_beta, cat_tables):
    numtok = _num_tokens_tc(x_num, num_weight, num_bias, ln_gamma, ln_beta)
    tabt = jnp.transpose(cat_tables, (0, 2, 1))
    xc3 = jnp.transpose(x_cat).reshape(N_CAT, 8, BATCH // 8)
    tail2 = jnp.pad(tabt[:, :, TAIL2:], ((0, 0), (0, 0), (0, 128 - (CARD + 1 - TAIL2))))
    rows = _sc_cat_tokens(tabt, xc3, tail2)
    cat = rows[:, :D].reshape(BATCH, N_CAT, D)
    return jnp.concatenate([numtok, cat], axis=1)

# --- scband reference (transcript-rebuilt; emitter-appended) ---
"""Pipeline reference for scband-feature-tokenizer-5145370820813 (READ-ONLY COPY).

The authoritative reference and input builder live on the scoring server;
editing this copy changes nothing except your own understanding.
"""

import jax, jax.numpy as jnp
import numpy as np

N_NUM = 13
N_CAT = 26
CARD = 100000
D = 64
BATCH = 4096


def setup_inputs(seed: int = 0) -> dict:
    key = jax.random.key(seed)
    ks = jax.random.split(key, 6)
    x_num = jax.random.normal(ks[0], (BATCH, N_NUM), dtype=jnp.float32)
    x_cat = jax.random.randint(ks[1], (BATCH, N_CAT), 0, CARD, dtype=jnp.int32)
    # numeric feature params (xavier uniform for weight, tiny normal for bias)
    bound = float(np.sqrt(6.0 / (N_NUM + D)))
    num_weight = jax.random.uniform(ks[2], (N_NUM, D), minval=-bound, maxval=bound, dtype=jnp.float32)
    num_bias = 1e-4 * jax.random.normal(ks[3], (N_NUM, D), dtype=jnp.float32)
    # LayerNorm params
    ln_gamma = jnp.ones((D,), dtype=jnp.float32)
    ln_beta = jnp.zeros((D,), dtype=jnp.float32)
    # 26 embedding tables, each (cardinality+1, D) for OOV slot; stacked since all cardinalities equal
    cat_tables = jax.random.normal(ks[4], (N_CAT, CARD + 1, D), dtype=jnp.float32)
    return {
        'x_num': x_num,
        'x_cat': x_cat,
        'num_weight': num_weight,
        'num_bias': num_bias,
        'ln_gamma': ln_gamma,
        'ln_beta': ln_beta,
        'cat_tables': cat_tables,
    }


def reference(x_num, x_cat, num_weight, num_bias, ln_gamma, ln_beta, cat_tables):
    # Numeric tokens: x_i * w_i + b_i, then LayerNorm over d_model
    num_tokens = x_num[:, :, None] * num_weight[None, :, :] + num_bias[None, :, :]
    mu = jnp.mean(num_tokens, axis=-1, keepdims=True)
    var = jnp.var(num_tokens, axis=-1, keepdims=True)
    num_tokens = (num_tokens - mu) / jnp.sqrt(var + 1e-5) * ln_gamma + ln_beta
    # Categorical tokens: clamp to [0, cardinality] (OOV protection), then embedding lookup
    ids = jnp.clip(x_cat, 0, CARD)
    feat_idx = jnp.arange(N_CAT, dtype=ids.dtype)[None, :]  # [1, N_CAT]
    cat_tokens = cat_tables[feat_idx, ids]  # [B, N_CAT, D] gather
    return jnp.concatenate([num_tokens, cat_tokens], axis=1)  # [B, N_NUM + N_CAT, D]

if __name__ == "__main__":
    import jax
    _d = setup_inputs()
    print(jax.jit(kernel)(*tuple(_d.values())))

</pallas_src>

<mosaic_0001>
#map = affine_map<(d0, d1) -> (0, 0, 0)>
#map1 = affine_map<(d0, d1) -> (0, 0)>
module attributes {stable_mosaic.version = 14 : i64} {
  func.func @k(%arg0: i32, %arg1: i32, %arg2: memref<26x64x100001xf32, #tpu.memory_space<hbm>>, %arg3: memref<26x8x512xi32, #tpu.memory_space<hbm>>, %arg4: memref<26x64x128xf32, #tpu.memory_space<hbm>>, %arg5: memref<106496x128xf32, #tpu.memory_space<hbm>>, %arg6: memref<8x512xi32, #tpu.memory_space<vmem>>, %arg7: memref<8240xi32, #tpu.memory_space<vmem>>, %arg8: memref<8240xi32, #tpu.memory_space<vmem>>, %arg9: memref<4128xi32, #tpu.memory_space<vmem>>, %arg10: memref<64x512xf32, #tpu.memory_space<vmem>>, %arg11: memref<64x512xf32, #tpu.memory_space<vmem>>, %arg12: memref<128x128xf32, #tpu.memory_space<vmem>>, %arg13: memref<1x128xi32, #tpu.memory_space<vmem>>, %arg14: memref<64xi32, #tpu.memory_space<smem>>, %arg15: memref<!tpu.dma_semaphore, #tpu.memory_space<semaphore_mem>>, %arg16: memref<!tpu.dma_semaphore, #tpu.memory_space<semaphore_mem>>, %arg17: memref<!tpu.dma_semaphore, #tpu.memory_space<semaphore_mem>>) attributes {dimension_semantics = [#tpu.dimension_semantics<core_parallel>, #tpu.dimension_semantics<subcore_parallel>], iteration_bounds = array<i64: 2, 16>, scalar_prefetch = 0 : i64, scratch_operands = 12 : i64, tpu.core_type = #tpu.core_type<sc_vector_subcore>, window_params = [{transform_indices = #map}, {transform_indices = #map}, {transform_indices = #map}, {transform_indices = #map1}]} {
    %mul3A = arith.constant 2 : i32
    %mul3A_0 = arith.muli %arg1, %mul3A : i32
    %add3A = arith.addi %mul3A_0, %arg0 : i32
    %mul3A_1 = arith.constant 160 : i32
    %mul3A_2 = arith.muli %add3A, %mul3A_1 : i32
    %min3A = arith.constant 2 : i32
    %min3A_3 = arith.minsi %add3A, %min3A : i32
    %add3A_4 = arith.addi %mul3A_2, %min3A_3 : i32
    %add3A_5 = arith.constant 160 : i32
    %add3A_6 = arith.addi %add3A_4, %add3A_5 : i32
    %lt3A = arith.constant 2 : i32
    %lt3A_7 = arith.cmpi slt, %add3A, %lt3A : i32
    %jit3A = arith.constant 1 : i32
    %jit3A_8 = arith.constant 0 : i32
    %select_n3A = arith.select %lt3A_7, %jit3A, %jit3A_8 : i32
    %add3A_9 = arith.addi %add3A_6, %select_n3A : i32
    %div3A = arith.constant 197 : i32
    %div3A_10 = arith.divsi %add3A_4, %div3A : i32
    %sub3A = arith.constant 1 : i32
    %sub3A_11 = arith.subi %add3A_9, %sub3A : i32
    %div3A_12 = arith.constant 197 : i32
    %div3A_13 = arith.divsi %sub3A_11, %div3A_12 : i32
    %iota3A = tpu.iota {dimensions = array<i32: 0>} : vector<16xi32>
    %broadcast_in_dim3A = arith.constant 0 : i32
    %broadcast_in_dim3A_14 = vector.broadcast %broadcast_in_dim3A : i32 to vector<16xi32>
    %div3A_15 = arith.constant 197 : i32
    %div3A_16 = arith.divsi %add3A_4, %div3A_15 : i32
    %mul3A_17 = arith.constant 197 : i32
    %mul3A_18 = arith.muli %div3A_16, %mul3A_17 : i32
    %sub3A_19 = arith.subi %add3A_4, %mul3A_18 : i32
    %lt3A_20 = arith.constant 195 : i32
    %lt3A_21 = arith.cmpi slt, %sub3A_19, %lt3A_20 : i32
    %convert_element_type3A = arith.extui %lt3A_21 : i1 to i32
    %cond3A = arith.constant 0 : i32
    %cond3A_22 = arith.cmpi ne, %convert_element_type3A, %cond3A : i32
    scf.if %cond3A_22 {
      %mul3A_75 = arith.constant 512 : i32
      %mul3A_76 = arith.muli %sub3A_19, %mul3A_75 : i32
      %dma_start3A = arith.constant 0 : i32
      %dma_start3A_77 = tpu.memref_slice %arg2[%div3A_16, %dma_start3A, %mul3A_76] : memref<26x64x100001xf32, #tpu.memory_space<hbm>> -> memref<1x64x512xf32, #tpu.memory_space<hbm>>
      %dma_start3A_78 = tpu.memref_squeeze %dma_start3A_77 : memref<1x64x512xf32, #tpu.memory_space<hbm>> -> memref<64x512xf32, #tpu.memory_space<hbm>>
      %dma_start3A_79 = arith.constant 0 : i32
      %dma_start3A_80 = tpu.memref_slice %arg2[%div3A_16, %dma_start3A_79, %mul3A_76] : memref<26x64x100001xf32, #tpu.memory_space<hbm>> -> memref<1x64x512xf32, #tpu.memory_space<hbm>>
      %dma_start3A_81 = tpu.memref_squeeze %dma_start3A_80 : memref<1x64x512xf32, #tpu.memory_space<hbm>> -> memref<64x512xf32, #tpu.memory_space<hbm>>
      tpu.enqueue_dma source(%dma_start3A_81 : memref<64x512xf32, #tpu.memory_space<hbm>>) target(%arg10 : memref<64x512xf32, #tpu.memory_space<vmem>>) target_semaphore(%arg15 : memref<!tpu.dma_semaphore, #tpu.memory_space<semaphore_mem>>)
    } else {
    }
    %eq3A = arith.constant 195 : i32
    %eq3A_23 = arith.cmpi eq, %sub3A_19, %eq3A : i32
    %convert_element_type3A_24 = arith.extui %eq3A_23 : i1 to i32
    %cond3A_25 = arith.constant 0 : i32
    %cond3A_26 = arith.cmpi ne, %convert_element_type3A_24, %cond3A_25 : i32
    scf.if %cond3A_26 {
      %dma_start3A = arith.constant 0 : i32
      %dma_start3A_75 = arith.constant 0 : i32
      %dma_start3A_76 = tpu.memref_slice %arg10[%dma_start3A, %dma_start3A_75] : memref<64x512xf32, #tpu.memory_space<vmem>> -> memref<64x128xf32, #tpu.memory_space<vmem>>
      %dma_start3A_77 = arith.constant 0 : i32
      %dma_start3A_78 = arith.constant 99840 : i32
      %dma_start3A_79 = tpu.memref_slice %arg2[%div3A_16, %dma_start3A_77, %dma_start3A_78] : memref<26x64x100001xf32, #tpu.memory_space<hbm>> -> memref<1x64x128xf32, #tpu.memory_space<hbm>>
      %dma_start3A_80 = tpu.memref_squeeze %dma_start3A_79 : memref<1x64x128xf32, #tpu.memory_space<hbm>> -> memref<64x128xf32, #tpu.memory_space<hbm>>
      %dma_start3A_81 = arith.constant 0 : i32
      %dma_start3A_82 = arith.constant 0 : i32
      %dma_start3A_83 = tpu.memref_slice %arg10[%dma_start3A_81, %dma_start3A_82] : memref<64x512xf32, #tpu.memory_space<vmem>> -> memref<64x128xf32, #tpu.memory_space<vmem>>
      %dma_start3A_84 = arith.constant 0 : i32
      %dma_start3A_85 = arith.constant 99840 : i32
      %dma_start3A_86 = tpu.memref_slice %arg2[%div3A_16, %dma_start3A_84, %dma_start3A_85] : memref<26x64x100001xf32, #tpu.memory_space<hbm>> -> memref<1x64x128xf32, #tpu.memory_space<hbm>>
      %dma_start3A_87 = tpu.memref_squeeze %dma_start3A_86 : memref<1x64x128xf32, #tpu.memory_space<hbm>> -> memref<64x128xf32, #tpu.memory_space<hbm>>
      tpu.enqueue_dma source(%dma_start3A_87 : memref<64x128xf32, #tpu.memory_space<hbm>>) target(%dma_start3A_83 : memref<64x128xf32, #tpu.memory_space<vmem>>) target_semaphore(%arg15 : memref<!tpu.dma_semaphore, #tpu.memory_space<semaphore_mem>>)
    } else {
    }
    %eq3A_27 = arith.constant 196 : i32
    %eq3A_28 = arith.cmpi eq, %sub3A_19, %eq3A_27 : i32
    %convert_element_type3A_29 = arith.extui %eq3A_28 : i1 to i32
    %cond3A_30 = arith.constant 0 : i32
    %cond3A_31 = arith.cmpi ne, %convert_element_type3A_29, %cond3A_30 : i32
    scf.if %cond3A_31 {
      %dma_start3A = arith.constant 0 : i32
      %dma_start3A_75 = arith.constant 0 : i32
      %dma_start3A_76 = tpu.memref_slice %arg10[%dma_start3A, %dma_start3A_75] : memref<64x512xf32, #tpu.memory_space<vmem>> -> memref<64x128xf32, #tpu.memory_space<vmem>>
      %dma_start3A_77 = arith.constant 0 : i32
      %dma_start3A_78 = arith.constant 0 : i32
      %dma_start3A_79 = tpu.memref_slice %arg4[%div3A_16, %dma_start3A_77, %dma_start3A_78] : memref<26x64x128xf32, #tpu.memory_space<hbm>> -> memref<1x64x128xf32, #tpu.memory_space<hbm>>
      %dma_start3A_80 = tpu.memref_squeeze %dma_start3A_79 : memref<1x64x128xf32, #tpu.memory_space<hbm>> -> memref<64x128xf32, #tpu.memory_space<hbm>>
      %dma_start3A_81 = arith.constant 0 : i32
      %dma_start3A_82 = arith.constant 0 : i32
      %dma_start3A_83 = tpu.memref_slice %arg10[%dma_start3A_81, %dma_start3A_82] : memref<64x512xf32, #tpu.memory_space<vmem>> -> memref<64x128xf32, #tpu.memory_space<vmem>>
      %dma_start3A_84 = arith.constant 0 : i32
      %dma_start3A_85 = arith.constant 0 : i32
      %dma_start3A_86 = tpu.memref_slice %arg4[%div3A_16, %dma_start3A_84, %dma_start3A_85] : memref<26x64x128xf32, #tpu.memory_space<hbm>> -> memref<1x64x128xf32, #tpu.memory_space<hbm>>
      %dma_start3A_87 = tpu.memref_squeeze %dma_start3A_86 : memref<1x64x128xf32, #tpu.memory_space<hbm>> -> memref<64x128xf32, #tpu.memory_space<hbm>>
      tpu.enqueue_dma source(%dma_start3A_87 : memref<64x128xf32, #tpu.memory_space<hbm>>) target(%dma_start3A_83 : memref<64x128xf32, #tpu.memory_space<vmem>>) target_semaphore(%arg15 : memref<!tpu.dma_semaphore, #tpu.memory_space<semaphore_mem>>)
    } else {
    }
    %add3A_32 = arith.constant 1 : i32
    %add3A_33 = arith.addi %div3A_13, %add3A_32 : i32
    %while3A = arith.constant 0 : i32
    %while3A_34 = arith.subi %add3A_33, %div3A_10 : i32
    %while3A_35 = arith.addi %div3A_10, %while3A_34 : i32
    %while3A_36 = arith.constant 1 : i32
    %while3A_37 = arith.divsi %while3A_34, %while3A_36 : i32
    %while3A_38 = arith.muli %while3A_37, %while3A_36 : i32
    %while3A_39 = arith.addi %div3A_10, %while3A_38 : i32
    %while3A_40 = arith.constant 1 : i32
    scf.for %while3A_75 = %div3A_10 to %while3A_39 step %while3A_40  : i32 {
      %sub3A_76 = arith.subi %while3A_75, %div3A_10 : i32
      %mul3A_77 = arith.constant 197 : i32
      %mul3A_78 = arith.muli %while3A_75, %mul3A_77 : i32
      %sub3A_79 = arith.subi %add3A_4, %mul3A_78 : i32
      %max3A = arith.constant 0 : i32
      %max3A_80 = arith.maxsi %sub3A_79, %max3A : i32
      %mul3A_81 = arith.constant 197 : i32
      %mul3A_82 = arith.muli %while3A_75, %mul3A_81 : i32
      %sub3A_83 = arith.subi %add3A_9, %mul3A_82 : i32
      %min3A_84 = arith.constant 197 : i32
      %min3A_85 = arith.minsi %sub3A_83, %min3A_84 : i32
      "tpu.region"() ({
        %run_scoped3A = tpu.sem_alloc : memref<!tpu.dma_semaphore, #tpu.memory_space<semaphore_mem>>
        %dma_start3A = arith.constant 0 : i32
        %dma_start3A_97 = arith.constant 0 : i32
        %dma_start3A_98 = tpu.memref_slice %arg3[%while3A_75, %dma_start3A, %dma_start3A_97] : memref<26x8x512xi32, #tpu.memory_space<hbm>> -> memref<1x8x512xi32, #tpu.memory_space<hbm>>
        %dma_start3A_99 = tpu.memref_squeeze %dma_start3A_98 : memref<1x8x512xi32, #tpu.memory_space<hbm>> -> memref<8x512xi32, #tpu.memory_space<hbm>>
        %dma_start3A_100 = arith.constant 0 : i32
        %dma_start3A_101 = arith.constant 0 : i32
        %dma_start3A_102 = tpu.memref_slice %arg3[%while3A_75, %dma_start3A_100, %dma_start3A_101] : memref<26x8x512xi32, #tpu.memory_space<hbm>> -> memref<1x8x512xi32, #tpu.memory_space<hbm>>
        %dma_start3A_103 = tpu.memref_squeeze %dma_start3A_102 : memref<1x8x512xi32, #tpu.memory_space<hbm>> -> memref<8x512xi32, #tpu.memory_space<hbm>>
        tpu.enqueue_dma source(%dma_start3A_103 : memref<8x512xi32, #tpu.memory_space<hbm>>) target(%arg6 : memref<8x512xi32, #tpu.memory_space<vmem>>) target_semaphore(%run_scoped3A : memref<!tpu.dma_semaphore, #tpu.memory_space<semaphore_mem>>)
        %dma_wait3A = arith.constant 0 : i32
        %dma_wait3A_104 = arith.constant 0 : i32
        %dma_wait3A_105 = tpu.memref_slice %arg3[%while3A_75, %dma_wait3A, %dma_wait3A_104] : memref<26x8x512xi32, #tpu.memory_space<hbm>> -> memref<1x8x512xi32, #tpu.memory_space<hbm>>
        %dma_wait3A_106 = tpu.memref_squeeze %dma_wait3A_105 : memref<1x8x512xi32, #tpu.memory_space<hbm>> -> memref<8x512xi32, #tpu.memory_space<hbm>>
        %dma_wait3A_107 = arith.constant 0 : i32
        %dma_wait3A_108 = arith.constant 0 : i32
        %dma_wait3A_109 = tpu.memref_slice %arg3[%while3A_75, %dma_wait3A_107, %dma_wait3A_108] : memref<26x8x512xi32, #tpu.memory_space<hbm>> -> memref<1x8x512xi32, #tpu.memory_space<hbm>>
        %dma_wait3A_110 = tpu.memref_squeeze %dma_wait3A_109 : memref<1x8x512xi32, #tpu.memory_space<hbm>> -> memref<8x512xi32, #tpu.memory_space<hbm>>
        tpu.wait_dma2 semaphore(%run_scoped3A : memref<!tpu.dma_semaphore, #tpu.memory_space<semaphore_mem>>) src(%dma_wait3A_110 : memref<8x512xi32, #tpu.memory_space<hbm>>) dst(%arg6 : memref<8x512xi32, #tpu.memory_space<vmem>>)
        tpu.yield
      }) : () -> ()
      %scan3A = arith.constant 0 : i32
      %scan3A_86 = arith.constant 0 : i32
      %scan3A_87 = arith.constant 256 : i32
      %scan3A_88 = arith.addi %scan3A_86, %scan3A_87 : i32
      %scan3A_89 = arith.constant 1 : i32
      %scan3A_90 = scf.for %scan3A_97 = %scan3A_86 to %scan3A_88 step %scan3A_89 iter_args(%scan3A_98 = %scan3A) -> (i32)  : i32 {
        %div3A_99 = arith.constant 32 : i32
        %div3A_100 = arith.divsi %scan3A_97, %div3A_99 : i32
        %mul3A_101 = arith.constant 32 : i32
        %mul3A_102 = arith.muli %div3A_100, %mul3A_101 : i32
        %sub3A_103 = arith.subi %scan3A_97, %mul3A_102 : i32
        %mul3A_104 = arith.constant 16 : i32
        %mul3A_105 = arith.muli %sub3A_103, %mul3A_104 : i32
        %get3A = arith.index_cast %div3A_100 : i32 to index
        %get3A_106 = arith.index_cast %mul3A_105 : i32 to index
        %get3A_107 = tpu.vector_load %arg6[%get3A, %get3A_106] {strides = array<i32>} : memref<8x512xi32, #tpu.memory_space<vmem>>, vector<16xi32>,
        %max3A_108 = arith.constant 0 : i32
        %max3A_109 = vector.broadcast %max3A_108 : i32 to vector<16xi32>
        %max3A_110 = arith.maxsi %get3A_107, %max3A_109 : vector<16xi32>
        %min3A_111 = arith.constant 100000 : i32
        %min3A_112 = vector.broadcast %min3A_111 : i32 to vector<16xi32>
        %min3A_113 = arith.minsi %max3A_110, %min3A_112 : vector<16xi32>
        %shift_right_logical3A = arith.constant 9 : i32
        %shift_right_logical3A_114 = vector.broadcast %shift_right_logical3A : i32 to vector<16xi32>
        %shift_right_logical3A_115 = arith.shrui %min3A_113, %shift_right_logical3A_114 : vector<16xi32>
        %ge3A = arith.constant 99968 : i32
        %ge3A_116 = vector.broadcast %ge3A : i32 to vector<16xi32>
        %ge3A_117 = arith.cmpi sge, %min3A_113, %ge3A_116 : vector<16xi32>
        %jit3A_118 = arith.constant 1 : i32
        %jit3A_119 = arith.constant 0 : i32
        %broadcast_in_dim3A_120 = vector.broadcast %jit3A_118 : i32 to vector<16xi32>
        %broadcast_in_dim3A_121 = vector.broadcast %jit3A_119 : i32 to vector<16xi32>
        %select_n3A_122 = arith.select %ge3A_117, %broadcast_in_dim3A_120, %broadcast_in_dim3A_121 : vector<16xi1>, vector<16xi32>
        %add3A_123 = arith.addi %shift_right_logical3A_115, %select_n3A_122 : vector<16xi32>
        %ge3A_124 = vector.broadcast %max3A_80 : i32 to vector<16xi32>
        %ge3A_125 = arith.cmpi sge, %add3A_123, %ge3A_124 : vector<16xi32>
        %lt3A_126 = vector.broadcast %min3A_85 : i32 to vector<16xi32>
        %lt3A_127 = arith.cmpi slt, %add3A_123, %lt3A_126 : vector<16xi32>
        %and3A_128 = arith.andi %ge3A_125, %lt3A_127 : vector<16xi1>
        %mul3A_129 = arith.constant 16 : i32
        %mul3A_130 = arith.muli %scan3A_97, %mul3A_129 : i32
        %add3A_131 = vector.broadcast %mul3A_130 : i32 to vector<16xi32>
        %add3A_132 = arith.addi %add3A_131, %iota3A : vector<16xi32>
        %shift_left3A = arith.constant 17 : i32
        %shift_left3A_133 = vector.broadcast %shift_left3A : i32 to vector<16xi32>
        %shift_left3A_134 = arith.shli %add3A_132, %shift_left3A_133 : vector<16xi32>
        %or3A = arith.ori %min3A_113, %shift_left3A_134 : vector<16xi32>
        %convert_element_type3A_135 = arith.extui %and3A_128 : vector<16xi1> to vector<16xi32>
        %broadcast_in_dim3A_136 = arith.constant true
        %broadcast_in_dim3A_137 = vector.broadcast %broadcast_in_dim3A_136 : i1 to vector<16xi1>
        %masked_cumsum3A = tpu.scan <sum>, %convert_element_type3A_135 masked %broadcast_in_dim3A_137 : vector<16xi32>, vector<16xi1> -> vector<16xi32>
        %sub3A_138 = arith.constant 1 : i32
        %sub3A_139 = vector.broadcast %sub3A_138 : i32 to vector<16xi32>
        %sub3A_140 = arith.subi %masked_cumsum3A, %sub3A_139 : vector<16xi32>
        %mul3A_141 = arith.constant 4112 : i32
        %mul3A_142 = arith.muli %sub3A_76, %mul3A_141 : i32
        %add3A_143 = arith.addi %mul3A_142, %scan3A_98 : i32
        %add3A_144 = vector.broadcast %add3A_143 : i32 to vector<16xi32>
        %add3A_145 = arith.addi %add3A_144, %sub3A_140 : vector<16xi32>
        %jit3A_146 = arith.constant 8224 : i32
        %broadcast_in_dim3A_147 = vector.broadcast %jit3A_146 : i32 to vector<16xi32>
        %select_n3A_148 = arith.select %and3A_128, %add3A_145, %broadcast_in_dim3A_147 : vector<16xi1>, vector<16xi32>
        tpu.vector_store_idx %arg7[%select_n3A_148], %or3A : memref<8240xi32, #tpu.memory_space<vmem>>[vector<16xi32>], vector<16xi32>,
        %reduce_sum3A = arith.constant true
        %reduce_sum3A_149 = vector.broadcast %reduce_sum3A : i1 to vector<16xi1>
        %reduce_sum3A_150 = tpu.scan <sum>, %convert_element_type3A_135 masked %reduce_sum3A_149 : vector<16xi32>, vector<16xi1> -> vector<16xi32>
        %reduce_sum3A_151 = vector.extract %reduce_sum3A_150[15] : i32 from vector<16xi32>
        %add3A_152 = arith.addi %scan3A_98, %reduce_sum3A_151 : i32
        scf.yield %add3A_152 : i32
      }
      %scan3A_91 = arith.constant 256 : i32
      %mul3A_92 = arith.constant 16 : i32
      %mul3A_93 = arith.muli %sub3A_76, %mul3A_92 : i32
      %add3A_94 = arith.constant 14 : i32
      %add3A_95 = arith.addi %mul3A_93, %add3A_94 : i32
      %swap3A = arith.index_cast %add3A_95 : i32 to index
      %swap3A_96 = memref.load %arg14[%swap3A] : memref<64xi32, #tpu.memory_space<smem>>
      memref.store %scan3A_90, %arg14[%swap3A] : memref<64xi32, #tpu.memory_space<smem>>
    }
    %while3A_41 = arith.constant 1 : i32
    scf.for %while3A_75 = %while3A_39 to %while3A_35 step %while3A_41  : i32 {
      %sub3A_76 = arith.subi %while3A_75, %div3A_10 : i32
      %mul3A_77 = arith.constant 197 : i32
      %mul3A_78 = arith.muli %while3A_75, %mul3A_77 : i32
      %sub3A_79 = arith.subi %add3A_4, %mul3A_78 : i32
      %max3A = arith.constant 0 : i32
      %max3A_80 = arith.maxsi %sub3A_79, %max3A : i32
      %mul3A_81 = arith.constant 197 : i32
      %mul3A_82 = arith.muli %while3A_75, %mul3A_81 : i32
      %sub3A_83 = arith.subi %add3A_9, %mul3A_82 : i32
      %min3A_84 = arith.constant 197 : i32
      %min3A_85 = arith.minsi %sub3A_83, %min3A_84 : i32
      "tpu.region"() ({
        %run_scoped3A = tpu.sem_alloc : memref<!tpu.dma_semaphore, #tpu.memory_space<semaphore_mem>>
        %dma_start3A = arith.constant 0 : i32
        %dma_start3A_97 = arith.constant 0 : i32
        %dma_start3A_98 = tpu.memref_slice %arg3[%while3A_75, %dma_start3A, %dma_start3A_97] : memref<26x8x512xi32, #tpu.memory_space<hbm>> -> memref<1x8x512xi32, #tpu.memory_space<hbm>>
        %dma_start3A_99 = tpu.memref_squeeze %dma_start3A_98 : memref<1x8x512xi32, #tpu.memory_space<hbm>> -> memref<8x512xi32, #tpu.memory_space<hbm>>
        %dma_start3A_100 = arith.constant 0 : i32
        %dma_start3A_101 = arith.constant 0 : i32
        %dma_start3A_102 = tpu.memref_slice %arg3[%while3A_75, %dma_start3A_100, %dma_start3A_101] : memref<26x8x512xi32, #tpu.memory_space<hbm>> -> memref<1x8x512xi32, #tpu.memory_space<hbm>>
        %dma_start3A_103 = tpu.memref_squeeze %dma_start3A_102 : memref<1x8x512xi32, #tpu.memory_space<hbm>> -> memref<8x512xi32, #tpu.memory_space<hbm>>
        tpu.enqueue_dma source(%dma_start3A_103 : memref<8x512xi32, #tpu.memory_space<hbm>>) target(%arg6 : memref<8x512xi32, #tpu.memory_space<vmem>>) target_semaphore(%run_scoped3A : memref<!tpu.dma_semaphore, #tpu.memory_space<semaphore_mem>>)
        %dma_wait3A = arith.constant 0 : i32
        %dma_wait3A_104 = arith.constant 0 : i32
        %dma_wait3A_105 = tpu.memref_slice %arg3[%while3A_75, %dma_wait3A, %dma_wait3A_104] : memref<26x8x512xi32, #tpu.memory_space<hbm>> -> memref<1x8x512xi32, #tpu.memory_space<hbm>>
        %dma_wait3A_106 = tpu.memref_squeeze %dma_wait3A_105 : memref<1x8x512xi32, #tpu.memory_space<hbm>> -> memref<8x512xi32, #tpu.memory_space<hbm>>
        %dma_wait3A_107 = arith.constant 0 : i32
        %dma_wait3A_108 = arith.constant 0 : i32
        %dma_wait3A_109 = tpu.memref_slice %arg3[%while3A_75, %dma_wait3A_107, %dma_wait3A_108] : memref<26x8x512xi32, #tpu.memory_space<hbm>> -> memref<1x8x512xi32, #tpu.memory_space<hbm>>
        %dma_wait3A_110 = tpu.memref_squeeze %dma_wait3A_109 : memref<1x8x512xi32, #tpu.memory_space<hbm>> -> memref<8x512xi32, #tpu.memory_space<hbm>>
        tpu.wait_dma2 semaphore(%run_scoped3A : memref<!tpu.dma_semaphore, #tpu.memory_space<semaphore_mem>>) src(%dma_wait3A_110 : memref<8x512xi32, #tpu.memory_space<hbm>>) dst(%arg6 : memref<8x512xi32, #tpu.memory_space<vmem>>)
        tpu.yield
      }) : () -> ()
      %scan3A = arith.constant 0 : i32
      %scan3A_86 = arith.constant 0 : i32
      %scan3A_87 = arith.constant 256 : i32
      %scan3A_88 = arith.addi %scan3A_86, %scan3A_87 : i32
      %scan3A_89 = arith.constant 1 : i32
      %scan3A_90 = scf.for %scan3A_97 = %scan3A_86 to %scan3A_88 step %scan3A_89 iter_args(%scan3A_98 = %scan3A) -> (i32)  : i32 {
        %div3A_99 = arith.constant 32 : i32
        %div3A_100 = arith.divsi %scan3A_97, %div3A_99 : i32
        %mul3A_101 = arith.constant 32 : i32
        %mul3A_102 = arith.muli %div3A_100, %mul3A_101 : i32
        %sub3A_103 = arith.subi %scan3A_97, %mul3A_102 : i32
        %mul3A_104 = arith.constant 16 : i32
        %mul3A_105 = arith.muli %sub3A_103, %mul3A_104 : i32
        %get3A = arith.index_cast %div3A_100 : i32 to index
        %get3A_106 = arith.index_cast %mul3A_105 : i32 to index
        %get3A_107 = tpu.vector_load %arg6[%get3A, %get3A_106] {strides = array<i32>} : memref<8x512xi32, #tpu.memory_space<vmem>>, vector<16xi32>,
        %max3A_108 = arith.constant 0 : i32
        %max3A_109 = vector.broadcast %max3A_108 : i32 to vector<16xi32>
        %max3A_110 = arith.maxsi %get3A_107, %max3A_109 : vector<16xi32>
        %min3A_111 = arith.constant 100000 : i32
        %min3A_112 = vector.broadcast %min3A_111 : i32 to vector<16xi32>
        %min3A_113 = arith.minsi %max3A_110, %min3A_112 : vector<16xi32>
        %shift_right_logical3A = arith.constant 9 : i32
        %shift_right_logical3A_114 = vector.broadcast %shift_right_logical3A : i32 to vector<16xi32>
        %shift_right_logical3A_115 = arith.shrui %min3A_113, %shift_right_logical3A_114 : vector<16xi32>
        %ge3A = arith.constant 99968 : i32
        %ge3A_116 = vector.broadcast %ge3A : i32 to vector<16xi32>
        %ge3A_117 = arith.cmpi sge, %min3A_113, %ge3A_116 : vector<16xi32>
        %jit3A_118 = arith.constant 1 : i32
        %jit3A_119 = arith.constant 0 : i32
        %broadcast_in_dim3A_120 = vector.broadcast %jit3A_118 : i32 to vector<16xi32>
        %broadcast_in_dim3A_121 = vector.broadcast %jit3A_119 : i32 to vector<16xi32>
        %select_n3A_122 = arith.select %ge3A_117, %broadcast_in_dim3A_120, %broadcast_in_dim3A_121 : vector<16xi1>, vector<16xi32>
        %add3A_123 = arith.addi %shift_right_logical3A_115, %select_n3A_122 : vector<16xi32>
        %ge3A_124 = vector.broadcast %max3A_80 : i32 to vector<16xi32>
        %ge3A_125 = arith.cmpi sge, %add3A_123, %ge3A_124 : vector<16xi32>
        %lt3A_126 = vector.broadcast %min3A_85 : i32 to vector<16xi32>
        %lt3A_127 = arith.cmpi slt, %add3A_123, %lt3A_126 : vector<16xi32>
        %and3A_128 = arith.andi %ge3A_125, %lt3A_127 : vector<16xi1>
        %mul3A_129 = arith.constant 16 : i32
        %mul3A_130 = arith.muli %scan3A_97, %mul3A_129 : i32
        %add3A_131 = vector.broadcast %mul3A_130 : i32 to vector<16xi32>
        %add3A_132 = arith.addi %add3A_131, %iota3A : vector<16xi32>
        %shift_left3A = arith.constant 17 : i32
        %shift_left3A_133 = vector.broadcast %shift_left3A : i32 to vector<16xi32>
        %shift_left3A_134 = arith.shli %add3A_132, %shift_left3A_133 : vector<16xi32>
        %or3A = arith.ori %min3A_113, %shift_left3A_134 : vector<16xi32>
        %convert_element_type3A_135 = arith.extui %and3A_128 : vector<16xi1> to vector<16xi32>
        %broadcast_in_dim3A_136 = arith.constant true
        %broadcast_in_dim3A_137 = vector.broadcast %broadcast_in_dim3A_136 : i1 to vector<16xi1>
        %masked_cumsum3A = tpu.scan <sum>, %convert_element_type3A_135 masked %broadcast_in_dim3A_137 : vector<16xi32>, vector<16xi1> -> vector<16xi32>
        %sub3A_138 = arith.constant 1 : i32
        %sub3A_139 = vector.broadcast %sub3A_138 : i32 to vector<16xi32>
        %sub3A_140 = arith.subi %masked_cumsum3A, %sub3A_139 : vector<16xi32>
        %mul3A_141 = arith.constant 4112 : i32
        %mul3A_142 = arith.muli %sub3A_76, %mul3A_141 : i32
        %add3A_143 = arith.addi %mul3A_142, %scan3A_98 : i32
        %add3A_144 = vector.broadcast %add3A_143 : i32 to vector<16xi32>
        %add3A_145 = arith.addi %add3A_144, %sub3A_140 : vector<16xi32>
        %jit3A_146 = arith.constant 8224 : i32
        %broadcast_in_dim3A_147 = vector.broadcast %jit3A_146 : i32 to vector<16xi32>
        %select_n3A_148 = arith.select %and3A_128, %add3A_145, %broadcast_in_dim3A_147 : vector<16xi1>, vector<16xi32>
        tpu.vector_store_idx %arg7[%select_n3A_148], %or3A : memref<8240xi32, #tpu.memory_space<vmem>>[vector<16xi32>], vector<16xi32>,
        %reduce_sum3A = arith.constant true
        %reduce_sum3A_149 = vector.broadcast %reduce_sum3A : i1 to vector<16xi1>
        %reduce_sum3A_150 = tpu.scan <sum>, %convert_element_type3A_135 masked %reduce_sum3A_149 : vector<16xi32>, vector<16xi1> -> vector<16xi32>
        %reduce_sum3A_151 = vector.extract %reduce_sum3A_150[15] : i32 from vector<16xi32>
        %add3A_152 = arith.addi %scan3A_98, %reduce_sum3A_151 : i32
        scf.yield %add3A_152 : i32
      }
      %scan3A_91 = arith.constant 256 : i32
      %mul3A_92 = arith.constant 16 : i32
      %mul3A_93 = arith.muli %sub3A_76, %mul3A_92 : i32
      %add3A_94 = arith.constant 14 : i32
      %add3A_95 = arith.addi %mul3A_93, %add3A_94 : i32
      %swap3A = arith.index_cast %add3A_95 : i32 to index
      %swap3A_96 = memref.load %arg14[%swap3A] : memref<64xi32, #tpu.memory_space<smem>>
      memref.store %scan3A_90, %arg14[%swap3A] : memref<64xi32, #tpu.memory_space<smem>>
    }
    %add3A_42 = arith.constant 1 : i32
    %add3A_43 = arith.addi %div3A_13, %add3A_42 : i32
    %while3A_44 = arith.constant 0 : i32
    %while3A_45 = arith.subi %add3A_43, %div3A_10 : i32
    %while3A_46 = arith.addi %div3A_10, %while3A_45 : i32
    %while3A_47 = arith.constant 1 : i32
    %while3A_48 = arith.divsi %while3A_45, %while3A_47 : i32
    %while3A_49 = arith.muli %while3A_48, %while3A_47 : i32
    %while3A_50 = arith.addi %div3A_10, %while3A_49 : i32
    %while3A_51 = arith.constant 1 : i32
    scf.for %while3A_75 = %div3A_10 to %while3A_50 step %while3A_51  : i32 {
      %sub3A_76 = arith.subi %while3A_75, %div3A_10 : i32
      %mul3A_77 = arith.constant 16 : i32
      %mul3A_78 = arith.muli %sub3A_76, %mul3A_77 : i32
      %add3A_79 = arith.constant 14 : i32
      %add3A_80 = arith.addi %mul3A_78, %add3A_79 : i32
      %get3A = arith.index_cast %add3A_80 : i32 to index
      %get3A_81 = memref.load %arg14[%get3A] : memref<64xi32, #tpu.memory_space<smem>>
      %add3A_82 = arith.constant 15 : i32
      %add3A_83 = arith.addi %get3A_81, %add3A_82 : i32
      %div3A_84 = arith.constant 16 : i32
      %div3A_85 = arith.divsi %add3A_83, %div3A_84 : i32
      %mul3A_86 = arith.constant 4112 : i32
      %mul3A_87 = arith.muli %sub3A_76, %mul3A_86 : i32
      %scan3A = arith.constant 0 : i32
      %scan3A_88 = arith.constant 13 : i32
      %scan3A_89 = arith.addi %scan3A, %scan3A_88 : i32
      %scan3A_90 = arith.constant 1 : i32
      %scan3A_91 = scf.for %scan3A_98 = %scan3A to %scan3A_89 step %scan3A_90 iter_args(%scan3A_99 = %mul3A_87) -> (i32)  : i32 {
        %mul3A_100 = arith.constant 16 : i32
        %mul3A_101 = arith.muli %sub3A_76, %mul3A_100 : i32
        %add3A_102 = arith.addi %mul3A_101, %scan3A_98 : i32
        %swap3A_103 = arith.index_cast %add3A_102 : i32 to index
        %swap3A_104 = memref.load %arg14[%swap3A_103] : memref<64xi32, #tpu.memory_space<smem>>
        memref.store %scan3A_99, %arg14[%swap3A_103] : memref<64xi32, #tpu.memory_space<smem>>
        %while3A_105 = arith.constant 0 : i32
        %while3A_106 = arith.subi %div3A_85, %while3A_105 : i32
        %while3A_107 = arith.addi %while3A_105, %while3A_106 : i32
        %while3A_108 = arith.constant 1 : i32
        %while3A_109 = arith.divsi %while3A_106, %while3A_108 : i32
        %while3A_110 = arith.muli %while3A_109, %while3A_108 : i32
        %while3A_111 = arith.addi %while3A_105, %while3A_110 : i32
        %while3A_112 = arith.constant 1 : i32
        %while3A_113 = scf.for %while3A_116 = %while3A_105 to %while3A_111 step %while3A_112 iter_args(%while3A_117 = %scan3A_99) -> (i32)  : i32 {
          %mul3A_118 = arith.constant 4112 : i32
          %mul3A_119 = arith.muli %sub3A_76, %mul3A_118 : i32
          %mul3A_120 = arith.constant 16 : i32
          %mul3A_121 = arith.muli %while3A_116, %mul3A_120 : i32
          %add3A_122 = arith.addi %mul3A_119, %mul3A_121 : i32
          %get3A_123 = arith.index_cast %add3A_122 : i32 to index
          %get3A_124 = tpu.vector_load %arg7[%get3A_123] {strides = array<i32>} : memref<8240xi32, #tpu.memory_space<vmem>>, vector<16xi32>,
          %and3A_125 = arith.constant 131071 : i32
          %and3A_126 = vector.broadcast %and3A_125 : i32 to vector<16xi32>
          %and3A_127 = arith.andi %get3A_124, %and3A_126 : vector<16xi32>
          %mul3A_128 = arith.constant 16 : i32
          %mul3A_129 = arith.muli %while3A_116, %mul3A_128 : i32
          %add3A_130 = vector.broadcast %mul3A_129 : i32 to vector<16xi32>
          %add3A_131 = arith.addi %add3A_130, %iota3A : vector<16xi32>
          %lt3A_132 = vector.broadcast %get3A_81 : i32 to vector<16xi32>
          %lt3A_133 = arith.cmpi slt, %add3A_131, %lt3A_132 : vector<16xi32>
          %shift_right_logical3A = arith.constant 9 : i32
          %shift_right_logical3A_134 = vector.broadcast %shift_right_logical3A : i32 to vector<16xi32>
          %shift_right_logical3A_135 = arith.shrui %and3A_127, %shift_right_logical3A_134 : vector<16xi32>
          %ge3A = arith.constant 99968 : i32
          %ge3A_136 = vector.broadcast %ge3A : i32 to vector<16xi32>
          %ge3A_137 = arith.cmpi sge, %and3A_127, %ge3A_136 : vector<16xi32>
          %jit3A_138 = arith.constant 1 : i32
          %jit3A_139 = arith.constant 0 : i32
          %broadcast_in_dim3A_140 = vector.broadcast %jit3A_138 : i32 to vector<16xi32>
          %broadcast_in_dim3A_141 = vector.broadcast %jit3A_139 : i32 to vector<16xi32>
          %select_n3A_142 = arith.select %ge3A_137, %broadcast_in_dim3A_140, %broadcast_in_dim3A_141 : vector<16xi1>, vector<16xi32>
          %add3A_143 = arith.addi %shift_right_logical3A_135, %select_n3A_142 : vector<16xi32>
          %shift_right_logical3A_144 = arith.constant 4 : i32
          %shift_right_logical3A_145 = vector.broadcast %shift_right_logical3A_144 : i32 to vector<16xi32>
          %shift_right_logical3A_146 = arith.shrui %add3A_143, %shift_right_logical3A_145 : vector<16xi32>
          %eq3A_147 = vector.broadcast %scan3A_98 : i32 to vector<16xi32>
          %eq3A_148 = arith.cmpi eq, %shift_right_logical3A_146, %eq3A_147 : vector<16xi32>
          %and3A_149 = arith.andi %lt3A_133, %eq3A_148 : vector<16xi1>
          %convert_element_type3A_150 = arith.extui %and3A_149 : vector<16xi1> to vector<16xi32>
          %broadcast_in_dim3A_151 = arith.constant true
          %broadcast_in_dim3A_152 = vector.broadcast %broadcast_in_dim3A_151 : i1 to vector<16xi1>
          %masked_cumsum3A = tpu.scan <sum>, %convert_element_type3A_150 masked %broadcast_in_dim3A_152 : vector<16xi32>, vector<16xi1> -> vector<16xi32>
          %sub3A_153 = arith.constant 1 : i32
          %sub3A_154 = vector.broadcast %sub3A_153 : i32 to vector<16xi32>
          %sub3A_155 = arith.subi %masked_cumsum3A, %sub3A_154 : vector<16xi32>
          %add3A_156 = vector.broadcast %while3A_117 : i32 to vector<16xi32>
          %add3A_157 = arith.addi %add3A_156, %sub3A_155 : vector<16xi32>
          %jit3A_158 = arith.constant 8224 : i32
          %broadcast_in_dim3A_159 = vector.broadcast %jit3A_158 : i32 to vector<16xi32>
          %select_n3A_160 = arith.select %and3A_149, %add3A_157, %broadcast_in_dim3A_159 : vector<16xi1>, vector<16xi32>
          tpu.vector_store_idx %arg8[%select_n3A_160], %get3A_124 : memref<8240xi32, #tpu.memory_space<vmem>>[vector<16xi32>], vector<16xi32>,
          %reduce_sum3A = arith.constant true
          %reduce_sum3A_161 = vector.broadcast %reduce_sum3A : i1 to vector<16xi1>
          %reduce_sum3A_162 = tpu.scan <sum>, %convert_element_type3A_150 masked %reduce_sum3A_161 : vector<16xi32>, vector<16xi1> -> vector<16xi32>
          %reduce_sum3A_163 = vector.extract %reduce_sum3A_162[15] : i32 from vector<16xi32>
          %add3A_164 = arith.addi %while3A_117, %reduce_sum3A_163 : i32
          scf.yield %add3A_164 : i32
        }
        %while3A_114 = arith.constant 1 : i32
        %while3A_115 = scf.for %while3A_116 = %while3A_111 to %while3A_107 step %while3A_114 iter_args(%while3A_117 = %while3A_113) -> (i32)  : i32 {
          %mul3A_118 = arith.constant 4112 : i32
          %mul3A_119 = arith.muli %sub3A_76, %mul3A_118 : i32
          %mul3A_120 = arith.constant 16 : i32
          %mul3A_121 = arith.muli %while3A_116, %mul3A_120 : i32
          %add3A_122 = arith.addi %mul3A_119, %mul3A_121 : i32
          %get3A_123 = arith.index_cast %add3A_122 : i32 to index
          %get3A_124 = tpu.vector_load %arg7[%get3A_123] {strides = array<i32>} : memref<8240xi32, #tpu.memory_space<vmem>>, vector<16xi32>,
          %and3A_125 = arith.constant 131071 : i32
          %and3A_126 = vector.broadcast %and3A_125 : i32 to vector<16xi32>
          %and3A_127 = arith.andi %get3A_124, %and3A_126 : vector<16xi32>
          %mul3A_128 = arith.constant 16 : i32
          %mul3A_129 = arith.muli %while3A_116, %mul3A_128 : i32
          %add3A_130 = vector.broadcast %mul3A_129 : i32 to vector<16xi32>
          %add3A_131 = arith.addi %add3A_130, %iota3A : vector<16xi32>
          %lt3A_132 = vector.broadcast %get3A_81 : i32 to vector<16xi32>
          %lt3A_133 = arith.cmpi slt, %add3A_131, %lt3A_132 : vector<16xi32>
          %shift_right_logical3A = arith.constant 9 : i32
          %shift_right_logical3A_134 = vector.broadcast %shift_right_logical3A : i32 to vector<16xi32>
          %shift_right_logical3A_135 = arith.shrui %and3A_127, %shift_right_logical3A_134 : vector<16xi32>
          %ge3A = arith.constant 99968 : i32
          %ge3A_136 = vector.broadcast %ge3A : i32 to vector<16xi32>
          %ge3A_137 = arith.cmpi sge, %and3A_127, %ge3A_136 : vector<16xi32>
          %jit3A_138 = arith.constant 1 : i32
          %jit3A_139 = arith.constant 0 : i32
          %broadcast_in_dim3A_140 = vector.broadcast %jit3A_138 : i32 to vector<16xi32>
          %broadcast_in_dim3A_141 = vector.broadcast %jit3A_139 : i32 to vector<16xi32>
          %select_n3A_142 = arith.select %ge3A_137, %broadcast_in_dim3A_140, %broadcast_in_dim3A_141 : vector<16xi1>, vector<16xi32>
          %add3A_143 = arith.addi %shift_right_logical3A_135, %select_n3A_142 : vector<16xi32>
          %shift_right_logical3A_144 = arith.constant 4 : i32
          %shift_right_logical3A_145 = vector.broadcast %shift_right_logical3A_144 : i32 to vector<16xi32>
          %shift_right_logical3A_146 = arith.shrui %add3A_143, %shift_right_logical3A_145 : vector<16xi32>
          %eq3A_147 = vector.broadcast %scan3A_98 : i32 to vector<16xi32>
          %eq3A_148 = arith.cmpi eq, %shift_right_logical3A_146, %eq3A_147 : vector<16xi32>
          %and3A_149 = arith.andi %lt3A_133, %eq3A_148 : vector<16xi1>
          %convert_element_type3A_150 = arith.extui %and3A_149 : vector<16xi1> to vector<16xi32>
          %broadcast_in_dim3A_151 = arith.constant true
          %broadcast_in_dim3A_152 = vector.broadcast %broadcast_in_dim3A_151 : i1 to vector<16xi1>
          %masked_cumsum3A = tpu.scan <sum>, %convert_element_type3A_150 masked %broadcast_in_dim3A_152 : vector<16xi32>, vector<16xi1> -> vector<16xi32>
          %sub3A_153 = arith.constant 1 : i32
          %sub3A_154 = vector.broadcast %sub3A_153 : i32 to vector<16xi32>
          %sub3A_155 = arith.subi %masked_cumsum3A, %sub3A_154 : vector<16xi32>
          %add3A_156 = vector.broadcast %while3A_117 : i32 to vector<16xi32>
          %add3A_157 = arith.addi %add3A_156, %sub3A_155 : vector<16xi32>
          %jit3A_158 = arith.constant 8224 : i32
          %broadcast_in_dim3A_159 = vector.broadcast %jit3A_158 : i32 to vector<16xi32>
          %select_n3A_160 = arith.select %and3A_149, %add3A_157, %broadcast_in_dim3A_159 : vector<16xi1>, vector<16xi32>
          tpu.vector_store_idx %arg8[%select_n3A_160], %get3A_124 : memref<8240xi32, #tpu.memory_space<vmem>>[vector<16xi32>], vector<16xi32>,
          %reduce_sum3A = arith.constant true
          %reduce_sum3A_161 = vector.broadcast %reduce_sum3A : i1 to vector<16xi1>
          %reduce_sum3A_162 = tpu.scan <sum>, %convert_element_type3A_150 masked %reduce_sum3A_161 : vector<16xi32>, vector<16xi1> -> vector<16xi32>
          %reduce_sum3A_163 = vector.extract %reduce_sum3A_162[15] : i32 from vector<16xi32>
          %add3A_164 = arith.addi %while3A_117, %reduce_sum3A_163 : i32
          scf.yield %add3A_164 : i32
        }
        scf.yield %while3A_115 : i32
      }
      %scan3A_92 = arith.constant 13 : i32
      %mul3A_93 = arith.constant 16 : i32
      %mul3A_94 = arith.muli %sub3A_76, %mul3A_93 : i32
      %add3A_95 = arith.constant 13 : i32
      %add3A_96 = arith.addi %mul3A_94, %add3A_95 : i32
      %swap3A = arith.index_cast %add3A_96 : i32 to index
      %swap3A_97 = memref.load %arg14[%swap3A] : memref<64xi32, #tpu.memory_space<smem>>
      memref.store %scan3A_91, %arg14[%swap3A] : memref<64xi32, #tpu.memory_space<smem>>
    }
    %while3A_52 = arith.constant 1 : i32
    scf.for %while3A_75 = %while3A_50 to %while3A_46 step %while3A_52  : i32 {
      %sub3A_76 = arith.subi %while3A_75, %div3A_10 : i32
      %mul3A_77 = arith.constant 16 : i32
      %mul3A_78 = arith.muli %sub3A_76, %mul3A_77 : i32
      %add3A_79 = arith.constant 14 : i32
      %add3A_80 = arith.addi %mul3A_78, %add3A_79 : i32
      %get3A = arith.index_cast %add3A_80 : i32 to index
      %get3A_81 = memref.load %arg14[%get3A] : memref<64xi32, #tpu.memory_space<smem>>
      %add3A_82 = arith.constant 15 : i32
      %add3A_83 = arith.addi %get3A_81, %add3A_82 : i32
      %div3A_84 = arith.constant 16 : i32
      %div3A_85 = arith.divsi %add3A_83, %div3A_84 : i32
      %mul3A_86 = arith.constant 4112 : i32
      %mul3A_87 = arith.muli %sub3A_76, %mul3A_86 : i32
      %scan3A = arith.constant 0 : i32
      %scan3A_88 = arith.constant 13 : i32
      %scan3A_89 = arith.addi %scan3A, %scan3A_88 : i32
      %scan3A_90 = arith.constant 1 : i32
      %scan3A_91 = scf.for %scan3A_98 = %scan3A to %scan3A_89 step %scan3A_90 iter_args(%scan3A_99 = %mul3A_87) -> (i32)  : i32 {
        %mul3A_100 = arith.constant 16 : i32
        %mul3A_101 = arith.muli %sub3A_76, %mul3A_100 : i32
        %add3A_102 = arith.addi %mul3A_101, %scan3A_98 : i32
        %swap3A_103 = arith.index_cast %add3A_102 : i32 to index
        %swap3A_104 = memref.load %arg14[%swap3A_103] : memref<64xi32, #tpu.memory_space<smem>>
        memref.store %scan3A_99, %arg14[%swap3A_103] : memref<64xi32, #tpu.memory_space<smem>>
        %while3A_105 = arith.constant 0 : i32
        %while3A_106 = arith.subi %div3A_85, %while3A_105 : i32
        %while3A_107 = arith.addi %while3A_105, %while3A_106 : i32
        %while3A_108 = arith.constant 1 : i32
        %while3A_109 = arith.divsi %while3A_106, %while3A_108 : i32
        %while3A_110 = arith.muli %while3A_109, %while3A_108 : i32
        %while3A_111 = arith.addi %while3A_105, %while3A_110 : i32
        %while3A_112 = arith.constant 1 : i32
        %while3A_113 = scf.for %while3A_116 = %while3A_105 to %while3A_111 step %while3A_112 iter_args(%while3A_117 = %scan3A_99) -> (i32)  : i32 {
          %mul3A_118 = arith.constant 4112 : i32
          %mul3A_119 = arith.muli %sub3A_76, %mul3A_118 : i32
          %mul3A_120 = arith.constant 16 : i32
          %mul3A_121 = arith.muli %while3A_116, %mul3A_120 : i32
          %add3A_122 = arith.addi %mul3A_119, %mul3A_121 : i32
          %get3A_123 = arith.index_cast %add3A_122 : i32 to index
          %get3A_124 = tpu.vector_load %arg7[%get3A_123] {strides = array<i32>} : memref<8240xi32, #tpu.memory_space<vmem>>, vector<16xi32>,
          %and3A_125 = arith.constant 131071 : i32
          %and3A_126 = vector.broadcast %and3A_125 : i32 to vector<16xi32>
          %and3A_127 = arith.andi %get3A_124, %and3A_126 : vector<16xi32>
          %mul3A_128 = arith.constant 16 : i32
          %mul3A_129 = arith.muli %while3A_116, %mul3A_128 : i32
          %add3A_130 = vector.broadcast %mul3A_129 : i32 to vector<16xi32>
          %add3A_131 = arith.addi %add3A_130, %iota3A : vector<16xi32>
          %lt3A_132 = vector.broadcast %get3A_81 : i32 to vector<16xi32>
          %lt3A_133 = arith.cmpi slt, %add3A_131, %lt3A_132 : vector<16xi32>
          %shift_right_logical3A = arith.constant 9 : i32
          %shift_right_logical3A_134 = vector.broadcast %shift_right_logical3A : i32 to vector<16xi32>
          %shift_right_logical3A_135 = arith.shrui %and3A_127, %shift_right_logical3A_134 : vector<16xi32>
          %ge3A = arith.constant 99968 : i32
          %ge3A_136 = vector.broadcast %ge3A : i32 to vector<16xi32>
          %ge3A_137 = arith.cmpi sge, %and3A_127, %ge3A_136 : vector<16xi32>
          %jit3A_138 = arith.constant 1 : i32
          %jit3A_139 = arith.constant 0 : i32
          %broadcast_in_dim3A_140 = vector.broadcast %jit3A_138 : i32 to vector<16xi32>
          %broadcast_in_dim3A_141 = vector.broadcast %jit3A_139 : i32 to vector<16xi32>
          %select_n3A_142 = arith.select %ge3A_137, %broadcast_in_dim3A_140, %broadcast_in_dim3A_141 : vector<16xi1>, vector<16xi32>
          %add3A_143 = arith.addi %shift_right_logical3A_135, %select_n3A_142 : vector<16xi32>
          %shift_right_logical3A_144 = arith.constant 4 : i32
          %shift_right_logical3A_145 = vector.broadcast %shift_right_logical3A_144 : i32 to vector<16xi32>
          %shift_right_logical3A_146 = arith.shrui %add3A_143, %shift_right_logical3A_145 : vector<16xi32>
          %eq3A_147 = vector.broadcast %scan3A_98 : i32 to vector<16xi32>
          %eq3A_148 = arith.cmpi eq, %shift_right_logical3A_146, %eq3A_147 : vector<16xi32>
          %and3A_149 = arith.andi %lt3A_133, %eq3A_148 : vector<16xi1>
          %convert_element_type3A_150 = arith.extui %and3A_149 : vector<16xi1> to vector<16xi32>
          %broadcast_in_dim3A_151 = arith.constant true
          %broadcast_in_dim3A_152 = vector.broadcast %broadcast_in_dim3A_151 : i1 to vector<16xi1>
          %masked_cumsum3A = tpu.scan <sum>, %convert_element_type3A_150 masked %broadcast_in_dim3A_152 : vector<16xi32>, vector<16xi1> -> vector<16xi32>
          %sub3A_153 = arith.constant 1 : i32
          %sub3A_154 = vector.broadcast %sub3A_153 : i32 to vector<16xi32>
          %sub3A_155 = arith.subi %masked_cumsum3A, %sub3A_154 : vector<16xi32>
          %add3A_156 = vector.broadcast %while3A_117 : i32 to vector<16xi32>
          %add3A_157 = arith.addi %add3A_156, %sub3A_155 : vector<16xi32>
          %jit3A_158 = arith.constant 8224 : i32
          %broadcast_in_dim3A_159 = vector.broadcast %jit3A_158 : i32 to vector<16xi32>
          %select_n3A_160 = arith.select %and3A_149, %add3A_157, %broadcast_in_dim3A_159 : vector<16xi1>, vector<16xi32>
          tpu.vector_store_idx %arg8[%select_n3A_160], %get3A_124 : memref<8240xi32, #tpu.memory_space<vmem>>[vector<16xi32>], vector<16xi32>,
          %reduce_sum3A = arith.constant true
          %reduce_sum3A_161 = vector.broadcast %reduce_sum3A : i1 to vector<16xi1>
          %reduce_sum3A_162 = tpu.scan <sum>, %convert_element_type3A_150 masked %reduce_sum3A_161 : vector<16xi32>, vector<16xi1> -> vector<16xi32>
          %reduce_sum3A_163 = vector.extract %reduce_sum3A_162[15] : i32 from vector<16xi32>
          %add3A_164 = arith.addi %while3A_117, %reduce_sum3A_163 : i32
          scf.yield %add3A_164 : i32
        }
        %while3A_114 = arith.constant 1 : i32
        %while3A_115 = scf.for %while3A_116 = %while3A_111 to %while3A_107 step %while3A_114 iter_args(%while3A_117 = %while3A_113) -> (i32)  : i32 {
          %mul3A_118 = arith.constant 4112 : i32
          %mul3A_119 = arith.muli %sub3A_76, %mul3A_118 : i32
          %mul3A_120 = arith.constant 16 : i32
          %mul3A_121 = arith.muli %while3A_116, %mul3A_120 : i32
          %add3A_122 = arith.addi %mul3A_119, %mul3A_121 : i32
          %get3A_123 = arith.index_cast %add3A_122 : i32 to index
          %get3A_124 = tpu.vector_load %arg7[%get3A_123] {strides = array<i32>} : memref<8240xi32, #tpu.memory_space<vmem>>, vector<16xi32>,
          %and3A_125 = arith.constant 131071 : i32
          %and3A_126 = vector.broadcast %and3A_125 : i32 to vector<16xi32>
          %and3A_127 = arith.andi %get3A_124, %and3A_126 : vector<16xi32>
          %mul3A_128 = arith.constant 16 : i32
          %mul3A_129 = arith.muli %while3A_116, %mul3A_128 : i32
          %add3A_130 = vector.broadcast %mul3A_129 : i32 to vector<16xi32>
          %add3A_131 = arith.addi %add3A_130, %iota3A : vector<16xi32>
          %lt3A_132 = vector.broadcast %get3A_81 : i32 to vector<16xi32>
          %lt3A_133 = arith.cmpi slt, %add3A_131, %lt3A_132 : vector<16xi32>
          %shift_right_logical3A = arith.constant 9 : i32
          %shift_right_logical3A_134 = vector.broadcast %shift_right_logical3A : i32 to vector<16xi32>
          %shift_right_logical3A_135 = arith.shrui %and3A_127, %shift_right_logical3A_134 : vector<16xi32>
          %ge3A = arith.constant 99968 : i32
          %ge3A_136 = vector.broadcast %ge3A : i32 to vector<16xi32>
          %ge3A_137 = arith.cmpi sge, %and3A_127, %ge3A_136 : vector<16xi32>
          %jit3A_138 = arith.constant 1 : i32
          %jit3A_139 = arith.constant 0 : i32
          %broadcast_in_dim3A_140 = vector.broadcast %jit3A_138 : i32 to vector<16xi32>
          %broadcast_in_dim3A_141 = vector.broadcast %jit3A_139 : i32 to vector<16xi32>
          %select_n3A_142 = arith.select %ge3A_137, %broadcast_in_dim3A_140, %broadcast_in_dim3A_141 : vector<16xi1>, vector<16xi32>
          %add3A_143 = arith.addi %shift_right_logical3A_135, %select_n3A_142 : vector<16xi32>
          %shift_right_logical3A_144 = arith.constant 4 : i32
          %shift_right_logical3A_145 = vector.broadcast %shift_right_logical3A_144 : i32 to vector<16xi32>
          %shift_right_logical3A_146 = arith.shrui %add3A_143, %shift_right_logical3A_145 : vector<16xi32>
          %eq3A_147 = vector.broadcast %scan3A_98 : i32 to vector<16xi32>
          %eq3A_148 = arith.cmpi eq, %shift_right_logical3A_146, %eq3A_147 : vector<16xi32>
          %and3A_149 = arith.andi %lt3A_133, %eq3A_148 : vector<16xi1>
          %convert_element_type3A_150 = arith.extui %and3A_149 : vector<16xi1> to vector<16xi32>
          %broadcast_in_dim3A_151 = arith.constant true
          %broadcast_in_dim3A_152 = vector.broadcast %broadcast_in_dim3A_151 : i1 to vector<16xi1>
          %masked_cumsum3A = tpu.scan <sum>, %convert_element_type3A_150 masked %broadcast_in_dim3A_152 : vector<16xi32>, vector<16xi1> -> vector<16xi32>
          %sub3A_153 = arith.constant 1 : i32
          %sub3A_154 = vector.broadcast %sub3A_153 : i32 to vector<16xi32>
          %sub3A_155 = arith.subi %masked_cumsum3A, %sub3A_154 : vector<16xi32>
          %add3A_156 = vector.broadcast %while3A_117 : i32 to vector<16xi32>
          %add3A_157 = arith.addi %add3A_156, %sub3A_155 : vector<16xi32>
          %jit3A_158 = arith.constant 8224 : i32
          %broadcast_in_dim3A_159 = vector.broadcast %jit3A_158 : i32 to vector<16xi32>
          %select_n3A_160 = arith.select %and3A_149, %add3A_157, %broadcast_in_dim3A_159 : vector<16xi1>, vector<16xi32>
          tpu.vector_store_idx %arg8[%select_n3A_160], %get3A_124 : memref<8240xi32, #tpu.memory_space<vmem>>[vector<16xi32>], vector<16xi32>,
          %reduce_sum3A = arith.constant true
          %reduce_sum3A_161 = vector.broadcast %reduce_sum3A : i1 to vector<16xi1>
          %reduce_sum3A_162 = tpu.scan <sum>, %convert_element_type3A_150 masked %reduce_sum3A_161 : vector<16xi32>, vector<16xi1> -> vector<16xi32>
          %reduce_sum3A_163 = vector.extract %reduce_sum3A_162[15] : i32 from vector<16xi32>
          %add3A_164 = arith.addi %while3A_117, %reduce_sum3A_163 : i32
          scf.yield %add3A_164 : i32
        }
        scf.yield %while3A_115 : i32
      }
      %scan3A_92 = arith.constant 13 : i32
      %mul3A_93 = arith.constant 16 : i32
      %mul3A_94 = arith.muli %sub3A_76, %mul3A_93 : i32
      %add3A_95 = arith.constant 13 : i32
      %add3A_96 = arith.addi %mul3A_94, %add3A_95 : i32
      %swap3A = arith.index_cast %add3A_96 : i32 to index
      %swap3A_97 = memref.load %arg14[%swap3A] : memref<64xi32, #tpu.memory_space<smem>>
      memref.store %scan3A_91, %arg14[%swap3A] : memref<64xi32, #tpu.memory_space<smem>>
    }
    %sub3A_53 = arith.subi %add3A_9, %add3A_4 : i32
    %add3A_54 = arith.constant 1 : i32
    %add3A_55 = arith.addi %sub3A_53, %add3A_54 : i32
    %div3A_56 = arith.constant 2 : i32
    %div3A_57 = arith.divsi %add3A_55, %div3A_56 : i32
    %while3A_58 = arith.constant 0 : i32
    %while3A_59 = arith.constant 0 : i32
    %while3A_60 = arith.subi %div3A_57, %while3A_58 : i32
    %while3A_61 = arith.addi %while3A_58, %while3A_60 : i32
    %while3A_62 = arith.constant 1 : i32
    %while3A_63 = arith.divsi %while3A_60, %while3A_62 : i32
    %while3A_64 = arith.muli %while3A_63, %while3A_62 : i32
    %while3A_65 = arith.addi %while3A_58, %while3A_64 : i32
    %while3A_66 = arith.constant 1 : i32
    %while3A_67 = scf.for %while3A_75 = %while3A_58 to %while3A_65 step %while3A_66 iter_args(%while3A_76 = %while3A_59) -> (i32)  : i32 {
      %mul3A_77 = arith.constant 2 : i32
      %mul3A_78 = arith.muli %mul3A_77, %while3A_75 : i32
      %add3A_79 = arith.addi %add3A_4, %mul3A_78 : i32
      %add3A_80 = arith.constant 1 : i32
      %add3A_81 = arith.addi %add3A_79, %add3A_80 : i32
      %div3A_82 = arith.constant 197 : i32
      %div3A_83 = arith.divsi %add3A_79, %div3A_82 : i32
      %mul3A_84 = arith.constant 197 : i32
      %mul3A_85 = arith.muli %div3A_83, %mul3A_84 : i32
      %sub3A_86 = arith.subi %add3A_79, %mul3A_85 : i32
      %lt3A_87 = arith.constant 195 : i32
      %lt3A_88 = arith.cmpi slt, %sub3A_86, %lt3A_87 : i32
      %convert_element_type3A_89 = arith.extui %lt3A_88 : i1 to i32
      %cond3A_90 = arith.constant 0 : i32
      %cond3A_91 = arith.cmpi ne, %convert_element_type3A_89, %cond3A_90 : i32
      scf.if %cond3A_91 {
        %mul3A_226 = arith.constant 512 : i32
        %mul3A_227 = arith.muli %sub3A_86, %mul3A_226 : i32
        %dma_wait3A = arith.constant 0 : i32
        %dma_wait3A_228 = tpu.memref_slice %arg2[%div3A_83, %dma_wait3A, %mul3A_227] : memref<26x64x100001xf32, #tpu.memory_space<hbm>> -> memref<1x64x512xf32, #tpu.memory_space<hbm>>
        %dma_wait3A_229 = tpu.memref_squeeze %dma_wait3A_228 : memref<1x64x512xf32, #tpu.memory_space<hbm>> -> memref<64x512xf32, #tpu.memory_space<hbm>>
        %dma_wait3A_230 = arith.constant 0 : i32
        %dma_wait3A_231 = tpu.memref_slice %arg2[%div3A_83, %dma_wait3A_230, %mul3A_227] : memref<26x64x100001xf32, #tpu.memory_space<hbm>> -> memref<1x64x512xf32, #tpu.memory_space<hbm>>
        %dma_wait3A_232 = tpu.memref_squeeze %dma_wait3A_231 : memref<1x64x512xf32, #tpu.memory_space<hbm>> -> memref<64x512xf32, #tpu.memory_space<hbm>>
        tpu.wait_dma2 semaphore(%arg15 : memref<!tpu.dma_semaphore, #tpu.memory_space<semaphore_mem>>) src(%dma_wait3A_232 : memref<64x512xf32, #tpu.memory_space<hbm>>) dst(%arg10 : memref<64x512xf32, #tpu.memory_space<vmem>>)
      } else {
      }
      %ge3A = arith.constant 195 : i32
      %ge3A_92 = arith.cmpi sge, %sub3A_86, %ge3A : i32
      %convert_element_type3A_93 = arith.extui %ge3A_92 : i1 to i32
      %cond3A_94 = arith.constant 0 : i32
      %cond3A_95 = arith.cmpi ne, %convert_element_type3A_93, %cond3A_94 : i32
      scf.if %cond3A_95 {
        %dma_wait3A = arith.constant 0 : i32
        %dma_wait3A_226 = arith.constant 0 : i32
        %dma_wait3A_227 = tpu.memref_slice %arg10[%dma_wait3A, %dma_wait3A_226] : memref<64x512xf32, #tpu.memory_space<vmem>> -> memref<64x128xf32, #tpu.memory_space<vmem>>
        %dma_wait3A_228 = arith.constant 0 : i32
        %dma_wait3A_229 = arith.constant 0 : i32
        %dma_wait3A_230 = tpu.memref_slice %arg4[%div3A_83, %dma_wait3A_228, %dma_wait3A_229] : memref<26x64x128xf32, #tpu.memory_space<hbm>> -> memref<1x64x128xf32, #tpu.memory_space<hbm>>
        %dma_wait3A_231 = tpu.memref_squeeze %dma_wait3A_230 : memref<1x64x128xf32, #tpu.memory_space<hbm>> -> memref<64x128xf32, #tpu.memory_space<hbm>>
        %dma_wait3A_232 = arith.constant 0 : i32
        %dma_wait3A_233 = arith.constant 0 : i32
        %dma_wait3A_234 = tpu.memref_slice %arg10[%dma_wait3A_232, %dma_wait3A_233] : memref<64x512xf32, #tpu.memory_space<vmem>> -> memref<64x128xf32, #tpu.memory_space<vmem>>
        %dma_wait3A_235 = arith.constant 0 : i32
        %dma_wait3A_236 = arith.constant 0 : i32
        %dma_wait3A_237 = tpu.memref_slice %arg4[%div3A_83, %dma_wait3A_235, %dma_wait3A_236] : memref<26x64x128xf32, #tpu.memory_space<hbm>> -> memref<1x64x128xf32, #tpu.memory_space<hbm>>
        %dma_wait3A_238 = tpu.memref_squeeze %dma_wait3A_237 : memref<1x64x128xf32, #tpu.memory_space<hbm>> -> memref<64x128xf32, #tpu.memory_space<hbm>>
        tpu.wait_dma2 semaphore(%arg15 : memref<!tpu.dma_semaphore, #tpu.memory_space<semaphore_mem>>) src(%dma_wait3A_238 : memref<64x128xf32, #tpu.memory_space<hbm>>) dst(%dma_wait3A_234 : memref<64x128xf32, #tpu.memory_space<vmem>>)
      } else {
      }
      %lt3A_96 = arith.cmpi slt, %add3A_81, %add3A_9 : i32
      %convert_element_type3A_97 = arith.extui %lt3A_96 : i1 to i32
      %cond3A_98 = arith.constant 0 : i32
      %cond3A_99 = arith.cmpi ne, %convert_element_type3A_97, %cond3A_98 : i32
      scf.if %cond3A_99 {
        %div3A_226 = arith.constant 197 : i32
        %div3A_227 = arith.divsi %add3A_81, %div3A_226 : i32
        %mul3A_228 = arith.constant 197 : i32
        %mul3A_229 = arith.muli %div3A_227, %mul3A_228 : i32
        %sub3A_230 = arith.subi %add3A_81, %mul3A_229 : i32
        %lt3A_231 = arith.constant 195 : i32
        %lt3A_232 = arith.cmpi slt, %sub3A_230, %lt3A_231 : i32
        %convert_element_type3A_233 = arith.extui %lt3A_232 : i1 to i32
        %cond3A_234 = arith.constant 0 : i32
        %cond3A_235 = arith.cmpi ne, %convert_element_type3A_233, %cond3A_234 : i32
        scf.if %cond3A_235 {
          %mul3A_246 = arith.constant 512 : i32
          %mul3A_247 = arith.muli %sub3A_230, %mul3A_246 : i32
          %dma_start3A = arith.constant 0 : i32
          %dma_start3A_248 = tpu.memref_slice %arg2[%div3A_227, %dma_start3A, %mul3A_247] : memref<26x64x100001xf32, #tpu.memory_space<hbm>> -> memref<1x64x512xf32, #tpu.memory_space<hbm>>
          %dma_start3A_249 = tpu.memref_squeeze %dma_start3A_248 : memref<1x64x512xf32, #tpu.memory_space<hbm>> -> memref<64x512xf32, #tpu.memory_space<hbm>>
          %dma_start3A_250 = arith.constant 0 : i32
          %dma_start3A_251 = tpu.memref_slice %arg2[%div3A_227, %dma_start3A_250, %mul3A_247] : memref<26x64x100001xf32, #tpu.memory_space<hbm>> -> memref<1x64x512xf32, #tpu.memory_space<hbm>>
          %dma_start3A_252 = tpu.memref_squeeze %dma_start3A_251 : memref<1x64x512xf32, #tpu.memory_space<hbm>> -> memref<64x512xf32, #tpu.memory_space<hbm>>
          tpu.enqueue_dma source(%dma_start3A_252 : memref<64x512xf32, #tpu.memory_space<hbm>>) target(%arg11 : memref<64x512xf32, #tpu.memory_space<vmem>>) target_semaphore(%arg16 : memref<!tpu.dma_semaphore, #tpu.memory_space<semaphore_mem>>)
        } else {
        }
        %eq3A_236 = arith.constant 195 : i32
        %eq3A_237 = arith.cmpi eq, %sub3A_230, %eq3A_236 : i32
        %convert_element_type3A_238 = arith.extui %eq3A_237 : i1 to i32
        %cond3A_239 = arith.constant 0 : i32
        %cond3A_240 = arith.cmpi ne, %convert_element_type3A_238, %cond3A_239 : i32
        scf.if %cond3A_240 {
          %dma_start3A = arith.constant 0 : i32
          %dma_start3A_246 = arith.constant 0 : i32
          %dma_start3A_247 = tpu.memref_slice %arg11[%dma_start3A, %dma_start3A_246] : memref<64x512xf32, #tpu.memory_space<vmem>> -> memref<64x128xf32, #tpu.memory_space<vmem>>
          %dma_start3A_248 = arith.constant 0 : i32
          %dma_start3A_249 = arith.constant 99840 : i32
          %dma_start3A_250 = tpu.memref_slice %arg2[%div3A_227, %dma_start3A_248, %dma_start3A_249] : memref<26x64x100001xf32, #tpu.memory_space<hbm>> -> memref<1x64x128xf32, #tpu.memory_space<hbm>>
          %dma_start3A_251 = tpu.memref_squeeze %dma_start3A_250 : memref<1x64x128xf32, #tpu.memory_space<hbm>> -> memref<64x128xf32, #tpu.memory_space<hbm>>
          %dma_start3A_252 = arith.constant 0 : i32
          %dma_start3A_253 = arith.constant 0 : i32
          %dma_start3A_254 = tpu.memref_slice %arg11[%dma_start3A_252, %dma_start3A_253] : memref<64x512xf32, #tpu.memory_space<vmem>> -> memref<64x128xf32, #tpu.memory_space<vmem>>
          %dma_start3A_255 = arith.constant 0 : i32
          %dma_start3A_256 = arith.constant 99840 : i32
          %dma_start3A_257 = tpu.memref_slice %arg2[%div3A_227, %dma_start3A_255, %dma_start3A_256] : memref<26x64x100001xf32, #tpu.memory_space<hbm>> -> memref<1x64x128xf32, #tpu.memory_space<hbm>>
          %dma_start3A_258 = tpu.memref_squeeze %dma_start3A_257 : memref<1x64x128xf32, #tpu.memory_space<hbm>> -> memref<64x128xf32, #tpu.memory_space<hbm>>
          tpu.enqueue_dma source(%dma_start3A_258 : memref<64x128xf32, #tpu.memory_space<hbm>>) target(%dma_start3A_254 : memref<64x128xf32, #tpu.memory_space<vmem>>) target_semaphore(%arg16 : memref<!tpu.dma_semaphore, #tpu.memory_space<semaphore_mem>>)
        } else {
        }
        %eq3A_241 = arith.constant 196 : i32
        %eq3A_242 = arith.cmpi eq, %sub3A_230, %eq3A_241 : i32
        %convert_element_type3A_243 = arith.extui %eq3A_242 : i1 to i32
        %cond3A_244 = arith.constant 0 : i32
        %cond3A_245 = arith.cmpi ne, %convert_element_type3A_243, %cond3A_244 : i32
        scf.if %cond3A_245 {
          %dma_start3A = arith.constant 0 : i32
          %dma_start3A_246 = arith.constant 0 : i32
          %dma_start3A_247 = tpu.memref_slice %arg11[%dma_start3A, %dma_start3A_246] : memref<64x512xf32, #tpu.memory_space<vmem>> -> memref<64x128xf32, #tpu.memory_space<vmem>>
          %dma_start3A_248 = arith.constant 0 : i32
          %dma_start3A_249 = arith.constant 0 : i32
          %dma_start3A_250 = tpu.memref_slice %arg4[%div3A_227, %dma_start3A_248, %dma_start3A_249] : memref<26x64x128xf32, #tpu.memory_space<hbm>> -> memref<1x64x128xf32, #tpu.memory_space<hbm>>
          %dma_start3A_251 = tpu.memref_squeeze %dma_start3A_250 : memref<1x64x128xf32, #tpu.memory_space<hbm>> -> memref<64x128xf32, #tpu.memory_space<hbm>>
          %dma_start3A_252 = arith.constant 0 : i32
          %dma_start3A_253 = arith.constant 0 : i32
          %dma_start3A_254 = tpu.memref_slice %arg11[%dma_start3A_252, %dma_start3A_253] : memref<64x512xf32, #tpu.memory_space<vmem>> -> memref<64x128xf32, #tpu.memory_space<vmem>>
          %dma_start3A_255 = arith.constant 0 : i32
          %dma_start3A_256 = arith.constant 0 : i32
          %dma_start3A_257 = tpu.memref_slice %arg4[%div3A_227, %dma_start3A_255, %dma_start3A_256] : memref<26x64x128xf32, #tpu.memory_space<hbm>> -> memref<1x64x128xf32, #tpu.memory_space<hbm>>
          %dma_start3A_258 = tpu.memref_squeeze %dma_start3A_257 : memref<1x64x128xf32, #tpu.memory_space<hbm>> -> memref<64x128xf32, #tpu.memory_space<hbm>>
          tpu.enqueue_dma source(%dma_start3A_258 : memref<64x128xf32, #tpu.memory_space<hbm>>) target(%dma_start3A_254 : memref<64x128xf32, #tpu.memory_space<vmem>>) target_semaphore(%arg16 : memref<!tpu.dma_semaphore, #tpu.memory_space<semaphore_mem>>)
        } else {
        }
      } else {
      }
      %lt3A_100 = arith.cmpi slt, %add3A_79, %add3A_9 : i32
      %div3A_101 = arith.constant 197 : i32
      %div3A_102 = arith.divsi %add3A_79, %div3A_101 : i32
      %mul3A_103 = arith.constant 197 : i32
      %mul3A_104 = arith.muli %div3A_102, %mul3A_103 : i32
      %sub3A_105 = arith.subi %add3A_79, %mul3A_104 : i32
      %sub3A_106 = arith.subi %div3A_102, %div3A_10 : i32
      %min3A_107 = arith.constant 1 : i32
      %min3A_108 = arith.minsi %sub3A_106, %min3A_107 : i32
      %shift_right_logical3A = arith.constant 4 : i32
      %shift_right_logical3A_109 = arith.shrui %sub3A_105, %shift_right_logical3A : i32
      %mul3A_110 = arith.constant 16 : i32
      %mul3A_111 = arith.muli %min3A_108, %mul3A_110 : i32
      %add3A_112 = arith.addi %mul3A_111, %shift_right_logical3A_109 : i32
      %get3A = arith.index_cast %add3A_112 : i32 to index
      %get3A_113 = memref.load %arg14[%get3A] : memref<64xi32, #tpu.memory_space<smem>>
      %mul3A_114 = arith.constant 16 : i32
      %mul3A_115 = arith.muli %min3A_108, %mul3A_114 : i32
      %add3A_116 = arith.addi %mul3A_115, %shift_right_logical3A_109 : i32
      %add3A_117 = arith.constant 1 : i32
      %add3A_118 = arith.addi %add3A_116, %add3A_117 : i32
      %get3A_119 = arith.index_cast %add3A_118 : i32 to index
      %get3A_120 = memref.load %arg14[%get3A_119] : memref<64xi32, #tpu.memory_space<smem>>
      %sub3A_121 = arith.subi %get3A_120, %get3A_113 : i32
      %jit3A_122 = arith.constant 0 : i32
      %select_n3A_123 = arith.select %lt3A_100, %sub3A_121, %jit3A_122 : i32
      %add3A_124 = arith.constant 15 : i32
      %add3A_125 = arith.addi %select_n3A_123, %add3A_124 : i32
      %div3A_126 = arith.constant 16 : i32
      %div3A_127 = arith.divsi %add3A_125, %div3A_126 : i32
      %while3A_128 = arith.constant 0 : i32
      %while3A_129 = arith.constant 0 : i32
      %while3A_130 = arith.subi %div3A_127, %while3A_128 : i32
      %while3A_131 = arith.addi %while3A_128, %while3A_130 : i32
      %while3A_132 = arith.constant 1 : i32
      %while3A_133 = arith.divsi %while3A_130, %while3A_132 : i32
      %while3A_134 = arith.muli %while3A_133, %while3A_132 : i32
      %while3A_135 = arith.addi %while3A_128, %while3A_134 : i32
      %while3A_136 = arith.constant 1 : i32
      %while3A_137 = scf.for %while3A_226 = %while3A_128 to %while3A_135 step %while3A_136 iter_args(%while3A_227 = %while3A_129) -> (i32)  : i32 {
        %mul3A_228 = arith.constant 16 : i32
        %mul3A_229 = arith.muli %while3A_226, %mul3A_228 : i32
        %add3A_230 = arith.addi %get3A_113, %mul3A_229 : i32
        %get3A_231 = arith.index_cast %add3A_230 : i32 to index
        %get3A_232 = tpu.vector_load %arg8[%get3A_231] {strides = array<i32>} : memref<8240xi32, #tpu.memory_space<vmem>>, vector<16xi32>,
        %and3A_233 = arith.constant 131071 : i32
        %and3A_234 = vector.broadcast %and3A_233 : i32 to vector<16xi32>
        %and3A_235 = arith.andi %get3A_232, %and3A_234 : vector<16xi32>
        %mul3A_236 = arith.constant 16 : i32
        %mul3A_237 = arith.muli %while3A_226, %mul3A_236 : i32
        %add3A_238 = vector.broadcast %mul3A_237 : i32 to vector<16xi32>
        %add3A_239 = arith.addi %add3A_238, %iota3A : vector<16xi32>
        %lt3A_240 = vector.broadcast %select_n3A_123 : i32 to vector<16xi32>
        %lt3A_241 = arith.cmpi slt, %add3A_239, %lt3A_240 : vector<16xi32>
        %shift_right_logical3A_242 = arith.constant 9 : i32
        %shift_right_logical3A_243 = vector.broadcast %shift_right_logical3A_242 : i32 to vector<16xi32>
        %shift_right_logical3A_244 = arith.shrui %and3A_235, %shift_right_logical3A_243 : vector<16xi32>
        %ge3A_245 = arith.constant 99968 : i32
        %ge3A_246 = vector.broadcast %ge3A_245 : i32 to vector<16xi32>
        %ge3A_247 = arith.cmpi sge, %and3A_235, %ge3A_246 : vector<16xi32>
        %jit3A_248 = arith.constant 1 : i32
        %jit3A_249 = arith.constant 0 : i32
        %broadcast_in_dim3A_250 = vector.broadcast %jit3A_248 : i32 to vector<16xi32>
        %broadcast_in_dim3A_251 = vector.broadcast %jit3A_249 : i32 to vector<16xi32>
        %select_n3A_252 = arith.select %ge3A_247, %broadcast_in_dim3A_250, %broadcast_in_dim3A_251 : vector<16xi1>, vector<16xi32>
        %add3A_253 = arith.addi %shift_right_logical3A_244, %select_n3A_252 : vector<16xi32>
        %eq3A_254 = vector.broadcast %sub3A_105 : i32 to vector<16xi32>
        %eq3A_255 = arith.cmpi eq, %add3A_253, %eq3A_254 : vector<16xi32>
        %and3A_256 = arith.andi %lt3A_241, %eq3A_255 : vector<16xi1>
        %convert_element_type3A_257 = arith.extui %and3A_256 : vector<16xi1> to vector<16xi32>
        %broadcast_in_dim3A_258 = arith.constant true
        %broadcast_in_dim3A_259 = vector.broadcast %broadcast_in_dim3A_258 : i1 to vector<16xi1>
        %masked_cumsum3A = tpu.scan <sum>, %convert_element_type3A_257 masked %broadcast_in_dim3A_259 : vector<16xi32>, vector<16xi1> -> vector<16xi32>
        %sub3A_260 = arith.constant 1 : i32
        %sub3A_261 = vector.broadcast %sub3A_260 : i32 to vector<16xi32>
        %sub3A_262 = arith.subi %masked_cumsum3A, %sub3A_261 : vector<16xi32>
        %add3A_263 = vector.broadcast %while3A_227 : i32 to vector<16xi32>
        %add3A_264 = arith.addi %add3A_263, %sub3A_262 : vector<16xi32>
        %jit3A_265 = arith.constant 4112 : i32
        %broadcast_in_dim3A_266 = vector.broadcast %jit3A_265 : i32 to vector<16xi32>
        %select_n3A_267 = arith.select %and3A_256, %add3A_264, %broadcast_in_dim3A_266 : vector<16xi1>, vector<16xi32>
        tpu.vector_store_idx %arg9[%select_n3A_267], %get3A_232 : memref<4128xi32, #tpu.memory_space<vmem>>[vector<16xi32>], vector<16xi32>,
        %reduce_sum3A = arith.constant true
        %reduce_sum3A_268 = vector.broadcast %reduce_sum3A : i1 to vector<16xi1>
        %reduce_sum3A_269 = tpu.scan <sum>, %convert_element_type3A_257 masked %reduce_sum3A_268 : vector<16xi32>, vector<16xi1> -> vector<16xi32>
        %reduce_sum3A_270 = vector.extract %reduce_sum3A_269[15] : i32 from vector<16xi32>
        %add3A_271 = arith.addi %while3A_227, %reduce_sum3A_270 : i32
        scf.yield %add3A_271 : i32
      }
      %while3A_138 = arith.constant 1 : i32
      %while3A_139 = scf.for %while3A_226 = %while3A_135 to %while3A_131 step %while3A_138 iter_args(%while3A_227 = %while3A_137) -> (i32)  : i32 {
        %mul3A_228 = arith.constant 16 : i32
        %mul3A_229 = arith.muli %while3A_226, %mul3A_228 : i32
        %add3A_230 = arith.addi %get3A_113, %mul3A_229 : i32
        %get3A_231 = arith.index_cast %add3A_230 : i32 to index
        %get3A_232 = tpu.vector_load %arg8[%get3A_231] {strides = array<i32>} : memref<8240xi32, #tpu.memory_space<vmem>>, vector<16xi32>,
        %and3A_233 = arith.constant 131071 : i32
        %and3A_234 = vector.broadcast %and3A_233 : i32 to vector<16xi32>
        %and3A_235 = arith.andi %get3A_232, %and3A_234 : vector<16xi32>
        %mul3A_236 = arith.constant 16 : i32
        %mul3A_237 = arith.muli %while3A_226, %mul3A_236 : i32
        %add3A_238 = vector.broadcast %mul3A_237 : i32 to vector<16xi32>
        %add3A_239 = arith.addi %add3A_238, %iota3A : vector<16xi32>
        %lt3A_240 = vector.broadcast %select_n3A_123 : i32 to vector<16xi32>
        %lt3A_241 = arith.cmpi slt, %add3A_239, %lt3A_240 : vector<16xi32>
        %shift_right_logical3A_242 = arith.constant 9 : i32
        %shift_right_logical3A_243 = vector.broadcast %shift_right_logical3A_242 : i32 to vector<16xi32>
        %shift_right_logical3A_244 = arith.shrui %and3A_235, %shift_right_logical3A_243 : vector<16xi32>
        %ge3A_245 = arith.constant 99968 : i32
        %ge3A_246 = vector.broadcast %ge3A_245 : i32 to vector<16xi32>
        %ge3A_247 = arith.cmpi sge, %and3A_235, %ge3A_246 : vector<16xi32>
        %jit3A_248 = arith.constant 1 : i32
        %jit3A_249 = arith.constant 0 : i32
        %broadcast_in_dim3A_250 = vector.broadcast %jit3A_248 : i32 to vector<16xi32>
        %broadcast_in_dim3A_251 = vector.broadcast %jit3A_249 : i32 to vector<16xi32>
        %select_n3A_252 = arith.select %ge3A_247, %broadcast_in_dim3A_250, %broadcast_in_dim3A_251 : vector<16xi1>, vector<16xi32>
        %add3A_253 = arith.addi %shift_right_logical3A_244, %select_n3A_252 : vector<16xi32>
        %eq3A_254 = vector.broadcast %sub3A_105 : i32 to vector<16xi32>
        %eq3A_255 = arith.cmpi eq, %add3A_253, %eq3A_254 : vector<16xi32>
        %and3A_256 = arith.andi %lt3A_241, %eq3A_255 : vector<16xi1>
        %convert_element_type3A_257 = arith.extui %and3A_256 : vector<16xi1> to vector<16xi32>
        %broadcast_in_dim3A_258 = arith.constant true
        %broadcast_in_dim3A_259 = vector.broadcast %broadcast_in_dim3A_258 : i1 to vector<16xi1>
        %masked_cumsum3A = tpu.scan <sum>, %convert_element_type3A_257 masked %broadcast_in_dim3A_259 : vector<16xi32>, vector<16xi1> -> vector<16xi32>
        %sub3A_260 = arith.constant 1 : i32
        %sub3A_261 = vector.broadcast %sub3A_260 : i32 to vector<16xi32>
        %sub3A_262 = arith.subi %masked_cumsum3A, %sub3A_261 : vector<16xi32>
        %add3A_263 = vector.broadcast %while3A_227 : i32 to vector<16xi32>
        %add3A_264 = arith.addi %add3A_263, %sub3A_262 : vector<16xi32>
        %jit3A_265 = arith.constant 4112 : i32
        %broadcast_in_dim3A_266 = vector.broadcast %jit3A_265 : i32 to vector<16xi32>
        %select_n3A_267 = arith.select %and3A_256, %add3A_264, %broadcast_in_dim3A_266 : vector<16xi1>, vector<16xi32>
        tpu.vector_store_idx %arg9[%select_n3A_267], %get3A_232 : memref<4128xi32, #tpu.memory_space<vmem>>[vector<16xi32>], vector<16xi32>,
        %reduce_sum3A = arith.constant true
        %reduce_sum3A_268 = vector.broadcast %reduce_sum3A : i1 to vector<16xi1>
        %reduce_sum3A_269 = tpu.scan <sum>, %convert_element_type3A_257 masked %reduce_sum3A_268 : vector<16xi32>, vector<16xi1> -> vector<16xi32>
        %reduce_sum3A_270 = vector.extract %reduce_sum3A_269[15] : i32 from vector<16xi32>
        %add3A_271 = arith.addi %while3A_227, %reduce_sum3A_270 : i32
        scf.yield %add3A_271 : i32
      }
      %eq3A_140 = arith.constant 196 : i32
      %eq3A_141 = arith.cmpi eq, %sub3A_105, %eq3A_140 : i32
      %mul3A_142 = arith.constant 512 : i32
      %mul3A_143 = arith.muli %sub3A_105, %mul3A_142 : i32
      %jit3A_144 = arith.constant 99968 : i32
      %select_n3A_145 = arith.select %eq3A_141, %jit3A_144, %mul3A_143 : i32
      %while3A_146 = arith.constant 0 : i32
      %while3A_147 = arith.subi %while3A_139, %while3A_146 : i32
      %while3A_148 = arith.addi %while3A_146, %while3A_147 : i32
      %while3A_149 = arith.constant 1 : i32
      %while3A_150 = arith.divsi %while3A_147, %while3A_149 : i32
      %while3A_151 = arith.muli %while3A_150, %while3A_149 : i32
      %while3A_152 = arith.addi %while3A_146, %while3A_151 : i32
      %while3A_153 = arith.constant 1 : i32
      %while3A_154 = scf.for %while3A_226 = %while3A_146 to %while3A_152 step %while3A_153 iter_args(%while3A_227 = %while3A_76) -> (i32)  : i32 {
        %broadcast_in_dim3A_228 = vector.broadcast %while3A_226 : i32 to vector<16xi32>
        %gather3A = tpu.vector_load_idx %arg9[%broadcast_in_dim3A_228] : memref<4128xi32, #tpu.memory_space<vmem>>[vector<16xi32>], vector<16xi32>,
        %and3A_229 = arith.constant 131071 : i32
        %and3A_230 = vector.broadcast %and3A_229 : i32 to vector<16xi32>
        %and3A_231 = arith.andi %gather3A, %and3A_230 : vector<16xi32>
        %sub3A_232 = vector.broadcast %select_n3A_145 : i32 to vector<16xi32>
        %sub3A_233 = arith.subi %and3A_231, %sub3A_232 : vector<16xi32>
        %shift_right_logical3A_234 = arith.constant 17 : i32
        %shift_right_logical3A_235 = vector.broadcast %shift_right_logical3A_234 : i32 to vector<16xi32>
        %shift_right_logical3A_236 = arith.shrui %gather3A, %shift_right_logical3A_235 : vector<16xi32>
        %mul3A_237 = arith.constant 26 : i32
        %mul3A_238 = vector.broadcast %mul3A_237 : i32 to vector<16xi32>
        %mul3A_239 = arith.muli %shift_right_logical3A_236, %mul3A_238 : vector<16xi32>
        %add3A_240 = vector.broadcast %div3A_102 : i32 to vector<16xi32>
        %add3A_241 = arith.addi %mul3A_239, %add3A_240 : vector<16xi32>
        %and3A_242 = arith.constant 127 : i32
        %and3A_243 = arith.andi %while3A_227, %and3A_242 : i32
        %add3A_244 = arith.constant 0 : i32
        %add3A_245 = vector.broadcast %add3A_244 : i32 to vector<16xi32>
        %add3A_246 = arith.addi %iota3A, %add3A_245 : vector<16xi32>
        %gather3A_247 = tpu.vector_load_idx %arg10[%add3A_246, %sub3A_233] : memref<64x512xf32, #tpu.memory_space<vmem>>[vector<16xi32>, vector<16xi32>], vector<16xf32>,
        %swap3A = arith.index_cast %and3A_243 : i32 to index
        %swap3A_248 = arith.constant 0 : index
        %swap3A_249 = tpu.vector_load %arg12[%swap3A, %swap3A_248] {strides = array<i32>} : memref<128x128xf32, #tpu.memory_space<vmem>>, vector<16xf32>,
        tpu.vector_store %arg12[%swap3A, %swap3A_248], %gather3A_247 {strides = array<i32>} : memref<128x128xf32, #tpu.memory_space<vmem>>, vector<16xf32>,
        %add3A_250 = arith.constant 16 : i32
        %add3A_251 = vector.broadcast %add3A_250 : i32 to vector<16xi32>
        %add3A_252 = arith.addi %iota3A, %add3A_251 : vector<16xi32>
        %gather3A_253 = tpu.vector_load_idx %arg10[%add3A_252, %sub3A_233] : memref<64x512xf32, #tpu.memory_space<vmem>>[vector<16xi32>, vector<16xi32>], vector<16xf32>,
        %swap3A_254 = arith.index_cast %and3A_243 : i32 to index
        %swap3A_255 = arith.constant 16 : index
        %swap3A_256 = tpu.vector_load %arg12[%swap3A_254, %swap3A_255] {strides = array<i32>} : memref<128x128xf32, #tpu.memory_space<vmem>>, vector<16xf32>,
        tpu.vector_store %arg12[%swap3A_254, %swap3A_255], %gather3A_253 {strides = array<i32>} : memref<128x128xf32, #tpu.memory_space<vmem>>, vector<16xf32>,
        %add3A_257 = arith.constant 32 : i32
        %add3A_258 = vector.broadcast %add3A_257 : i32 to vector<16xi32>
        %add3A_259 = arith.addi %iota3A, %add3A_258 : vector<16xi32>
        %gather3A_260 = tpu.vector_load_idx %arg10[%add3A_259, %sub3A_233] : memref<64x512xf32, #tpu.memory_space<vmem>>[vector<16xi32>, vector<16xi32>], vector<16xf32>,
        %swap3A_261 = arith.index_cast %and3A_243 : i32 to index
        %swap3A_262 = arith.constant 32 : index
        %swap3A_263 = tpu.vector_load %arg12[%swap3A_261, %swap3A_262] {strides = array<i32>} : memref<128x128xf32, #tpu.memory_space<vmem>>, vector<16xf32>,
        tpu.vector_store %arg12[%swap3A_261, %swap3A_262], %gather3A_260 {strides = array<i32>} : memref<128x128xf32, #tpu.memory_space<vmem>>, vector<16xf32>,
        %add3A_264 = arith.constant 48 : i32
        %add3A_265 = vector.broadcast %add3A_264 : i32 to vector<16xi32>
        %add3A_266 = arith.addi %iota3A, %add3A_265 : vector<16xi32>
        %gather3A_267 = tpu.vector_load_idx %arg10[%add3A_266, %sub3A_233] : memref<64x512xf32, #tpu.memory_space<vmem>>[vector<16xi32>, vector<16xi32>], vector<16xf32>,
        %swap3A_268 = arith.index_cast %and3A_243 : i32 to index
        %swap3A_269 = arith.constant 48 : index
        %swap3A_270 = tpu.vector_load %arg12[%swap3A_268, %swap3A_269] {strides = array<i32>} : memref<128x128xf32, #tpu.memory_space<vmem>>, vector<16xf32>,
        tpu.vector_store %arg12[%swap3A_268, %swap3A_269], %gather3A_267 {strides = array<i32>} : memref<128x128xf32, #tpu.memory_space<vmem>>, vector<16xf32>,
        %broadcast_in_dim3A_271 = vector.broadcast %and3A_243 : i32 to vector<16xi32>
        tpu.vector_store_idx %arg13[%broadcast_in_dim3A_14, %broadcast_in_dim3A_271], %add3A_241 : memref<1x128xi32, #tpu.memory_space<vmem>>[vector<16xi32>, vector<16xi32>], vector<16xi32>,
        %eq3A_272 = arith.constant 127 : i32
        %eq3A_273 = arith.cmpi eq, %and3A_243, %eq3A_272 : i32
        %convert_element_type3A_274 = arith.extui %eq3A_273 : i1 to i32
        %cond3A_275 = arith.constant 0 : i32
        %cond3A_276 = arith.cmpi ne, %convert_element_type3A_274, %cond3A_275 : i32
        scf.if %cond3A_276 {
          %dma_start3A = arith.constant 0 : i32
          %dma_start3A_279 = arith.constant 0 : i32
          %dma_start3A_280 = tpu.memref_slice %arg13[%dma_start3A, %dma_start3A_279] : memref<1x128xi32, #tpu.memory_space<vmem>> -> memref<1x128xi32, #tpu.memory_space<vmem>>
          %dma_start3A_281 = tpu.memref_squeeze %dma_start3A_280 : memref<1x128xi32, #tpu.memory_space<vmem>> -> memref<128xi32, #tpu.memory_space<vmem>>
          %dma_start3A_282 = arith.constant 0 : i32
          %dma_start3A_283 = arith.constant 0 : i32
          %dma_start3A_284 = tpu.memref_slice %arg5[%dma_start3A_282, %dma_start3A_283] : memref<106496x128xf32, #tpu.memory_space<hbm>> -> memref<106496x128xf32, #tpu.memory_space<hbm>>
          tpu.enqueue_indirect_dma source(%arg12 : memref<128x128xf32, #tpu.memory_space<vmem>>) target(%dma_start3A_284 : memref<106496x128xf32, #tpu.memory_space<hbm>>) offsets(%dma_start3A_281 : memref<128xi32, #tpu.memory_space<vmem>>) semaphore(%arg17 : memref<!tpu.dma_semaphore, #tpu.memory_space<semaphore_mem>>)
          %dma_wait3A = arith.constant 0 : i32
          %dma_wait3A_285 = arith.constant 0 : i32
          %dma_wait3A_286 = tpu.memref_slice %arg13[%dma_wait3A, %dma_wait3A_285] : memref<1x128xi32, #tpu.memory_space<vmem>> -> memref<1x128xi32, #tpu.memory_space<vmem>>
          %dma_wait3A_287 = tpu.memref_squeeze %dma_wait3A_286 : memref<1x128xi32, #tpu.memory_space<vmem>> -> memref<128xi32, #tpu.memory_space<vmem>>
          %dma_wait3A_288 = arith.constant 0 : i32
          %dma_wait3A_289 = arith.constant 0 : i32
          %dma_wait3A_290 = tpu.memref_slice %arg5[%dma_wait3A_288, %dma_wait3A_289] : memref<106496x128xf32, #tpu.memory_space<hbm>> -> memref<106496x128xf32, #tpu.memory_space<hbm>>
          tpu.wait_indirect_dma semaphore(%arg17 : memref<!tpu.dma_semaphore, #tpu.memory_space<semaphore_mem>>) src(%arg12 : memref<128x128xf32, #tpu.memory_space<vmem>>) dst(%dma_wait3A_290 : memref<106496x128xf32, #tpu.memory_space<hbm>>)
        } else {
        }
        %add3A_277 = arith.constant 1 : i32
        %add3A_278 = arith.addi %while3A_227, %add3A_277 : i32
        scf.yield %add3A_278 : i32
      }
      %while3A_155 = arith.constant 1 : i32
      %while3A_156 = scf.for %while3A_226 = %while3A_152 to %while3A_148 step %while3A_155 iter_args(%while3A_227 = %while3A_154) -> (i32)  : i32 {
        %broadcast_in_dim3A_228 = vector.broadcast %while3A_226 : i32 to vector<16xi32>
        %gather3A = tpu.vector_load_idx %arg9[%broadcast_in_dim3A_228] : memref<4128xi32, #tpu.memory_space<vmem>>[vector<16xi32>], vector<16xi32>,
        %and3A_229 = arith.constant 131071 : i32
        %and3A_230 = vector.broadcast %and3A_229 : i32 to vector<16xi32>
        %and3A_231 = arith.andi %gather3A, %and3A_230 : vector<16xi32>
        %sub3A_232 = vector.broadcast %select_n3A_145 : i32 to vector<16xi32>
        %sub3A_233 = arith.subi %and3A_231, %sub3A_232 : vector<16xi32>
        %shift_right_logical3A_234 = arith.constant 17 : i32
        %shift_right_logical3A_235 = vector.broadcast %shift_right_logical3A_234 : i32 to vector<16xi32>
        %shift_right_logical3A_236 = arith.shrui %gather3A, %shift_right_logical3A_235 : vector<16xi32>
        %mul3A_237 = arith.constant 26 : i32
        %mul3A_238 = vector.broadcast %mul3A_237 : i32 to vector<16xi32>
        %mul3A_239 = arith.muli %shift_right_logical3A_236, %mul3A_238 : vector<16xi32>
        %add3A_240 = vector.broadcast %div3A_102 : i32 to vector<16xi32>
        %add3A_241 = arith.addi %mul3A_239, %add3A_240 : vector<16xi32>
        %and3A_242 = arith.constant 127 : i32
        %and3A_243 = arith.andi %while3A_227, %and3A_242 : i32
        %add3A_244 = arith.constant 0 : i32
        %add3A_245 = vector.broadcast %add3A_244 : i32 to vector<16xi32>
        %add3A_246 = arith.addi %iota3A, %add3A_245 : vector<16xi32>
        %gather3A_247 = tpu.vector_load_idx %arg10[%add3A_246, %sub3A_233] : memref<64x512xf32, #tpu.memory_space<vmem>>[vector<16xi32>, vector<16xi32>], vector<16xf32>,
        %swap3A = arith.index_cast %and3A_243 : i32 to index
        %swap3A_248 = arith.constant 0 : index
        %swap3A_249 = tpu.vector_load %arg12[%swap3A, %swap3A_248] {strides = array<i32>} : memref<128x128xf32, #tpu.memory_space<vmem>>, vector<16xf32>,
        tpu.vector_store %arg12[%swap3A, %swap3A_248], %gather3A_247 {strides = array<i32>} : memref<128x128xf32, #tpu.memory_space<vmem>>, vector<16xf32>,
        %add3A_250 = arith.constant 16 : i32
        %add3A_251 = vector.broadcast %add3A_250 : i32 to vector<16xi32>
        %add3A_252 = arith.addi %iota3A, %add3A_251 : vector<16xi32>
        %gather3A_253 = tpu.vector_load_idx %arg10[%add3A_252, %sub3A_233] : memref<64x512xf32, #tpu.memory_space<vmem>>[vector<16xi32>, vector<16xi32>], vector<16xf32>,
        %swap3A_254 = arith.index_cast %and3A_243 : i32 to index
        %swap3A_255 = arith.constant 16 : index
        %swap3A_256 = tpu.vector_load %arg12[%swap3A_254, %swap3A_255] {strides = array<i32>} : memref<128x128xf32, #tpu.memory_space<vmem>>, vector<16xf32>,
        tpu.vector_store %arg12[%swap3A_254, %swap3A_255], %gather3A_253 {strides = array<i32>} : memref<128x128xf32, #tpu.memory_space<vmem>>, vector<16xf32>,
        %add3A_257 = arith.constant 32 : i32
        %add3A_258 = vector.broadcast %add3A_257 : i32 to vector<16xi32>
        %add3A_259 = arith.addi %iota3A, %add3A_258 : vector<16xi32>
        %gather3A_260 = tpu.vector_load_idx %arg10[%add3A_259, %sub3A_233] : memref<64x512xf32, #tpu.memory_space<vmem>>[vector<16xi32>, vector<16xi32>], vector<16xf32>,
        %swap3A_261 = arith.index_cast %and3A_243 : i32 to index
        %swap3A_262 = arith.constant 32 : index
        %swap3A_263 = tpu.vector_load %arg12[%swap3A_261, %swap3A_262] {strides = array<i32>} : memref<128x128xf32, #tpu.memory_space<vmem>>, vector<16xf32>,
        tpu.vector_store %arg12[%swap3A_261, %swap3A_262], %gather3A_260 {strides = array<i32>} : memref<128x128xf32, #tpu.memory_space<vmem>>, vector<16xf32>,
        %add3A_264 = arith.constant 48 : i32
        %add3A_265 = vector.broadcast %add3A_264 : i32 to vector<16xi32>
        %add3A_266 = arith.addi %iota3A, %add3A_265 : vector<16xi32>
        %gather3A_267 = tpu.vector_load_idx %arg10[%add3A_266, %sub3A_233] : memref<64x512xf32, #tpu.memory_space<vmem>>[vector<16xi32>, vector<16xi32>], vector<16xf32>,
        %swap3A_268 = arith.index_cast %and3A_243 : i32 to index
        %swap3A_269 = arith.constant 48 : index
        %swap3A_270 = tpu.vector_load %arg12[%swap3A_268, %swap3A_269] {strides = array<i32>} : memref<128x128xf32, #tpu.memory_space<vmem>>, vector<16xf32>,
        tpu.vector_store %arg12[%swap3A_268, %swap3A_269], %gather3A_267 {strides = array<i32>} : memref<128x128xf32, #tpu.memory_space<vmem>>, vector<16xf32>,
        %broadcast_in_dim3A_271 = vector.broadcast %and3A_243 : i32 to vector<16xi32>
        tpu.vector_store_idx %arg13[%broadcast_in_dim3A_14, %broadcast_in_dim3A_271], %add3A_241 : memref<1x128xi32, #tpu.memory_space<vmem>>[vector<16xi32>, vector<16xi32>], vector<16xi32>,
        %eq3A_272 = arith.constant 127 : i32
        %eq3A_273 = arith.cmpi eq, %and3A_243, %eq3A_272 : i32
        %convert_element_type3A_274 = arith.extui %eq3A_273 : i1 to i32
        %cond3A_275 = arith.constant 0 : i32
        %cond3A_276 = arith.cmpi ne, %convert_element_type3A_274, %cond3A_275 : i32
        scf.if %cond3A_276 {
          %dma_start3A = arith.constant 0 : i32
          %dma_start3A_279 = arith.constant 0 : i32
          %dma_start3A_280 = tpu.memref_slice %arg13[%dma_start3A, %dma_start3A_279] : memref<1x128xi32, #tpu.memory_space<vmem>> -> memref<1x128xi32, #tpu.memory_space<vmem>>
          %dma_start3A_281 = tpu.memref_squeeze %dma_start3A_280 : memref<1x128xi32, #tpu.memory_space<vmem>> -> memref<128xi32, #tpu.memory_space<vmem>>
          %dma_start3A_282 = arith.constant 0 : i32
          %dma_start3A_283 = arith.constant 0 : i32
          %dma_start3A_284 = tpu.memref_slice %arg5[%dma_start3A_282, %dma_start3A_283] : memref<106496x128xf32, #tpu.memory_space<hbm>> -> memref<106496x128xf32, #tpu.memory_space<hbm>>
          tpu.enqueue_indirect_dma source(%arg12 : memref<128x128xf32, #tpu.memory_space<vmem>>) target(%dma_start3A_284 : memref<106496x128xf32, #tpu.memory_space<hbm>>) offsets(%dma_start3A_281 : memref<128xi32, #tpu.memory_space<vmem>>) semaphore(%arg17 : memref<!tpu.dma_semaphore, #tpu.memory_space<semaphore_mem>>)
          %dma_wait3A = arith.constant 0 : i32
          %dma_wait3A_285 = arith.constant 0 : i32
          %dma_wait3A_286 = tpu.memref_slice %arg13[%dma_wait3A, %dma_wait3A_285] : memref<1x128xi32, #tpu.memory_space<vmem>> -> memref<1x128xi32, #tpu.memory_space<vmem>>
          %dma_wait3A_287 = tpu.memref_squeeze %dma_wait3A_286 : memref<1x128xi32, #tpu.memory_space<vmem>> -> memref<128xi32, #tpu.memory_space<vmem>>
          %dma_wait3A_288 = arith.constant 0 : i32
          %dma_wait3A_289 = arith.constant 0 : i32
          %dma_wait3A_290 = tpu.memref_slice %arg5[%dma_wait3A_288, %dma_wait3A_289] : memref<106496x128xf32, #tpu.memory_space<hbm>> -> memref<106496x128xf32, #tpu.memory_space<hbm>>
          tpu.wait_indirect_dma semaphore(%arg17 : memref<!tpu.dma_semaphore, #tpu.memory_space<semaphore_mem>>) src(%arg12 : memref<128x128xf32, #tpu.memory_space<vmem>>) dst(%dma_wait3A_290 : memref<106496x128xf32, #tpu.memory_space<hbm>>)
        } else {
        }
        %add3A_277 = arith.constant 1 : i32
        %add3A_278 = arith.addi %while3A_227, %add3A_277 : i32
        scf.yield %add3A_278 : i32
      }
      %lt3A_157 = arith.cmpi slt, %add3A_81, %add3A_9 : i32
      %convert_element_type3A_158 = arith.extui %lt3A_157 : i1 to i32
      %cond3A_159 = arith.constant 0 : i32
      %cond3A_160 = arith.cmpi ne, %convert_element_type3A_158, %cond3A_159 : i32
      scf.if %cond3A_160 {
        %div3A_226 = arith.constant 197 : i32
        %div3A_227 = arith.divsi %add3A_81, %div3A_226 : i32
        %mul3A_228 = arith.constant 197 : i32
        %mul3A_229 = arith.muli %div3A_227, %mul3A_228 : i32
        %sub3A_230 = arith.subi %add3A_81, %mul3A_229 : i32
        %lt3A_231 = arith.constant 195 : i32
        %lt3A_232 = arith.cmpi slt, %sub3A_230, %lt3A_231 : i32
        %convert_element_type3A_233 = arith.extui %lt3A_232 : i1 to i32
        %cond3A_234 = arith.constant 0 : i32
        %cond3A_235 = arith.cmpi ne, %convert_element_type3A_233, %cond3A_234 : i32
        scf.if %cond3A_235 {
          %mul3A_241 = arith.constant 512 : i32
          %mul3A_242 = arith.muli %sub3A_230, %mul3A_241 : i32
          %dma_wait3A = arith.constant 0 : i32
          %dma_wait3A_243 = tpu.memref_slice %arg2[%div3A_227, %dma_wait3A, %mul3A_242] : memref<26x64x100001xf32, #tpu.memory_space<hbm>> -> memref<1x64x512xf32, #tpu.memory_space<hbm>>
          %dma_wait3A_244 = tpu.memref_squeeze %dma_wait3A_243 : memref<1x64x512xf32, #tpu.memory_space<hbm>> -> memref<64x512xf32, #tpu.memory_space<hbm>>
          %dma_wait3A_245 = arith.constant 0 : i32
          %dma_wait3A_246 = tpu.memref_slice %arg2[%div3A_227, %dma_wait3A_245, %mul3A_242] : memref<26x64x100001xf32, #tpu.memory_space<hbm>> -> memref<1x64x512xf32, #tpu.memory_space<hbm>>
          %dma_wait3A_247 = tpu.memref_squeeze %dma_wait3A_246 : memref<1x64x512xf32, #tpu.memory_space<hbm>> -> memref<64x512xf32, #tpu.memory_space<hbm>>
          tpu.wait_dma2 semaphore(%arg16 : memref<!tpu.dma_semaphore, #tpu.memory_space<semaphore_mem>>) src(%dma_wait3A_247 : memref<64x512xf32, #tpu.memory_space<hbm>>) dst(%arg11 : memref<64x512xf32, #tpu.memory_space<vmem>>)
        } else {
        }
        %ge3A_236 = arith.constant 195 : i32
        %ge3A_237 = arith.cmpi sge, %sub3A_230, %ge3A_236 : i32
        %convert_element_type3A_238 = arith.extui %ge3A_237 : i1 to i32
        %cond3A_239 = arith.constant 0 : i32
        %cond3A_240 = arith.cmpi ne, %convert_element_type3A_238, %cond3A_239 : i32
        scf.if %cond3A_240 {
          %dma_wait3A = arith.constant 0 : i32
          %dma_wait3A_241 = arith.constant 0 : i32
          %dma_wait3A_242 = tpu.memref_slice %arg11[%dma_wait3A, %dma_wait3A_241] : memref<64x512xf32, #tpu.memory_space<vmem>> -> memref<64x128xf32, #tpu.memory_space<vmem>>
          %dma_wait3A_243 = arith.constant 0 : i32
          %dma_wait3A_244 = arith.constant 0 : i32
          %dma_wait3A_245 = tpu.memref_slice %arg4[%div3A_227, %dma_wait3A_243, %dma_wait3A_244] : memref<26x64x128xf32, #tpu.memory_space<hbm>> -> memref<1x64x128xf32, #tpu.memory_space<hbm>>
          %dma_wait3A_246 = tpu.memref_squeeze %dma_wait3A_245 : memref<1x64x128xf32, #tpu.memory_space<hbm>> -> memref<64x128xf32, #tpu.memory_space<hbm>>
          %dma_wait3A_247 = arith.constant 0 : i32
          %dma_wait3A_248 = arith.constant 0 : i32
          %dma_wait3A_249 = tpu.memref_slice %arg11[%dma_wait3A_247, %dma_wait3A_248] : memref<64x512xf32, #tpu.memory_space<vmem>> -> memref<64x128xf32, #tpu.memory_space<vmem>>
          %dma_wait3A_250 = arith.constant 0 : i32
          %dma_wait3A_251 = arith.constant 0 : i32
          %dma_wait3A_252 = tpu.memref_slice %arg4[%div3A_227, %dma_wait3A_250, %dma_wait3A_251] : memref<26x64x128xf32, #tpu.memory_space<hbm>> -> memref<1x64x128xf32, #tpu.memory_space<hbm>>
          %dma_wait3A_253 = tpu.memref_squeeze %dma_wait3A_252 : memref<1x64x128xf32, #tpu.memory_space<hbm>> -> memref<64x128xf32, #tpu.memory_space<hbm>>
          tpu.wait_dma2 semaphore(%arg16 : memref<!tpu.dma_semaphore, #tpu.memory_space<semaphore_mem>>) src(%dma_wait3A_253 : memref<64x128xf32, #tpu.memory_space<hbm>>) dst(%dma_wait3A_249 : memref<64x128xf32, #tpu.memory_space<vmem>>)
        } else {
        }
      } else {
      }
      %add3A_161 = arith.constant 1 : i32
      %add3A_162 = arith.addi %add3A_81, %add3A_161 : i32
      %lt3A_163 = arith.cmpi slt, %add3A_162, %add3A_9 : i32
      %convert_element_type3A_164 = arith.extui %lt3A_163 : i1 to i32
      %cond3A_165 = arith.constant 0 : i32
      %cond3A_166 = arith.cmpi ne, %convert_element_type3A_164, %cond3A_165 : i32
      scf.if %cond3A_166 {
        %add3A_226 = arith.constant 1 : i32
        %add3A_227 = arith.addi %add3A_81, %add3A_226 : i32
        %div3A_228 = arith.constant 197 : i32
        %div3A_229 = arith.divsi %add3A_227, %div3A_228 : i32
        %mul3A_230 = arith.constant 197 : i32
        %mul3A_231 = arith.muli %div3A_229, %mul3A_230 : i32
        %sub3A_232 = arith.subi %add3A_227, %mul3A_231 : i32
        %lt3A_233 = arith.constant 195 : i32
        %lt3A_234 = arith.cmpi slt, %sub3A_232, %lt3A_233 : i32
        %convert_element_type3A_235 = arith.extui %lt3A_234 : i1 to i32
        %cond3A_236 = arith.constant 0 : i32
        %cond3A_237 = arith.cmpi ne, %convert_element_type3A_235, %cond3A_236 : i32
        scf.if %cond3A_237 {
          %mul3A_248 = arith.constant 512 : i32
          %mul3A_249 = arith.muli %sub3A_232, %mul3A_248 : i32
          %dma_start3A = arith.constant 0 : i32
          %dma_start3A_250 = tpu.memref_slice %arg2[%div3A_229, %dma_start3A, %mul3A_249] : memref<26x64x100001xf32, #tpu.memory_space<hbm>> -> memref<1x64x512xf32, #tpu.memory_space<hbm>>
          %dma_start3A_251 = tpu.memref_squeeze %dma_start3A_250 : memref<1x64x512xf32, #tpu.memory_space<hbm>> -> memref<64x512xf32, #tpu.memory_space<hbm>>
          %dma_start3A_252 = arith.constant 0 : i32
          %dma_start3A_253 = tpu.memref_slice %arg2[%div3A_229, %dma_start3A_252, %mul3A_249] : memref<26x64x100001xf32, #tpu.memory_space<hbm>> -> memref<1x64x512xf32, #tpu.memory_space<hbm>>
          %dma_start3A_254 = tpu.memref_squeeze %dma_start3A_253 : memref<1x64x512xf32, #tpu.memory_space<hbm>> -> memref<64x512xf32, #tpu.memory_space<hbm>>
          tpu.enqueue_dma source(%dma_start3A_254 : memref<64x512xf32, #tpu.memory_space<hbm>>) target(%arg10 : memref<64x512xf32, #tpu.memory_space<vmem>>) target_semaphore(%arg15 : memref<!tpu.dma_semaphore, #tpu.memory_space<semaphore_mem>>)
        } else {
        }
        %eq3A_238 = arith.constant 195 : i32
        %eq3A_239 = arith.cmpi eq, %sub3A_232, %eq3A_238 : i32
        %convert_element_type3A_240 = arith.extui %eq3A_239 : i1 to i32
        %cond3A_241 = arith.constant 0 : i32
        %cond3A_242 = arith.cmpi ne, %convert_element_type3A_240, %cond3A_241 : i32
        scf.if %cond3A_242 {
          %dma_start3A = arith.constant 0 : i32
          %dma_start3A_248 = arith.constant 0 : i32
          %dma_start3A_249 = tpu.memref_slice %arg10[%dma_start3A, %dma_start3A_248] : memref<64x512xf32, #tpu.memory_space<vmem>> -> memref<64x128xf32, #tpu.memory_space<vmem>>
          %dma_start3A_250 = arith.constant 0 : i32
          %dma_start3A_251 = arith.constant 99840 : i32
          %dma_start3A_252 = tpu.memref_slice %arg2[%div3A_229, %dma_start3A_250, %dma_start3A_251] : memref<26x64x100001xf32, #tpu.memory_space<hbm>> -> memref<1x64x128xf32, #tpu.memory_space<hbm>>
          %dma_start3A_253 = tpu.memref_squeeze %dma_start3A_252 : memref<1x64x128xf32, #tpu.memory_space<hbm>> -> memref<64x128xf32, #tpu.memory_space<hbm>>
          %dma_start3A_254 = arith.constant 0 : i32
          %dma_start3A_255 = arith.constant 0 : i32
          %dma_start3A_256 = tpu.memref_slice %arg10[%dma_start3A_254, %dma_start3A_255] : memref<64x512xf32, #tpu.memory_space<vmem>> -> memref<64x128xf32, #tpu.memory_space<vmem>>
          %dma_start3A_257 = arith.constant 0 : i32
          %dma_start3A_258 = arith.constant 99840 : i32
          %dma_start3A_259 = tpu.memref_slice %arg2[%div3A_229, %dma_start3A_257, %dma_start3A_258] : memref<26x64x100001xf32, #tpu.memory_space<hbm>> -> memref<1x64x128xf32, #tpu.memory_space<hbm>>
          %dma_start3A_260 = tpu.memref_squeeze %dma_start3A_259 : memref<1x64x128xf32, #tpu.memory_space<hbm>> -> memref<64x128xf32, #tpu.memory_space<hbm>>
          tpu.enqueue_dma source(%dma_start3A_260 : memref<64x128xf32, #tpu.memory_space<hbm>>) target(%dma_start3A_256 : memref<64x128xf32, #tpu.memory_space<vmem>>) target_semaphore(%arg15 : memref<!tpu.dma_semaphore, #tpu.memory_space<semaphore_mem>>)
        } else {
        }
        %eq3A_243 = arith.constant 196 : i32
        %eq3A_244 = arith.cmpi eq, %sub3A_232, %eq3A_243 : i32
        %convert_element_type3A_245 = arith.extui %eq3A_244 : i1 to i32
        %cond3A_246 = arith.constant 0 : i32
        %cond3A_247 = arith.cmpi ne, %convert_element_type3A_245, %cond3A_246 : i32
        scf.if %cond3A_247 {
          %dma_start3A = arith.constant 0 : i32
          %dma_start3A_248 = arith.constant 0 : i32
          %dma_start3A_249 = tpu.memref_slice %arg10[%dma_start3A, %dma_start3A_248] : memref<64x512xf32, #tpu.memory_space<vmem>> -> memref<64x128xf32, #tpu.memory_space<vmem>>
          %dma_start3A_250 = arith.constant 0 : i32
          %dma_start3A_251 = arith.constant 0 : i32
          %dma_start3A_252 = tpu.memref_slice %arg4[%div3A_229, %dma_start3A_250, %dma_start3A_251] : memref<26x64x128xf32, #tpu.memory_space<hbm>> -> memref<1x64x128xf32, #tpu.memory_space<hbm>>
          %dma_start3A_253 = tpu.memref_squeeze %dma_start3A_252 : memref<1x64x128xf32, #tpu.memory_space<hbm>> -> memref<64x128xf32, #tpu.memory_space<hbm>>
          %dma_start3A_254 = arith.constant 0 : i32
          %dma_start3A_255 = arith.constant 0 : i32
          %dma_start3A_256 = tpu.memref_slice %arg10[%dma_start3A_254, %dma_start3A_255] : memref<64x512xf32, #tpu.memory_space<vmem>> -> memref<64x128xf32, #tpu.memory_space<vmem>>
          %dma_start3A_257 = arith.constant 0 : i32
          %dma_start3A_258 = arith.constant 0 : i32
          %dma_start3A_259 = tpu.memref_slice %arg4[%div3A_229, %dma_start3A_257, %dma_start3A_258] : memref<26x64x128xf32, #tpu.memory_space<hbm>> -> memref<1x64x128xf32, #tpu.memory_space<hbm>>
          %dma_start3A_260 = tpu.memref_squeeze %dma_start3A_259 : memref<1x64x128xf32, #tpu.memory_space<hbm>> -> memref<64x128xf32, #tpu.memory_space<hbm>>
          tpu.enqueue_dma source(%dma_start3A_260 : memref<64x128xf32, #tpu.memory_space<hbm>>) target(%dma_start3A_256 : memref<64x128xf32, #tpu.memory_space<vmem>>) target_semaphore(%arg15 : memref<!tpu.dma_semaphore, #tpu.memory_space<semaphore_mem>>)
        } else {
        }
      } else {
      }
      %lt3A_167 = arith.cmpi slt, %add3A_81, %add3A_9 : i32
      %div3A_168 = arith.constant 197 : i32
      %div3A_169 = arith.divsi %add3A_81, %div3A_168 : i32
      %mul3A_170 = arith.constant 197 : i32
      %mul3A_171 = arith.muli %div3A_169, %mul3A_170 : i32
      %sub3A_172 = arith.subi %add3A_81, %mul3A_171 : i32
      %sub3A_173 = arith.subi %div3A_169, %div3A_10 : i32
      %min3A_174 = arith.constant 1 : i32
      %min3A_175 = arith.minsi %sub3A_173, %min3A_174 : i32
      %shift_right_logical3A_176 = arith.constant 4 : i32
      %shift_right_logical3A_177 = arith.shrui %sub3A_172, %shift_right_logical3A_176 : i32
      %mul3A_178 = arith.constant 16 : i32
      %mul3A_179 = arith.muli %min3A_175, %mul3A_178 : i32
      %add3A_180 = arith.addi %mul3A_179, %shift_right_logical3A_177 : i32
      %get3A_181 = arith.index_cast %add3A_180 : i32 to index
      %get3A_182 = memref.load %arg14[%get3A_181] : memref<64xi32, #tpu.memory_space<smem>>
      %mul3A_183 = arith.constant 16 : i32
      %mul3A_184 = arith.muli %min3A_175, %mul3A_183 : i32
      %add3A_185 = arith.addi %mul3A_184, %shift_right_logical3A_177 : i32
      %add3A_186 = arith.constant 1 : i32
      %add3A_187 = arith.addi %add3A_185, %add3A_186 : i32
      %get3A_188 = arith.index_cast %add3A_187 : i32 to index
      %get3A_189 = memref.load %arg14[%get3A_188] : memref<64xi32, #tpu.memory_space<smem>>
      %sub3A_190 = arith.subi %get3A_189, %get3A_182 : i32
      %jit3A_191 = arith.constant 0 : i32
      %select_n3A_192 = arith.select %lt3A_167, %sub3A_190, %jit3A_191 : i32
      %add3A_193 = arith.constant 15 : i32
      %add3A_194 = arith.addi %select_n3A_192, %add3A_193 : i32
      %div3A_195 = arith.constant 16 : i32
      %div3A_196 = arith.divsi %add3A_194, %div3A_195 : i32
      %while3A_197 = arith.constant 0 : i32
      %while3A_198 = arith.constant 0 : i32
      %while3A_199 = arith.subi %div3A_196, %while3A_197 : i32
      %while3A_200 = arith.addi %while3A_197, %while3A_199 : i32
      %while3A_201 = arith.constant 1 : i32
      %while3A_202 = arith.divsi %while3A_199, %while3A_201 : i32
      %while3A_203 = arith.muli %while3A_202, %while3A_201 : i32
      %while3A_204 = arith.addi %while3A_197, %while3A_203 : i32
      %while3A_205 = arith.constant 1 : i32
      %while3A_206 = scf.for %while3A_226 = %while3A_197 to %while3A_204 step %while3A_205 iter_args(%while3A_227 = %while3A_198) -> (i32)  : i32 {
        %mul3A_228 = arith.constant 16 : i32
        %mul3A_229 = arith.muli %while3A_226, %mul3A_228 : i32
        %add3A_230 = arith.addi %get3A_182, %mul3A_229 : i32
        %get3A_231 = arith.index_cast %add3A_230 : i32 to index
        %get3A_232 = tpu.vector_load %arg8[%get3A_231] {strides = array<i32>} : memref<8240xi32, #tpu.memory_space<vmem>>, vector<16xi32>,
        %and3A_233 = arith.constant 131071 : i32
        %and3A_234 = vector.broadcast %and3A_233 : i32 to vector<16xi32>
        %and3A_235 = arith.andi %get3A_232, %and3A_234 : vector<16xi32>
        %mul3A_236 = arith.constant 16 : i32
        %mul3A_237 = arith.muli %while3A_226, %mul3A_236 : i32
        %add3A_238 = vector.broadcast %mul3A_237 : i32 to vector<16xi32>
        %add3A_239 = arith.addi %add3A_238, %iota3A : vector<16xi32>
        %lt3A_240 = vector.broadcast %select_n3A_192 : i32 to vector<16xi32>
        %lt3A_241 = arith.cmpi slt, %add3A_239, %lt3A_240 : vector<16xi32>
        %shift_right_logical3A_242 = arith.constant 9 : i32
        %shift_right_logical3A_243 = vector.broadcast %shift_right_logical3A_242 : i32 to vector<16xi32>
        %shift_right_logical3A_244 = arith.shrui %and3A_235, %shift_right_logical3A_243 : vector<16xi32>
        %ge3A_245 = arith.constant 99968 : i32
        %ge3A_246 = vector.broadcast %ge3A_245 : i32 to vector<16xi32>
        %ge3A_247 = arith.cmpi sge, %and3A_235, %ge3A_246 : vector<16xi32>
        %jit3A_248 = arith.constant 1 : i32
        %jit3A_249 = arith.constant 0 : i32
        %broadcast_in_dim3A_250 = vector.broadcast %jit3A_248 : i32 to vector<16xi32>
        %broadcast_in_dim3A_251 = vector.broadcast %jit3A_249 : i32 to vector<16xi32>
        %select_n3A_252 = arith.select %ge3A_247, %broadcast_in_dim3A_250, %broadcast_in_dim3A_251 : vector<16xi1>, vector<16xi32>
        %add3A_253 = arith.addi %shift_right_logical3A_244, %select_n3A_252 : vector<16xi32>
        %eq3A_254 = vector.broadcast %sub3A_172 : i32 to vector<16xi32>
        %eq3A_255 = arith.cmpi eq, %add3A_253, %eq3A_254 : vector<16xi32>
        %and3A_256 = arith.andi %lt3A_241, %eq3A_255 : vector<16xi1>
        %convert_element_type3A_257 = arith.extui %and3A_256 : vector<16xi1> to vector<16xi32>
        %broadcast_in_dim3A_258 = arith.constant true
        %broadcast_in_dim3A_259 = vector.broadcast %broadcast_in_dim3A_258 : i1 to vector<16xi1>
        %masked_cumsum3A = tpu.scan <sum>, %convert_element_type3A_257 masked %broadcast_in_dim3A_259 : vector<16xi32>, vector<16xi1> -> vector<16xi32>
        %sub3A_260 = arith.constant 1 : i32
        %sub3A_261 = vector.broadcast %sub3A_260 : i32 to vector<16xi32>
        %sub3A_262 = arith.subi %masked_cumsum3A, %sub3A_261 : vector<16xi32>
        %add3A_263 = vector.broadcast %while3A_227 : i32 to vector<16xi32>
        %add3A_264 = arith.addi %add3A_263, %sub3A_262 : vector<16xi32>
        %jit3A_265 = arith.constant 4112 : i32
        %broadcast_in_dim3A_266 = vector.broadcast %jit3A_265 : i32 to vector<16xi32>
        %select_n3A_267 = arith.select %and3A_256, %add3A_264, %broadcast_in_dim3A_266 : vector<16xi1>, vector<16xi32>
        tpu.vector_store_idx %arg9[%select_n3A_267], %get3A_232 : memref<4128xi32, #tpu.memory_space<vmem>>[vector<16xi32>], vector<16xi32>,
        %reduce_sum3A = arith.constant true
        %reduce_sum3A_268 = vector.broadcast %reduce_sum3A : i1 to vector<16xi1>
        %reduce_sum3A_269 = tpu.scan <sum>, %convert_element_type3A_257 masked %reduce_sum3A_268 : vector<16xi32>, vector<16xi1> -> vector<16xi32>
        %reduce_sum3A_270 = vector.extract %reduce_sum3A_269[15] : i32 from vector<16xi32>
        %add3A_271 = arith.addi %while3A_227, %reduce_sum3A_270 : i32
        scf.yield %add3A_271 : i32
      }
      %while3A_207 = arith.constant 1 : i32
      %while3A_208 = scf.for %while3A_226 = %while3A_204 to %while3A_200 step %while3A_207 iter_args(%while3A_227 = %while3A_206) -> (i32)  : i32 {
        %mul3A_228 = arith.constant 16 : i32
        %mul3A_229 = arith.muli %while3A_226, %mul3A_228 : i32
        %add3A_230 = arith.addi %get3A_182, %mul3A_229 : i32
        %get3A_231 = arith.index_cast %add3A_230 : i32 to index
        %get3A_232 = tpu.vector_load %arg8[%get3A_231] {strides = array<i32>} : memref<8240xi32, #tpu.memory_space<vmem>>, vector<16xi32>,
        %and3A_233 = arith.constant 131071 : i32
        %and3A_234 = vector.broadcast %and3A_233 : i32 to vector<16xi32>
        %and3A_235 = arith.andi %get3A_232, %and3A_234 : vector<16xi32>
        %mul3A_236 = arith.constant 16 : i32
        %mul3A_237 = arith.muli %while3A_226, %mul3A_236 : i32
        %add3A_238 = vector.broadcast %mul3A_237 : i32 to vector<16xi32>
        %add3A_239 = arith.addi %add3A_238, %iota3A : vector<16xi32>
        %lt3A_240 = vector.broadcast %select_n3A_192 : i32 to vector<16xi32>
        %lt3A_241 = arith.cmpi slt, %add3A_239, %lt3A_240 : vector<16xi32>
        %shift_right_logical3A_242 = arith.constant 9 : i32
        %shift_right_logical3A_243 = vector.broadcast %shift_right_logical3A_242 : i32 to vector<16xi32>
        %shift_right_logical3A_244 = arith.shrui %and3A_235, %shift_right_logical3A_243 : vector<16xi32>
        %ge3A_245 = arith.constant 99968 : i32
        %ge3A_246 = vector.broadcast %ge3A_245 : i32 to vector<16xi32>
        %ge3A_247 = arith.cmpi sge, %and3A_235, %ge3A_246 : vector<16xi32>
        %jit3A_248 = arith.constant 1 : i32
        %jit3A_249 = arith.constant 0 : i32
        %broadcast_in_dim3A_250 = vector.broadcast %jit3A_248 : i32 to vector<16xi32>
        %broadcast_in_dim3A_251 = vector.broadcast %jit3A_249 : i32 to vector<16xi32>
        %select_n3A_252 = arith.select %ge3A_247, %broadcast_in_dim3A_250, %broadcast_in_dim3A_251 : vector<16xi1>, vector<16xi32>
        %add3A_253 = arith.addi %shift_right_logical3A_244, %select_n3A_252 : vector<16xi32>
        %eq3A_254 = vector.broadcast %sub3A_172 : i32 to vector<16xi32>
        %eq3A_255 = arith.cmpi eq, %add3A_253, %eq3A_254 : vector<16xi32>
        %and3A_256 = arith.andi %lt3A_241, %eq3A_255 : vector<16xi1>
        %convert_element_type3A_257 = arith.extui %and3A_256 : vector<16xi1> to vector<16xi32>
        %broadcast_in_dim3A_258 = arith.constant true
        %broadcast_in_dim3A_259 = vector.broadcast %broadcast_in_dim3A_258 : i1 to vector<16xi1>
        %masked_cumsum3A = tpu.scan <sum>, %convert_element_type3A_257 masked %broadcast_in_dim3A_259 : vector<16xi32>, vector<16xi1> -> vector<16xi32>
        %sub3A_260 = arith.constant 1 : i32
        %sub3A_261 = vector.broadcast %sub3A_260 : i32 to vector<16xi32>
        %sub3A_262 = arith.subi %masked_cumsum3A, %sub3A_261 : vector<16xi32>
        %add3A_263 = vector.broadcast %while3A_227 : i32 to vector<16xi32>
        %add3A_264 = arith.addi %add3A_263, %sub3A_262 : vector<16xi32>
        %jit3A_265 = arith.constant 4112 : i32
        %broadcast_in_dim3A_266 = vector.broadcast %jit3A_265 : i32 to vector<16xi32>
        %select_n3A_267 = arith.select %and3A_256, %add3A_264, %broadcast_in_dim3A_266 : vector<16xi1>, vector<16xi32>
        tpu.vector_store_idx %arg9[%select_n3A_267], %get3A_232 : memref<4128xi32, #tpu.memory_space<vmem>>[vector<16xi32>], vector<16xi32>,
        %reduce_sum3A = arith.constant true
        %reduce_sum3A_268 = vector.broadcast %reduce_sum3A : i1 to vector<16xi1>
        %reduce_sum3A_269 = tpu.scan <sum>, %convert_element_type3A_257 masked %reduce_sum3A_268 : vector<16xi32>, vector<16xi1> -> vector<16xi32>
        %reduce_sum3A_270 = vector.extract %reduce_sum3A_269[15] : i32 from vector<16xi32>
        %add3A_271 = arith.addi %while3A_227, %reduce_sum3A_270 : i32
        scf.yield %add3A_271 : i32
      }
      %eq3A_209 = arith.constant 196 : i32
      %eq3A_210 = arith.cmpi eq, %sub3A_172, %eq3A_209 : i32
      %mul3A_211 = arith.constant 512 : i32
      %mul3A_212 = arith.muli %sub3A_172, %mul3A_211 : i32
      %jit3A_213 = arith.constant 99968 : i32
      %select_n3A_214 = arith.select %eq3A_210, %jit3A_213, %mul3A_212 : i32
      %while3A_215 = arith.constant 0 : i32
      %while3A_216 = arith.subi %while3A_208, %while3A_215 : i32
      %while3A_217 = arith.addi %while3A_215, %while3A_216 : i32
      %while3A_218 = arith.constant 1 : i32
      %while3A_219 = arith.divsi %while3A_216, %while3A_218 : i32
      %while3A_220 = arith.muli %while3A_219, %while3A_218 : i32
      %while3A_221 = arith.addi %while3A_215, %while3A_220 : i32
      %while3A_222 = arith.constant 1 : i32
      %while3A_223 = scf.for %while3A_226 = %while3A_215 to %while3A_221 step %while3A_222 iter_args(%while3A_227 = %while3A_156) -> (i32)  : i32 {
        %broadcast_in_dim3A_228 = vector.broadcast %while3A_226 : i32 to vector<16xi32>
        %gather3A = tpu.vector_load_idx %arg9[%broadcast_in_dim3A_228] : memref<4128xi32, #tpu.memory_space<vmem>>[vector<16xi32>], vector<16xi32>,
        %and3A_229 = arith.constant 131071 : i32
        %and3A_230 = vector.broadcast %and3A_229 : i32 to vector<16xi32>
        %and3A_231 = arith.andi %gather3A, %and3A_230 : vector<16xi32>
        %sub3A_232 = vector.broadcast %select_n3A_214 : i32 to vector<16xi32>
        %sub3A_233 = arith.subi %and3A_231, %sub3A_232 : vector<16xi32>
        %shift_right_logical3A_234 = arith.constant 17 : i32
        %shift_right_logical3A_235 = vector.broadcast %shift_right_logical3A_234 : i32 to vector<16xi32>
        %shift_right_logical3A_236 = arith.shrui %gather3A, %shift_right_logical3A_235 : vector<16xi32>
        %mul3A_237 = arith.constant 26 : i32
        %mul3A_238 = vector.broadcast %mul3A_237 : i32 to vector<16xi32>
        %mul3A_239 = arith.muli %shift_right_logical3A_236, %mul3A_238 : vector<16xi32>
        %add3A_240 = vector.broadcast %div3A_169 : i32 to vector<16xi32>
        %add3A_241 = arith.addi %mul3A_239, %add3A_240 : vector<16xi32>
        %and3A_242 = arith.constant 127 : i32
        %and3A_243 = arith.andi %while3A_227, %and3A_242 : i32
        %add3A_244 = arith.constant 0 : i32
        %add3A_245 = vector.broadcast %add3A_244 : i32 to vector<16xi32>
        %add3A_246 = arith.addi %iota3A, %add3A_245 : vector<16xi32>
        %gather3A_247 = tpu.vector_load_idx %arg11[%add3A_246, %sub3A_233] : memref<64x512xf32, #tpu.memory_space<vmem>>[vector<16xi32>, vector<16xi32>], vector<16xf32>,
        %swap3A = arith.index_cast %and3A_243 : i32 to index
        %swap3A_248 = arith.constant 0 : index
        %swap3A_249 = tpu.vector_load %arg12[%swap3A, %swap3A_248] {strides = array<i32>} : memref<128x128xf32, #tpu.memory_space<vmem>>, vector<16xf32>,
        tpu.vector_store %arg12[%swap3A, %swap3A_248], %gather3A_247 {strides = array<i32>} : memref<128x128xf32, #tpu.memory_space<vmem>>, vector<16xf32>,
        %add3A_250 = arith.constant 16 : i32
        %add3A_251 = vector.broadcast %add3A_250 : i32 to vector<16xi32>
        %add3A_252 = arith.addi %iota3A, %add3A_251 : vector<16xi32>
        %gather3A_253 = tpu.vector_load_idx %arg11[%add3A_252, %sub3A_233] : memref<64x512xf32, #tpu.memory_space<vmem>>[vector<16xi32>, vector<16xi32>], vector<16xf32>,
        %swap3A_254 = arith.index_cast %and3A_243 : i32 to index
        %swap3A_255 = arith.constant 16 : index
        %swap3A_256 = tpu.vector_load %arg12[%swap3A_254, %swap3A_255] {strides = array<i32>} : memref<128x128xf32, #tpu.memory_space<vmem>>, vector<16xf32>,
        tpu.vector_store %arg12[%swap3A_254, %swap3A_255], %gather3A_253 {strides = array<i32>} : memref<128x128xf32, #tpu.memory_space<vmem>>, vector<16xf32>,
        %add3A_257 = arith.constant 32 : i32
        %add3A_258 = vector.broadcast %add3A_257 : i32 to vector<16xi32>
        %add3A_259 = arith.addi %iota3A, %add3A_258 : vector<16xi32>
        %gather3A_260 = tpu.vector_load_idx %arg11[%add3A_259, %sub3A_233] : memref<64x512xf32, #tpu.memory_space<vmem>>[vector<16xi32>, vector<16xi32>], vector<16xf32>,
        %swap3A_261 = arith.index_cast %and3A_243 : i32 to index
        %swap3A_262 = arith.constant 32 : index
        %swap3A_263 = tpu.vector_load %arg12[%swap3A_261, %swap3A_262] {strides = array<i32>} : memref<128x128xf32, #tpu.memory_space<vmem>>, vector<16xf32>,
        tpu.vector_store %arg12[%swap3A_261, %swap3A_262], %gather3A_260 {strides = array<i32>} : memref<128x128xf32, #tpu.memory_space<vmem>>, vector<16xf32>,
        %add3A_264 = arith.constant 48 : i32
        %add3A_265 = vector.broadcast %add3A_264 : i32 to vector<16xi32>
        %add3A_266 = arith.addi %iota3A, %add3A_265 : vector<16xi32>
        %gather3A_267 = tpu.vector_load_idx %arg11[%add3A_266, %sub3A_233] : memref<64x512xf32, #tpu.memory_space<vmem>>[vector<16xi32>, vector<16xi32>], vector<16xf32>,
        %swap3A_268 = arith.index_cast %and3A_243 : i32 to index
        %swap3A_269 = arith.constant 48 : index
        %swap3A_270 = tpu.vector_load %arg12[%swap3A_268, %swap3A_269] {strides = array<i32>} : memref<128x128xf32, #tpu.memory_space<vmem>>, vector<16xf32>,
        tpu.vector_store %arg12[%swap3A_268, %swap3A_269], %gather3A_267 {strides = array<i32>} : memref<128x128xf32, #tpu.memory_space<vmem>>, vector<16xf32>,
        %broadcast_in_dim3A_271 = vector.broadcast %and3A_243 : i32 to vector<16xi32>
        tpu.vector_store_idx %arg13[%broadcast_in_dim3A_14, %broadcast_in_dim3A_271], %add3A_241 : memref<1x128xi32, #tpu.memory_space<vmem>>[vector<16xi32>, vector<16xi32>], vector<16xi32>,
        %eq3A_272 = arith.constant 127 : i32
        %eq3A_273 = arith.cmpi eq, %and3A_243, %eq3A_272 : i32
        %convert_element_type3A_274 = arith.extui %eq3A_273 : i1 to i32
        %cond3A_275 = arith.constant 0 : i32
        %cond3A_276 = arith.cmpi ne, %convert_element_type3A_274, %cond3A_275 : i32
        scf.if %cond3A_276 {
          %dma_start3A = arith.constant 0 : i32
          %dma_start3A_279 = arith.constant 0 : i32
          %dma_start3A_280 = tpu.memref_slice %arg13[%dma_start3A, %dma_start3A_279] : memref<1x128xi32, #tpu.memory_space<vmem>> -> memref<1x128xi32, #tpu.memory_space<vmem>>
          %dma_start3A_281 = tpu.memref_squeeze %dma_start3A_280 : memref<1x128xi32, #tpu.memory_space<vmem>> -> memref<128xi32, #tpu.memory_space<vmem>>
          %dma_start3A_282 = arith.constant 0 : i32
          %dma_start3A_283 = arith.constant 0 : i32
          %dma_start3A_284 = tpu.memref_slice %arg5[%dma_start3A_282, %dma_start3A_283] : memref<106496x128xf32, #tpu.memory_space<hbm>> -> memref<106496x128xf32, #tpu.memory_space<hbm>>
          tpu.enqueue_indirect_dma source(%arg12 : memref<128x128xf32, #tpu.memory_space<vmem>>) target(%dma_start3A_284 : memref<106496x128xf32, #tpu.memory_space<hbm>>) offsets(%dma_start3A_281 : memref<128xi32, #tpu.memory_space<vmem>>) semaphore(%arg17 : memref<!tpu.dma_semaphore, #tpu.memory_space<semaphore_mem>>)
          %dma_wait3A = arith.constant 0 : i32
          %dma_wait3A_285 = arith.constant 0 : i32
          %dma_wait3A_286 = tpu.memref_slice %arg13[%dma_wait3A, %dma_wait3A_285] : memref<1x128xi32, #tpu.memory_space<vmem>> -> memref<1x128xi32, #tpu.memory_space<vmem>>
          %dma_wait3A_287 = tpu.memref_squeeze %dma_wait3A_286 : memref<1x128xi32, #tpu.memory_space<vmem>> -> memref<128xi32, #tpu.memory_space<vmem>>
          %dma_wait3A_288 = arith.constant 0 : i32
          %dma_wait3A_289 = arith.constant 0 : i32
          %dma_wait3A_290 = tpu.memref_slice %arg5[%dma_wait3A_288, %dma_wait3A_289] : memref<106496x128xf32, #tpu.memory_space<hbm>> -> memref<106496x128xf32, #tpu.memory_space<hbm>>
          tpu.wait_indirect_dma semaphore(%arg17 : memref<!tpu.dma_semaphore, #tpu.memory_space<semaphore_mem>>) src(%arg12 : memref<128x128xf32, #tpu.memory_space<vmem>>) dst(%dma_wait3A_290 : memref<106496x128xf32, #tpu.memory_space<hbm>>)
        } else {
        }
        %add3A_277 = arith.constant 1 : i32
        %add3A_278 = arith.addi %while3A_227, %add3A_277 : i32
        scf.yield %add3A_278 : i32
      }
      %while3A_224 = arith.constant 1 : i32
      %while3A_225 = scf.for %while3A_226 = %while3A_221 to %while3A_217 step %while3A_224 iter_args(%while3A_227 = %while3A_223) -> (i32)  : i32 {
        %broadcast_in_dim3A_228 = vector.broadcast %while3A_226 : i32 to vector<16xi32>
        %gather3A = tpu.vector_load_idx %arg9[%broadcast_in_dim3A_228] : memref<4128xi32, #tpu.memory_space<vmem>>[vector<16xi32>], vector<16xi32>,
        %and3A_229 = arith.constant 131071 : i32
        %and3A_230 = vector.broadcast %and3A_229 : i32 to vector<16xi32>
        %and3A_231 = arith.andi %gather3A, %and3A_230 : vector<16xi32>
        %sub3A_232 = vector.broadcast %select_n3A_214 : i32 to vector<16xi32>
        %sub3A_233 = arith.subi %and3A_231, %sub3A_232 : vector<16xi32>
        %shift_right_logical3A_234 = arith.constant 17 : i32
        %shift_right_logical3A_235 = vector.broadcast %shift_right_logical3A_234 : i32 to vector<16xi32>
        %shift_right_logical3A_236 = arith.shrui %gather3A, %shift_right_logical3A_235 : vector<16xi32>
        %mul3A_237 = arith.constant 26 : i32
        %mul3A_238 = vector.broadcast %mul3A_237 : i32 to vector<16xi32>
        %mul3A_239 = arith.muli %shift_right_logical3A_236, %mul3A_238 : vector<16xi32>
        %add3A_240 = vector.broadcast %div3A_169 : i32 to vector<16xi32>
        %add3A_241 = arith.addi %mul3A_239, %add3A_240 : vector<16xi32>
        %and3A_242 = arith.constant 127 : i32
        %and3A_243 = arith.andi %while3A_227, %and3A_242 : i32
        %add3A_244 = arith.constant 0 : i32
        %add3A_245 = vector.broadcast %add3A_244 : i32 to vector<16xi32>
        %add3A_246 = arith.addi %iota3A, %add3A_245 : vector<16xi32>
        %gather3A_247 = tpu.vector_load_idx %arg11[%add3A_246, %sub3A_233] : memref<64x512xf32, #tpu.memory_space<vmem>>[vector<16xi32>, vector<16xi32>], vector<16xf32>,
        %swap3A = arith.index_cast %and3A_243 : i32 to index
        %swap3A_248 = arith.constant 0 : index
        %swap3A_249 = tpu.vector_load %arg12[%swap3A, %swap3A_248] {strides = array<i32>} : memref<128x128xf32, #tpu.memory_space<vmem>>, vector<16xf32>,
        tpu.vector_store %arg12[%swap3A, %swap3A_248], %gather3A_247 {strides = array<i32>} : memref<128x128xf32, #tpu.memory_space<vmem>>, vector<16xf32>,
        %add3A_250 = arith.constant 16 : i32
        %add3A_251 = vector.broadcast %add3A_250 : i32 to vector<16xi32>
        %add3A_252 = arith.addi %iota3A, %add3A_251 : vector<16xi32>
        %gather3A_253 = tpu.vector_load_idx %arg11[%add3A_252, %sub3A_233] : memref<64x512xf32, #tpu.memory_space<vmem>>[vector<16xi32>, vector<16xi32>], vector<16xf32>,
        %swap3A_254 = arith.index_cast %and3A_243 : i32 to index
        %swap3A_255 = arith.constant 16 : index
        %swap3A_256 = tpu.vector_load %arg12[%swap3A_254, %swap3A_255] {strides = array<i32>} : memref<128x128xf32, #tpu.memory_space<vmem>>, vector<16xf32>,
        tpu.vector_store %arg12[%swap3A_254, %swap3A_255], %gather3A_253 {strides = array<i32>} : memref<128x128xf32, #tpu.memory_space<vmem>>, vector<16xf32>,
        %add3A_257 = arith.constant 32 : i32
        %add3A_258 = vector.broadcast %add3A_257 : i32 to vector<16xi32>
        %add3A_259 = arith.addi %iota3A, %add3A_258 : vector<16xi32>
        %gather3A_260 = tpu.vector_load_idx %arg11[%add3A_259, %sub3A_233] : memref<64x512xf32, #tpu.memory_space<vmem>>[vector<16xi32>, vector<16xi32>], vector<16xf32>,
        %swap3A_261 = arith.index_cast %and3A_243 : i32 to index
        %swap3A_262 = arith.constant 32 : index
        %swap3A_263 = tpu.vector_load %arg12[%swap3A_261, %swap3A_262] {strides = array<i32>} : memref<128x128xf32, #tpu.memory_space<vmem>>, vector<16xf32>,
        tpu.vector_store %arg12[%swap3A_261, %swap3A_262], %gather3A_260 {strides = array<i32>} : memref<128x128xf32, #tpu.memory_space<vmem>>, vector<16xf32>,
        %add3A_264 = arith.constant 48 : i32
        %add3A_265 = vector.broadcast %add3A_264 : i32 to vector<16xi32>
        %add3A_266 = arith.addi %iota3A, %add3A_265 : vector<16xi32>
        %gather3A_267 = tpu.vector_load_idx %arg11[%add3A_266, %sub3A_233] : memref<64x512xf32, #tpu.memory_space<vmem>>[vector<16xi32>, vector<16xi32>], vector<16xf32>,
        %swap3A_268 = arith.index_cast %and3A_243 : i32 to index
        %swap3A_269 = arith.constant 48 : index
        %swap3A_270 = tpu.vector_load %arg12[%swap3A_268, %swap3A_269] {strides = array<i32>} : memref<128x128xf32, #tpu.memory_space<vmem>>, vector<16xf32>,
        tpu.vector_store %arg12[%swap3A_268, %swap3A_269], %gather3A_267 {strides = array<i32>} : memref<128x128xf32, #tpu.memory_space<vmem>>, vector<16xf32>,
        %broadcast_in_dim3A_271 = vector.broadcast %and3A_243 : i32 to vector<16xi32>
        tpu.vector_store_idx %arg13[%broadcast_in_dim3A_14, %broadcast_in_dim3A_271], %add3A_241 : memref<1x128xi32, #tpu.memory_space<vmem>>[vector<16xi32>, vector<16xi32>], vector<16xi32>,
        %eq3A_272 = arith.constant 127 : i32
        %eq3A_273 = arith.cmpi eq, %and3A_243, %eq3A_272 : i32
        %convert_element_type3A_274 = arith.extui %eq3A_273 : i1 to i32
        %cond3A_275 = arith.constant 0 : i32
        %cond3A_276 = arith.cmpi ne, %convert_element_type3A_274, %cond3A_275 : i32
        scf.if %cond3A_276 {
          %dma_start3A = arith.constant 0 : i32
          %dma_start3A_279 = arith.constant 0 : i32
          %dma_start3A_280 = tpu.memref_slice %arg13[%dma_start3A, %dma_start3A_279] : memref<1x128xi32, #tpu.memory_space<vmem>> -> memref<1x128xi32, #tpu.memory_space<vmem>>
          %dma_start3A_281 = tpu.memref_squeeze %dma_start3A_280 : memref<1x128xi32, #tpu.memory_space<vmem>> -> memref<128xi32, #tpu.memory_space<vmem>>
          %dma_start3A_282 = arith.constant 0 : i32
          %dma_start3A_283 = arith.constant 0 : i32
          %dma_start3A_284 = tpu.memref_slice %arg5[%dma_start3A_282, %dma_start3A_283] : memref<106496x128xf32, #tpu.memory_space<hbm>> -> memref<106496x128xf32, #tpu.memory_space<hbm>>
          tpu.enqueue_indirect_dma source(%arg12 : memref<128x128xf32, #tpu.memory_space<vmem>>) target(%dma_start3A_284 : memref<106496x128xf32, #tpu.memory_space<hbm>>) offsets(%dma_start3A_281 : memref<128xi32, #tpu.memory_space<vmem>>) semaphore(%arg17 : memref<!tpu.dma_semaphore, #tpu.memory_space<semaphore_mem>>)
          %dma_wait3A = arith.constant 0 : i32
          %dma_wait3A_285 = arith.constant 0 : i32
          %dma_wait3A_286 = tpu.memref_slice %arg13[%dma_wait3A, %dma_wait3A_285] : memref<1x128xi32, #tpu.memory_space<vmem>> -> memref<1x128xi32, #tpu.memory_space<vmem>>
          %dma_wait3A_287 = tpu.memref_squeeze %dma_wait3A_286 : memref<1x128xi32, #tpu.memory_space<vmem>> -> memref<128xi32, #tpu.memory_space<vmem>>
          %dma_wait3A_288 = arith.constant 0 : i32
          %dma_wait3A_289 = arith.constant 0 : i32
          %dma_wait3A_290 = tpu.memref_slice %arg5[%dma_wait3A_288, %dma_wait3A_289] : memref<106496x128xf32, #tpu.memory_space<hbm>> -> memref<106496x128xf32, #tpu.memory_space<hbm>>
          tpu.wait_indirect_dma semaphore(%arg17 : memref<!tpu.dma_semaphore, #tpu.memory_space<semaphore_mem>>) src(%arg12 : memref<128x128xf32, #tpu.memory_space<vmem>>) dst(%dma_wait3A_290 : memref<106496x128xf32, #tpu.memory_space<hbm>>)
        } else {
        }
        %add3A_277 = arith.constant 1 : i32
        %add3A_278 = arith.addi %while3A_227, %add3A_277 : i32
        scf.yield %add3A_278 : i32
      }
      scf.yield %while3A_225 : i32
    }
    %while3A_68 = arith.constant 1 : i32
    %while3A_69 = scf.for %while3A_75 = %while3A_65 to %while3A_61 step %while3A_68 iter_args(%while3A_76 = %while3A_67) -> (i32)  : i32 {
      %mul3A_77 = arith.constant 2 : i32
      %mul3A_78 = arith.muli %mul3A_77, %while3A_75 : i32
      %add3A_79 = arith.addi %add3A_4, %mul3A_78 : i32
      %add3A_80 = arith.constant 1 : i32
      %add3A_81 = arith.addi %add3A_79, %add3A_80 : i32
      %div3A_82 = arith.constant 197 : i32
      %div3A_83 = arith.divsi %add3A_79, %div3A_82 : i32
      %mul3A_84 = arith.constant 197 : i32
      %mul3A_85 = arith.muli %div3A_83, %mul3A_84 : i32
      %sub3A_86 = arith.subi %add3A_79, %mul3A_85 : i32
      %lt3A_87 = arith.constant 195 : i32
      %lt3A_88 = arith.cmpi slt, %sub3A_86, %lt3A_87 : i32
      %convert_element_type3A_89 = arith.extui %lt3A_88 : i1 to i32
      %cond3A_90 = arith.constant 0 : i32
      %cond3A_91 = arith.cmpi ne, %convert_element_type3A_89, %cond3A_90 : i32
      scf.if %cond3A_91 {
        %mul3A_226 = arith.constant 512 : i32
        %mul3A_227 = arith.muli %sub3A_86, %mul3A_226 : i32
        %dma_wait3A = arith.constant 0 : i32
        %dma_wait3A_228 = tpu.memref_slice %arg2[%div3A_83, %dma_wait3A, %mul3A_227] : memref<26x64x100001xf32, #tpu.memory_space<hbm>> -> memref<1x64x512xf32, #tpu.memory_space<hbm>>
        %dma_wait3A_229 = tpu.memref_squeeze %dma_wait3A_228 : memref<1x64x512xf32, #tpu.memory_space<hbm>> -> memref<64x512xf32, #tpu.memory_space<hbm>>
        %dma_wait3A_230 = arith.constant 0 : i32
        %dma_wait3A_231 = tpu.memref_slice %arg2[%div3A_83, %dma_wait3A_230, %mul3A_227] : memref<26x64x100001xf32, #tpu.memory_space<hbm>> -> memref<1x64x512xf32, #tpu.memory_space<hbm>>
        %dma_wait3A_232 = tpu.memref_squeeze %dma_wait3A_231 : memref<1x64x512xf32, #tpu.memory_space<hbm>> -> memref<64x512xf32, #tpu.memory_space<hbm>>
        tpu.wait_dma2 semaphore(%arg15 : memref<!tpu.dma_semaphore, #tpu.memory_space<semaphore_mem>>) src(%dma_wait3A_232 : memref<64x512xf32, #tpu.memory_space<hbm>>) dst(%arg10 : memref<64x512xf32, #tpu.memory_space<vmem>>)
      } else {
      }
      %ge3A = arith.constant 195 : i32
      %ge3A_92 = arith.cmpi sge, %sub3A_86, %ge3A : i32
      %convert_element_type3A_93 = arith.extui %ge3A_92 : i1 to i32
      %cond3A_94 = arith.constant 0 : i32
      %cond3A_95 = arith.cmpi ne, %convert_element_type3A_93, %cond3A_94 : i32
      scf.if %cond3A_95 {
        %dma_wait3A = arith.constant 0 : i32
        %dma_wait3A_226 = arith.constant 0 : i32
        %dma_wait3A_227 = tpu.memref_slice %arg10[%dma_wait3A, %dma_wait3A_226] : memref<64x512xf32, #tpu.memory_space<vmem>> -> memref<64x128xf32, #tpu.memory_space<vmem>>
        %dma_wait3A_228 = arith.constant 0 : i32
        %dma_wait3A_229 = arith.constant 0 : i32
        %dma_wait3A_230 = tpu.memref_slice %arg4[%div3A_83, %dma_wait3A_228, %dma_wait3A_229] : memref<26x64x128xf32, #tpu.memory_space<hbm>> -> memref<1x64x128xf32, #tpu.memory_space<hbm>>
        %dma_wait3A_231 = tpu.memref_squeeze %dma_wait3A_230 : memref<1x64x128xf32, #tpu.memory_space<hbm>> -> memref<64x128xf32, #tpu.memory_space<hbm>>
        %dma_wait3A_232 = arith.constant 0 : i32
        %dma_wait3A_233 = arith.constant 0 : i32
        %dma_wait3A_234 = tpu.memref_slice %arg10[%dma_wait3A_232, %dma_wait3A_233] : memref<64x512xf32, #tpu.memory_space<vmem>> -> memref<64x128xf32, #tpu.memory_space<vmem>>
        %dma_wait3A_235 = arith.constant 0 : i32
        %dma_wait3A_236 = arith.constant 0 : i32
        %dma_wait3A_237 = tpu.memref_slice %arg4[%div3A_83, %dma_wait3A_235, %dma_wait3A_236] : memref<26x64x128xf32, #tpu.memory_space<hbm>> -> memref<1x64x128xf32, #tpu.memory_space<hbm>>
        %dma_wait3A_238 = tpu.memref_squeeze %dma_wait3A_237 : memref<1x64x128xf32, #tpu.memory_space<hbm>> -> memref<64x128xf32, #tpu.memory_space<hbm>>
        tpu.wait_dma2 semaphore(%arg15 : memref<!tpu.dma_semaphore, #tpu.memory_space<semaphore_mem>>) src(%dma_wait3A_238 : memref<64x128xf32, #tpu.memory_space<hbm>>) dst(%dma_wait3A_234 : memref<64x128xf32, #tpu.memory_space<vmem>>)
      } else {
      }
      %lt3A_96 = arith.cmpi slt, %add3A_81, %add3A_9 : i32
      %convert_element_type3A_97 = arith.extui %lt3A_96 : i1 to i32
      %cond3A_98 = arith.constant 0 : i32
      %cond3A_99 = arith.cmpi ne, %convert_element_type3A_97, %cond3A_98 : i32
      scf.if %cond3A_99 {
        %div3A_226 = arith.constant 197 : i32
        %div3A_227 = arith.divsi %add3A_81, %div3A_226 : i32
        %mul3A_228 = arith.constant 197 : i32
        %mul3A_229 = arith.muli %div3A_227, %mul3A_228 : i32
        %sub3A_230 = arith.subi %add3A_81, %mul3A_229 : i32
        %lt3A_231 = arith.constant 195 : i32
        %lt3A_232 = arith.cmpi slt, %sub3A_230, %lt3A_231 : i32
        %convert_element_type3A_233 = arith.extui %lt3A_232 : i1 to i32
        %cond3A_234 = arith.constant 0 : i32
        %cond3A_235 = arith.cmpi ne, %convert_element_type3A_233, %cond3A_234 : i32
        scf.if %cond3A_235 {
          %mul3A_246 = arith.constant 512 : i32
          %mul3A_247 = arith.muli %sub3A_230, %mul3A_246 : i32
          %dma_start3A = arith.constant 0 : i32
          %dma_start3A_248 = tpu.memref_slice %arg2[%div3A_227, %dma_start3A, %mul3A_247] : memref<26x64x100001xf32, #tpu.memory_space<hbm>> -> memref<1x64x512xf32, #tpu.memory_space<hbm>>
          %dma_start3A_249 = tpu.memref_squeeze %dma_start3A_248 : memref<1x64x512xf32, #tpu.memory_space<hbm>> -> memref<64x512xf32, #tpu.memory_space<hbm>>
          %dma_start3A_250 = arith.constant 0 : i32
          %dma_start3A_251 = tpu.memref_slice %arg2[%div3A_227, %dma_start3A_250, %mul3A_247] : memref<26x64x100001xf32, #tpu.memory_space<hbm>> -> memref<1x64x512xf32, #tpu.memory_space<hbm>>
          %dma_start3A_252 = tpu.memref_squeeze %dma_start3A_251 : memref<1x64x512xf32, #tpu.memory_space<hbm>> -> memref<64x512xf32, #tpu.memory_space<hbm>>
          tpu.enqueue_dma source(%dma_start3A_252 : memref<64x512xf32, #tpu.memory_space<hbm>>) target(%arg11 : memref<64x512xf32, #tpu.memory_space<vmem>>) target_semaphore(%arg16 : memref<!tpu.dma_semaphore, #tpu.memory_space<semaphore_mem>>)
        } else {
        }
        %eq3A_236 = arith.constant 195 : i32
        %eq3A_237 = arith.cmpi eq, %sub3A_230, %eq3A_236 : i32
        %convert_element_type3A_238 = arith.extui %eq3A_237 : i1 to i32
        %cond3A_239 = arith.constant 0 : i32
        %cond3A_240 = arith.cmpi ne, %convert_element_type3A_238, %cond3A_239 : i32
        scf.if %cond3A_240 {
          %dma_start3A = arith.constant 0 : i32
          %dma_start3A_246 = arith.constant 0 : i32
          %dma_start3A_247 = tpu.memref_slice %arg11[%dma_start3A, %dma_start3A_246] : memref<64x512xf32, #tpu.memory_space<vmem>> -> memref<64x128xf32, #tpu.memory_space<vmem>>
          %dma_start3A_248 = arith.constant 0 : i32
          %dma_start3A_249 = arith.constant 99840 : i32
          %dma_start3A_250 = tpu.memref_slice %arg2[%div3A_227, %dma_start3A_248, %dma_start3A_249] : memref<26x64x100001xf32, #tpu.memory_space<hbm>> -> memref<1x64x128xf32, #tpu.memory_space<hbm>>
          %dma_start3A_251 = tpu.memref_squeeze %dma_start3A_250 : memref<1x64x128xf32, #tpu.memory_space<hbm>> -> memref<64x128xf32, #tpu.memory_space<hbm>>
          %dma_start3A_252 = arith.constant 0 : i32
          %dma_start3A_253 = arith.constant 0 : i32
          %dma_start3A_254 = tpu.memref_slice %arg11[%dma_start3A_252, %dma_start3A_253] : memref<64x512xf32, #tpu.memory_space<vmem>> -> memref<64x128xf32, #tpu.memory_space<vmem>>
          %dma_start3A_255 = arith.constant 0 : i32
          %dma_start3A_256 = arith.constant 99840 : i32
          %dma_start3A_257 = tpu.memref_slice %arg2[%div3A_227, %dma_start3A_255, %dma_start3A_256] : memref<26x64x100001xf32, #tpu.memory_space<hbm>> -> memref<1x64x128xf32, #tpu.memory_space<hbm>>
          %dma_start3A_258 = tpu.memref_squeeze %dma_start3A_257 : memref<1x64x128xf32, #tpu.memory_space<hbm>> -> memref<64x128xf32, #tpu.memory_space<hbm>>
          tpu.enqueue_dma source(%dma_start3A_258 : memref<64x128xf32, #tpu.memory_space<hbm>>) target(%dma_start3A_254 : memref<64x128xf32, #tpu.memory_space<vmem>>) target_semaphore(%arg16 : memref<!tpu.dma_semaphore, #tpu.memory_space<semaphore_mem>>)
        } else {
        }
        %eq3A_241 = arith.constant 196 : i32
        %eq3A_242 = arith.cmpi eq, %sub3A_230, %eq3A_241 : i32
        %convert_element_type3A_243 = arith.extui %eq3A_242 : i1 to i32
        %cond3A_244 = arith.constant 0 : i32
        %cond3A_245 = arith.cmpi ne, %convert_element_type3A_243, %cond3A_244 : i32
        scf.if %cond3A_245 {
          %dma_start3A = arith.constant 0 : i32
          %dma_start3A_246 = arith.constant 0 : i32
          %dma_start3A_247 = tpu.memref_slice %arg11[%dma_start3A, %dma_start3A_246] : memref<64x512xf32, #tpu.memory_space<vmem>> -> memref<64x128xf32, #tpu.memory_space<vmem>>
          %dma_start3A_248 = arith.constant 0 : i32
          %dma_start3A_249 = arith.constant 0 : i32
          %dma_start3A_250 = tpu.memref_slice %arg4[%div3A_227, %dma_start3A_248, %dma_start3A_249] : memref<26x64x128xf32, #tpu.memory_space<hbm>> -> memref<1x64x128xf32, #tpu.memory_space<hbm>>
          %dma_start3A_251 = tpu.memref_squeeze %dma_start3A_250 : memref<1x64x128xf32, #tpu.memory_space<hbm>> -> memref<64x128xf32, #tpu.memory_space<hbm>>
          %dma_start3A_252 = arith.constant 0 : i32
          %dma_start3A_253 = arith.constant 0 : i32
          %dma_start3A_254 = tpu.memref_slice %arg11[%dma_start3A_252, %dma_start3A_253] : memref<64x512xf32, #tpu.memory_space<vmem>> -> memref<64x128xf32, #tpu.memory_space<vmem>>
          %dma_start3A_255 = arith.constant 0 : i32
          %dma_start3A_256 = arith.constant 0 : i32
          %dma_start3A_257 = tpu.memref_slice %arg4[%div3A_227, %dma_start3A_255, %dma_start3A_256] : memref<26x64x128xf32, #tpu.memory_space<hbm>> -> memref<1x64x128xf32, #tpu.memory_space<hbm>>
          %dma_start3A_258 = tpu.memref_squeeze %dma_start3A_257 : memref<1x64x128xf32, #tpu.memory_space<hbm>> -> memref<64x128xf32, #tpu.memory_space<hbm>>
          tpu.enqueue_dma source(%dma_start3A_258 : memref<64x128xf32, #tpu.memory_space<hbm>>) target(%dma_start3A_254 : memref<64x128xf32, #tpu.memory_space<vmem>>) target_semaphore(%arg16 : memref<!tpu.dma_semaphore, #tpu.memory_space<semaphore_mem>>)
        } else {
        }
      } else {
      }
      %lt3A_100 = arith.cmpi slt, %add3A_79, %add3A_9 : i32
      %div3A_101 = arith.constant 197 : i32
      %div3A_102 = arith.divsi %add3A_79, %div3A_101 : i32
      %mul3A_103 = arith.constant 197 : i32
      %mul3A_104 = arith.muli %div3A_102, %mul3A_103 : i32
      %sub3A_105 = arith.subi %add3A_79, %mul3A_104 : i32
      %sub3A_106 = arith.subi %div3A_102, %div3A_10 : i32
      %min3A_107 = arith.constant 1 : i32
      %min3A_108 = arith.minsi %sub3A_106, %min3A_107 : i32
      %shift_right_logical3A = arith.constant 4 : i32
      %shift_right_logical3A_109 = arith.shrui %sub3A_105, %shift_right_logical3A : i32
      %mul3A_110 = arith.constant 16 : i32
      %mul3A_111 = arith.muli %min3A_108, %mul3A_110 : i32
      %add3A_112 = arith.addi %mul3A_111, %shift_right_logical3A_109 : i32
      %get3A = arith.index_cast %add3A_112 : i32 to index
      %get3A_113 = memref.load %arg14[%get3A] : memref<64xi32, #tpu.memory_space<smem>>
      %mul3A_114 = arith.constant 16 : i32
      %mul3A_115 = arith.muli %min3A_108, %mul3A_114 : i32
      %add3A_116 = arith.addi %mul3A_115, %shift_right_logical3A_109 : i32
      %add3A_117 = arith.constant 1 : i32
      %add3A_118 = arith.addi %add3A_116, %add3A_117 : i32
      %get3A_119 = arith.index_cast %add3A_118 : i32 to index
      %get3A_120 = memref.load %arg14[%get3A_119] : memref<64xi32, #tpu.memory_space<smem>>
      %sub3A_121 = arith.subi %get3A_120, %get3A_113 : i32
      %jit3A_122 = arith.constant 0 : i32
      %select_n3A_123 = arith.select %lt3A_100, %sub3A_121, %jit3A_122 : i32
      %add3A_124 = arith.constant 15 : i32
      %add3A_125 = arith.addi %select_n3A_123, %add3A_124 : i32
      %div3A_126 = arith.constant 16 : i32
      %div3A_127 = arith.divsi %add3A_125, %div3A_126 : i32
      %while3A_128 = arith.constant 0 : i32
      %while3A_129 = arith.constant 0 : i32
      %while3A_130 = arith.subi %div3A_127, %while3A_128 : i32
      %while3A_131 = arith.addi %while3A_128, %while3A_130 : i32
      %while3A_132 = arith.constant 1 : i32
      %while3A_133 = arith.divsi %while3A_130, %while3A_132 : i32
      %while3A_134 = arith.muli %while3A_133, %while3A_132 : i32
      %while3A_135 = arith.addi %while3A_128, %while3A_134 : i32
      %while3A_136 = arith.constant 1 : i32
      %while3A_137 = scf.for %while3A_226 = %while3A_128 to %while3A_135 step %while3A_136 iter_args(%while3A_227 = %while3A_129) -> (i32)  : i32 {
        %mul3A_228 = arith.constant 16 : i32
        %mul3A_229 = arith.muli %while3A_226, %mul3A_228 : i32
        %add3A_230 = arith.addi %get3A_113, %mul3A_229 : i32
        %get3A_231 = arith.index_cast %add3A_230 : i32 to index
        %get3A_232 = tpu.vector_load %arg8[%get3A_231] {strides = array<i32>} : memref<8240xi32, #tpu.memory_space<vmem>>, vector<16xi32>,
        %and3A_233 = arith.constant 131071 : i32
        %and3A_234 = vector.broadcast %and3A_233 : i32 to vector<16xi32>
        %and3A_235 = arith.andi %get3A_232, %and3A_234 : vector<16xi32>
        %mul3A_236 = arith.constant 16 : i32
        %mul3A_237 = arith.muli %while3A_226, %mul3A_236 : i32
        %add3A_238 = vector.broadcast %mul3A_237 : i32 to vector<16xi32>
        %add3A_239 = arith.addi %add3A_238, %iota3A : vector<16xi32>
        %lt3A_240 = vector.broadcast %select_n3A_123 : i32 to vector<16xi32>
        %lt3A_241 = arith.cmpi slt, %add3A_239, %lt3A_240 : vector<16xi32>
        %shift_right_logical3A_242 = arith.constant 9 : i32
        %shift_right_logical3A_243 = vector.broadcast %shift_right_logical3A_242 : i32 to vector<16xi32>
        %shift_right_logical3A_244 = arith.shrui %and3A_235, %shift_right_logical3A_243 : vector<16xi32>
        %ge3A_245 = arith.constant 99968 : i32
        %ge3A_246 = vector.broadcast %ge3A_245 : i32 to vector<16xi32>
        %ge3A_247 = arith.cmpi sge, %and3A_235, %ge3A_246 : vector<16xi32>
        %jit3A_248 = arith.constant 1 : i32
        %jit3A_249 = arith.constant 0 : i32
        %broadcast_in_dim3A_250 = vector.broadcast %jit3A_248 : i32 to vector<16xi32>
        %broadcast_in_dim3A_251 = vector.broadcast %jit3A_249 : i32 to vector<16xi32>
        %select_n3A_252 = arith.select %ge3A_247, %broadcast_in_dim3A_250, %broadcast_in_dim3A_251 : vector<16xi1>, vector<16xi32>
        %add3A_253 = arith.addi %shift_right_logical3A_244, %select_n3A_252 : vector<16xi32>
        %eq3A_254 = vector.broadcast %sub3A_105 : i32 to vector<16xi32>
        %eq3A_255 = arith.cmpi eq, %add3A_253, %eq3A_254 : vector<16xi32>
        %and3A_256 = arith.andi %lt3A_241, %eq3A_255 : vector<16xi1>
        %convert_element_type3A_257 = arith.extui %and3A_256 : vector<16xi1> to vector<16xi32>
        %broadcast_in_dim3A_258 = arith.constant true
        %broadcast_in_dim3A_259 = vector.broadcast %broadcast_in_dim3A_258 : i1 to vector<16xi1>
        %masked_cumsum3A = tpu.scan <sum>, %convert_element_type3A_257 masked %broadcast_in_dim3A_259 : vector<16xi32>, vector<16xi1> -> vector<16xi32>
        %sub3A_260 = arith.constant 1 : i32
        %sub3A_261 = vector.broadcast %sub3A_260 : i32 to vector<16xi32>
        %sub3A_262 = arith.subi %masked_cumsum3A, %sub3A_261 : vector<16xi32>
        %add3A_263 = vector.broadcast %while3A_227 : i32 to vector<16xi32>
        %add3A_264 = arith.addi %add3A_263, %sub3A_262 : vector<16xi32>
        %jit3A_265 = arith.constant 4112 : i32
        %broadcast_in_dim3A_266 = vector.broadcast %jit3A_265 : i32 to vector<16xi32>
        %select_n3A_267 = arith.select %and3A_256, %add3A_264, %broadcast_in_dim3A_266 : vector<16xi1>, vector<16xi32>
        tpu.vector_store_idx %arg9[%select_n3A_267], %get3A_232 : memref<4128xi32, #tpu.memory_space<vmem>>[vector<16xi32>], vector<16xi32>,
        %reduce_sum3A = arith.constant true
        %reduce_sum3A_268 = vector.broadcast %reduce_sum3A : i1 to vector<16xi1>
        %reduce_sum3A_269 = tpu.scan <sum>, %convert_element_type3A_257 masked %reduce_sum3A_268 : vector<16xi32>, vector<16xi1> -> vector<16xi32>
        %reduce_sum3A_270 = vector.extract %reduce_sum3A_269[15] : i32 from vector<16xi32>
        %add3A_271 = arith.addi %while3A_227, %reduce_sum3A_270 : i32
        scf.yield %add3A_271 : i32
      }
      %while3A_138 = arith.constant 1 : i32
      %while3A_139 = scf.for %while3A_226 = %while3A_135 to %while3A_131 step %while3A_138 iter_args(%while3A_227 = %while3A_137) -> (i32)  : i32 {
        %mul3A_228 = arith.constant 16 : i32
        %mul3A_229 = arith.muli %while3A_226, %mul3A_228 : i32
        %add3A_230 = arith.addi %get3A_113, %mul3A_229 : i32
        %get3A_231 = arith.index_cast %add3A_230 : i32 to index
        %get3A_232 = tpu.vector_load %arg8[%get3A_231] {strides = array<i32>} : memref<8240xi32, #tpu.memory_space<vmem>>, vector<16xi32>,
        %and3A_233 = arith.constant 131071 : i32
        %and3A_234 = vector.broadcast %and3A_233 : i32 to vector<16xi32>
        %and3A_235 = arith.andi %get3A_232, %and3A_234 : vector<16xi32>
        %mul3A_236 = arith.constant 16 : i32
        %mul3A_237 = arith.muli %while3A_226, %mul3A_236 : i32
        %add3A_238 = vector.broadcast %mul3A_237 : i32 to vector<16xi32>
        %add3A_239 = arith.addi %add3A_238, %iota3A : vector<16xi32>
        %lt3A_240 = vector.broadcast %select_n3A_123 : i32 to vector<16xi32>
        %lt3A_241 = arith.cmpi slt, %add3A_239, %lt3A_240 : vector<16xi32>
        %shift_right_logical3A_242 = arith.constant 9 : i32
        %shift_right_logical3A_243 = vector.broadcast %shift_right_logical3A_242 : i32 to vector<16xi32>
        %shift_right_logical3A_244 = arith.shrui %and3A_235, %shift_right_logical3A_243 : vector<16xi32>
        %ge3A_245 = arith.constant 99968 : i32
        %ge3A_246 = vector.broadcast %ge3A_245 : i32 to vector<16xi32>
        %ge3A_247 = arith.cmpi sge, %and3A_235, %ge3A_246 : vector<16xi32>
        %jit3A_248 = arith.constant 1 : i32
        %jit3A_249 = arith.constant 0 : i32
        %broadcast_in_dim3A_250 = vector.broadcast %jit3A_248 : i32 to vector<16xi32>
        %broadcast_in_dim3A_251 = vector.broadcast %jit3A_249 : i32 to vector<16xi32>
        %select_n3A_252 = arith.select %ge3A_247, %broadcast_in_dim3A_250, %broadcast_in_dim3A_251 : vector<16xi1>, vector<16xi32>
        %add3A_253 = arith.addi %shift_right_logical3A_244, %select_n3A_252 : vector<16xi32>
        %eq3A_254 = vector.broadcast %sub3A_105 : i32 to vector<16xi32>
        %eq3A_255 = arith.cmpi eq, %add3A_253, %eq3A_254 : vector<16xi32>
        %and3A_256 = arith.andi %lt3A_241, %eq3A_255 : vector<16xi1>
        %convert_element_type3A_257 = arith.extui %and3A_256 : vector<16xi1> to vector<16xi32>
        %broadcast_in_dim3A_258 = arith.constant true
        %broadcast_in_dim3A_259 = vector.broadcast %broadcast_in_dim3A_258 : i1 to vector<16xi1>
        %masked_cumsum3A = tpu.scan <sum>, %convert_element_type3A_257 masked %broadcast_in_dim3A_259 : vector<16xi32>, vector<16xi1> -> vector<16xi32>
        %sub3A_260 = arith.constant 1 : i32
        %sub3A_261 = vector.broadcast %sub3A_260 : i32 to vector<16xi32>
        %sub3A_262 = arith.subi %masked_cumsum3A, %sub3A_261 : vector<16xi32>
        %add3A_263 = vector.broadcast %while3A_227 : i32 to vector<16xi32>
        %add3A_264 = arith.addi %add3A_263, %sub3A_262 : vector<16xi32>
        %jit3A_265 = arith.constant 4112 : i32
        %broadcast_in_dim3A_266 = vector.broadcast %jit3A_265 : i32 to vector<16xi32>
        %select_n3A_267 = arith.select %and3A_256, %add3A_264, %broadcast_in_dim3A_266 : vector<16xi1>, vector<16xi32>
        tpu.vector_store_idx %arg9[%select_n3A_267], %get3A_232 : memref<4128xi32, #tpu.memory_space<vmem>>[vector<16xi32>], vector<16xi32>,
        %reduce_sum3A = arith.constant true
        %reduce_sum3A_268 = vector.broadcast %reduce_sum3A : i1 to vector<16xi1>
        %reduce_sum3A_269 = tpu.scan <sum>, %convert_element_type3A_257 masked %reduce_sum3A_268 : vector<16xi32>, vector<16xi1> -> vector<16xi32>
        %reduce_sum3A_270 = vector.extract %reduce_sum3A_269[15] : i32 from vector<16xi32>
        %add3A_271 = arith.addi %while3A_227, %reduce_sum3A_270 : i32
        scf.yield %add3A_271 : i32
      }
      %eq3A_140 = arith.constant 196 : i32
      %eq3A_141 = arith.cmpi eq, %sub3A_105, %eq3A_140 : i32
      %mul3A_142 = arith.constant 512 : i32
      %mul3A_143 = arith.muli %sub3A_105, %mul3A_142 : i32
      %jit3A_144 = arith.constant 99968 : i32
      %select_n3A_145 = arith.select %eq3A_141, %jit3A_144, %mul3A_143 : i32
      %while3A_146 = arith.constant 0 : i32
      %while3A_147 = arith.subi %while3A_139, %while3A_146 : i32
      %while3A_148 = arith.addi %while3A_146, %while3A_147 : i32
      %while3A_149 = arith.constant 1 : i32
      %while3A_150 = arith.divsi %while3A_147, %while3A_149 : i32
      %while3A_151 = arith.muli %while3A_150, %while3A_149 : i32
      %while3A_152 = arith.addi %while3A_146, %while3A_151 : i32
      %while3A_153 = arith.constant 1 : i32
      %while3A_154 = scf.for %while3A_226 = %while3A_146 to %while3A_152 step %while3A_153 iter_args(%while3A_227 = %while3A_76) -> (i32)  : i32 {
        %broadcast_in_dim3A_228 = vector.broadcast %while3A_226 : i32 to vector<16xi32>
        %gather3A = tpu.vector_load_idx %arg9[%broadcast_in_dim3A_228] : memref<4128xi32, #tpu.memory_space<vmem>>[vector<16xi32>], vector<16xi32>,
        %and3A_229 = arith.constant 131071 : i32
        %and3A_230 = vector.broadcast %and3A_229 : i32 to vector<16xi32>
        %and3A_231 = arith.andi %gather3A, %and3A_230 : vector<16xi32>
        %sub3A_232 = vector.broadcast %select_n3A_145 : i32 to vector<16xi32>
        %sub3A_233 = arith.subi %and3A_231, %sub3A_232 : vector<16xi32>
        %shift_right_logical3A_234 = arith.constant 17 : i32
        %shift_right_logical3A_235 = vector.broadcast %shift_right_logical3A_234 : i32 to vector<16xi32>
        %shift_right_logical3A_236 = arith.shrui %gather3A, %shift_right_logical3A_235 : vector<16xi32>
        %mul3A_237 = arith.constant 26 : i32
        %mul3A_238 = vector.broadcast %mul3A_237 : i32 to vector<16xi32>
        %mul3A_239 = arith.muli %shift_right_logical3A_236, %mul3A_238 : vector<16xi32>
        %add3A_240 = vector.broadcast %div3A_102 : i32 to vector<16xi32>
        %add3A_241 = arith.addi %mul3A_239, %add3A_240 : vector<16xi32>
        %and3A_242 = arith.constant 127 : i32
        %and3A_243 = arith.andi %while3A_227, %and3A_242 : i32
        %add3A_244 = arith.constant 0 : i32
        %add3A_245 = vector.broadcast %add3A_244 : i32 to vector<16xi32>
        %add3A_246 = arith.addi %iota3A, %add3A_245 : vector<16xi32>
        %gather3A_247 = tpu.vector_load_idx %arg10[%add3A_246, %sub3A_233] : memref<64x512xf32, #tpu.memory_space<vmem>>[vector<16xi32>, vector<16xi32>], vector<16xf32>,
        %swap3A = arith.index_cast %and3A_243 : i32 to index
        %swap3A_248 = arith.constant 0 : index
        %swap3A_249 = tpu.vector_load %arg12[%swap3A, %swap3A_248] {strides = array<i32>} : memref<128x128xf32, #tpu.memory_space<vmem>>, vector<16xf32>,
        tpu.vector_store %arg12[%swap3A, %swap3A_248], %gather3A_247 {strides = array<i32>} : memref<128x128xf32, #tpu.memory_space<vmem>>, vector<16xf32>,
        %add3A_250 = arith.constant 16 : i32
        %add3A_251 = vector.broadcast %add3A_250 : i32 to vector<16xi32>
        %add3A_252 = arith.addi %iota3A, %add3A_251 : vector<16xi32>
        %gather3A_253 = tpu.vector_load_idx %arg10[%add3A_252, %sub3A_233] : memref<64x512xf32, #tpu.memory_space<vmem>>[vector<16xi32>, vector<16xi32>], vector<16xf32>,
        %swap3A_254 = arith.index_cast %and3A_243 : i32 to index
        %swap3A_255 = arith.constant 16 : index
        %swap3A_256 = tpu.vector_load %arg12[%swap3A_254, %swap3A_255] {strides = array<i32>} : memref<128x128xf32, #tpu.memory_space<vmem>>, vector<16xf32>,
        tpu.vector_store %arg12[%swap3A_254, %swap3A_255], %gather3A_253 {strides = array<i32>} : memref<128x128xf32, #tpu.memory_space<vmem>>, vector<16xf32>,
        %add3A_257 = arith.constant 32 : i32
        %add3A_258 = vector.broadcast %add3A_257 : i32 to vector<16xi32>
        %add3A_259 = arith.addi %iota3A, %add3A_258 : vector<16xi32>
        %gather3A_260 = tpu.vector_load_idx %arg10[%add3A_259, %sub3A_233] : memref<64x512xf32, #tpu.memory_space<vmem>>[vector<16xi32>, vector<16xi32>], vector<16xf32>,
        %swap3A_261 = arith.index_cast %and3A_243 : i32 to index
        %swap3A_262 = arith.constant 32 : index
        %swap3A_263 = tpu.vector_load %arg12[%swap3A_261, %swap3A_262] {strides = array<i32>} : memref<128x128xf32, #tpu.memory_space<vmem>>, vector<16xf32>,
        tpu.vector_store %arg12[%swap3A_261, %swap3A_262], %gather3A_260 {strides = array<i32>} : memref<128x128xf32, #tpu.memory_space<vmem>>, vector<16xf32>,
        %add3A_264 = arith.constant 48 : i32
        %add3A_265 = vector.broadcast %add3A_264 : i32 to vector<16xi32>
        %add3A_266 = arith.addi %iota3A, %add3A_265 : vector<16xi32>
        %gather3A_267 = tpu.vector_load_idx %arg10[%add3A_266, %sub3A_233] : memref<64x512xf32, #tpu.memory_space<vmem>>[vector<16xi32>, vector<16xi32>], vector<16xf32>,
        %swap3A_268 = arith.index_cast %and3A_243 : i32 to index
        %swap3A_269 = arith.constant 48 : index
        %swap3A_270 = tpu.vector_load %arg12[%swap3A_268, %swap3A_269] {strides = array<i32>} : memref<128x128xf32, #tpu.memory_space<vmem>>, vector<16xf32>,
        tpu.vector_store %arg12[%swap3A_268, %swap3A_269], %gather3A_267 {strides = array<i32>} : memref<128x128xf32, #tpu.memory_space<vmem>>, vector<16xf32>,
        %broadcast_in_dim3A_271 = vector.broadcast %and3A_243 : i32 to vector<16xi32>
        tpu.vector_store_idx %arg13[%broadcast_in_dim3A_14, %broadcast_in_dim3A_271], %add3A_241 : memref<1x128xi32, #tpu.memory_space<vmem>>[vector<16xi32>, vector<16xi32>], vector<16xi32>,
        %eq3A_272 = arith.constant 127 : i32
        %eq3A_273 = arith.cmpi eq, %and3A_243, %eq3A_272 : i32
        %convert_element_type3A_274 = arith.extui %eq3A_273 : i1 to i32
        %cond3A_275 = arith.constant 0 : i32
        %cond3A_276 = arith.cmpi ne, %convert_element_type3A_274, %cond3A_275 : i32
        scf.if %cond3A_276 {
          %dma_start3A = arith.constant 0 : i32
          %dma_start3A_279 = arith.constant 0 : i32
          %dma_start3A_280 = tpu.memref_slice %arg13[%dma_start3A, %dma_start3A_279] : memref<1x128xi32, #tpu.memory_space<vmem>> -> memref<1x128xi32, #tpu.memory_space<vmem>>
          %dma_start3A_281 = tpu.memref_squeeze %dma_start3A_280 : memref<1x128xi32, #tpu.memory_space<vmem>> -> memref<128xi32, #tpu.memory_space<vmem>>
          %dma_start3A_282 = arith.constant 0 : i32
          %dma_start3A_283 = arith.constant 0 : i32
          %dma_start3A_284 = tpu.memref_slice %arg5[%dma_start3A_282, %dma_start3A_283] : memref<106496x128xf32, #tpu.memory_space<hbm>> -> memref<106496x128xf32, #tpu.memory_space<hbm>>
          tpu.enqueue_indirect_dma source(%arg12 : memref<128x128xf32, #tpu.memory_space<vmem>>) target(%dma_start3A_284 : memref<106496x128xf32, #tpu.memory_space<hbm>>) offsets(%dma_start3A_281 : memref<128xi32, #tpu.memory_space<vmem>>) semaphore(%arg17 : memref<!tpu.dma_semaphore, #tpu.memory_space<semaphore_mem>>)
          %dma_wait3A = arith.constant 0 : i32
          %dma_wait3A_285 = arith.constant 0 : i32
          %dma_wait3A_286 = tpu.memref_slice %arg13[%dma_wait3A, %dma_wait3A_285] : memref<1x128xi32, #tpu.memory_space<vmem>> -> memref<1x128xi32, #tpu.memory_space<vmem>>
          %dma_wait3A_287 = tpu.memref_squeeze %dma_wait3A_286 : memref<1x128xi32, #tpu.memory_space<vmem>> -> memref<128xi32, #tpu.memory_space<vmem>>
          %dma_wait3A_288 = arith.constant 0 : i32
          %dma_wait3A_289 = arith.constant 0 : i32
          %dma_wait3A_290 = tpu.memref_slice %arg5[%dma_wait3A_288, %dma_wait3A_289] : memref<106496x128xf32, #tpu.memory_space<hbm>> -> memref<106496x128xf32, #tpu.memory_space<hbm>>
          tpu.wait_indirect_dma semaphore(%arg17 : memref<!tpu.dma_semaphore, #tpu.memory_space<semaphore_mem>>) src(%arg12 : memref<128x128xf32, #tpu.memory_space<vmem>>) dst(%dma_wait3A_290 : memref<106496x128xf32, #tpu.memory_space<hbm>>)
        } else {
        }
        %add3A_277 = arith.constant 1 : i32
        %add3A_278 = arith.addi %while3A_227, %add3A_277 : i32
        scf.yield %add3A_278 : i32
      }
      %while3A_155 = arith.constant 1 : i32
      %while3A_156 = scf.for %while3A_226 = %while3A_152 to %while3A_148 step %while3A_155 iter_args(%while3A_227 = %while3A_154) -> (i32)  : i32 {
        %broadcast_in_dim3A_228 = vector.broadcast %while3A_226 : i32 to vector<16xi32>
        %gather3A = tpu.vector_load_idx %arg9[%broadcast_in_dim3A_228] : memref<4128xi32, #tpu.memory_space<vmem>>[vector<16xi32>], vector<16xi32>,
        %and3A_229 = arith.constant 131071 : i32
        %and3A_230 = vector.broadcast %and3A_229 : i32 to vector<16xi32>
        %and3A_231 = arith.andi %gather3A, %and3A_230 : vector<16xi32>
        %sub3A_232 = vector.broadcast %select_n3A_145 : i32 to vector<16xi32>
        %sub3A_233 = arith.subi %and3A_231, %sub3A_232 : vector<16xi32>
        %shift_right_logical3A_234 = arith.constant 17 : i32
        %shift_right_logical3A_235 = vector.broadcast %shift_right_logical3A_234 : i32 to vector<16xi32>
        %shift_right_logical3A_236 = arith.shrui %gather3A, %shift_right_logical3A_235 : vector<16xi32>
        %mul3A_237 = arith.constant 26 : i32
        %mul3A_238 = vector.broadcast %mul3A_237 : i32 to vector<16xi32>
        %mul3A_239 = arith.muli %shift_right_logical3A_236, %mul3A_238 : vector<16xi32>
        %add3A_240 = vector.broadcast %div3A_102 : i32 to vector<16xi32>
        %add3A_241 = arith.addi %mul3A_239, %add3A_240 : vector<16xi32>
        %and3A_242 = arith.constant 127 : i32
        %and3A_243 = arith.andi %while3A_227, %and3A_242 : i32
        %add3A_244 = arith.constant 0 : i32
        %add3A_245 = vector.broadcast %add3A_244 : i32 to vector<16xi32>
        %add3A_246 = arith.addi %iota3A, %add3A_245 : vector<16xi32>
        %gather3A_247 = tpu.vector_load_idx %arg10[%add3A_246, %sub3A_233] : memref<64x512xf32, #tpu.memory_space<vmem>>[vector<16xi32>, vector<16xi32>], vector<16xf32>,
        %swap3A = arith.index_cast %and3A_243 : i32 to index
        %swap3A_248 = arith.constant 0 : index
        %swap3A_249 = tpu.vector_load %arg12[%swap3A, %swap3A_248] {strides = array<i32>} : memref<128x128xf32, #tpu.memory_space<vmem>>, vector<16xf32>,
        tpu.vector_store %arg12[%swap3A, %swap3A_248], %gather3A_247 {strides = array<i32>} : memref<128x128xf32, #tpu.memory_space<vmem>>, vector<16xf32>,
        %add3A_250 = arith.constant 16 : i32
        %add3A_251 = vector.broadcast %add3A_250 : i32 to vector<16xi32>
        %add3A_252 = arith.addi %iota3A, %add3A_251 : vector<16xi32>
        %gather3A_253 = tpu.vector_load_idx %arg10[%add3A_252, %sub3A_233] : memref<64x512xf32, #tpu.memory_space<vmem>>[vector<16xi32>, vector<16xi32>], vector<16xf32>,
        %swap3A_254 = arith.index_cast %and3A_243 : i32 to index
        %swap3A_255 = arith.constant 16 : index
        %swap3A_256 = tpu.vector_load %arg12[%swap3A_254, %swap3A_255] {strides = array<i32>} : memref<128x128xf32, #tpu.memory_space<vmem>>, vector<16xf32>,
        tpu.vector_store %arg12[%swap3A_254, %swap3A_255], %gather3A_253 {strides = array<i32>} : memref<128x128xf32, #tpu.memory_space<vmem>>, vector<16xf32>,
        %add3A_257 = arith.constant 32 : i32
        %add3A_258 = vector.broadcast %add3A_257 : i32 to vector<16xi32>
        %add3A_259 = arith.addi %iota3A, %add3A_258 : vector<16xi32>
        %gather3A_260 = tpu.vector_load_idx %arg10[%add3A_259, %sub3A_233] : memref<64x512xf32, #tpu.memory_space<vmem>>[vector<16xi32>, vector<16xi32>], vector<16xf32>,
        %swap3A_261 = arith.index_cast %and3A_243 : i32 to index
        %swap3A_262 = arith.constant 32 : index
        %swap3A_263 = tpu.vector_load %arg12[%swap3A_261, %swap3A_262] {strides = array<i32>} : memref<128x128xf32, #tpu.memory_space<vmem>>, vector<16xf32>,
        tpu.vector_store %arg12[%swap3A_261, %swap3A_262], %gather3A_260 {strides = array<i32>} : memref<128x128xf32, #tpu.memory_space<vmem>>, vector<16xf32>,
        %add3A_264 = arith.constant 48 : i32
        %add3A_265 = vector.broadcast %add3A_264 : i32 to vector<16xi32>
        %add3A_266 = arith.addi %iota3A, %add3A_265 : vector<16xi32>
        %gather3A_267 = tpu.vector_load_idx %arg10[%add3A_266, %sub3A_233] : memref<64x512xf32, #tpu.memory_space<vmem>>[vector<16xi32>, vector<16xi32>], vector<16xf32>,
        %swap3A_268 = arith.index_cast %and3A_243 : i32 to index
        %swap3A_269 = arith.constant 48 : index
        %swap3A_270 = tpu.vector_load %arg12[%swap3A_268, %swap3A_269] {strides = array<i32>} : memref<128x128xf32, #tpu.memory_space<vmem>>, vector<16xf32>,
        tpu.vector_store %arg12[%swap3A_268, %swap3A_269], %gather3A_267 {strides = array<i32>} : memref<128x128xf32, #tpu.memory_space<vmem>>, vector<16xf32>,
        %broadcast_in_dim3A_271 = vector.broadcast %and3A_243 : i32 to vector<16xi32>
        tpu.vector_store_idx %arg13[%broadcast_in_dim3A_14, %broadcast_in_dim3A_271], %add3A_241 : memref<1x128xi32, #tpu.memory_space<vmem>>[vector<16xi32>, vector<16xi32>], vector<16xi32>,
        %eq3A_272 = arith.constant 127 : i32
        %eq3A_273 = arith.cmpi eq, %and3A_243, %eq3A_272 : i32
        %convert_element_type3A_274 = arith.extui %eq3A_273 : i1 to i32
        %cond3A_275 = arith.constant 0 : i32
        %cond3A_276 = arith.cmpi ne, %convert_element_type3A_274, %cond3A_275 : i32
        scf.if %cond3A_276 {
          %dma_start3A = arith.constant 0 : i32
          %dma_start3A_279 = arith.constant 0 : i32
          %dma_start3A_280 = tpu.memref_slice %arg13[%dma_start3A, %dma_start3A_279] : memref<1x128xi32, #tpu.memory_space<vmem>> -> memref<1x128xi32, #tpu.memory_space<vmem>>
          %dma_start3A_281 = tpu.memref_squeeze %dma_start3A_280 : memref<1x128xi32, #tpu.memory_space<vmem>> -> memref<128xi32, #tpu.memory_space<vmem>>
          %dma_start3A_282 = arith.constant 0 : i32
          %dma_start3A_283 = arith.constant 0 : i32
          %dma_start3A_284 = tpu.memref_slice %arg5[%dma_start3A_282, %dma_start3A_283] : memref<106496x128xf32, #tpu.memory_space<hbm>> -> memref<106496x128xf32, #tpu.memory_space<hbm>>
          tpu.enqueue_indirect_dma source(%arg12 : memref<128x128xf32, #tpu.memory_space<vmem>>) target(%dma_start3A_284 : memref<106496x128xf32, #tpu.memory_space<hbm>>) offsets(%dma_start3A_281 : memref<128xi32, #tpu.memory_space<vmem>>) semaphore(%arg17 : memref<!tpu.dma_semaphore, #tpu.memory_space<semaphore_mem>>)
          %dma_wait3A = arith.constant 0 : i32
          %dma_wait3A_285 = arith.constant 0 : i32
          %dma_wait3A_286 = tpu.memref_slice %arg13[%dma_wait3A, %dma_wait3A_285] : memref<1x128xi32, #tpu.memory_space<vmem>> -> memref<1x128xi32, #tpu.memory_space<vmem>>
          %dma_wait3A_287 = tpu.memref_squeeze %dma_wait3A_286 : memref<1x128xi32, #tpu.memory_space<vmem>> -> memref<128xi32, #tpu.memory_space<vmem>>
          %dma_wait3A_288 = arith.constant 0 : i32
          %dma_wait3A_289 = arith.constant 0 : i32
          %dma_wait3A_290 = tpu.memref_slice %arg5[%dma_wait3A_288, %dma_wait3A_289] : memref<106496x128xf32, #tpu.memory_space<hbm>> -> memref<106496x128xf32, #tpu.memory_space<hbm>>
          tpu.wait_indirect_dma semaphore(%arg17 : memref<!tpu.dma_semaphore, #tpu.memory_space<semaphore_mem>>) src(%arg12 : memref<128x128xf32, #tpu.memory_space<vmem>>) dst(%dma_wait3A_290 : memref<106496x128xf32, #tpu.memory_space<hbm>>)
        } else {
        }
        %add3A_277 = arith.constant 1 : i32
        %add3A_278 = arith.addi %while3A_227, %add3A_277 : i32
        scf.yield %add3A_278 : i32
      }
      %lt3A_157 = arith.cmpi slt, %add3A_81, %add3A_9 : i32
      %convert_element_type3A_158 = arith.extui %lt3A_157 : i1 to i32
      %cond3A_159 = arith.constant 0 : i32
      %cond3A_160 = arith.cmpi ne, %convert_element_type3A_158, %cond3A_159 : i32
      scf.if %cond3A_160 {
        %div3A_226 = arith.constant 197 : i32
        %div3A_227 = arith.divsi %add3A_81, %div3A_226 : i32
        %mul3A_228 = arith.constant 197 : i32
        %mul3A_229 = arith.muli %div3A_227, %mul3A_228 : i32
        %sub3A_230 = arith.subi %add3A_81, %mul3A_229 : i32
        %lt3A_231 = arith.constant 195 : i32
        %lt3A_232 = arith.cmpi slt, %sub3A_230, %lt3A_231 : i32
        %convert_element_type3A_233 = arith.extui %lt3A_232 : i1 to i32
        %cond3A_234 = arith.constant 0 : i32
        %cond3A_235 = arith.cmpi ne, %convert_element_type3A_233, %cond3A_234 : i32
        scf.if %cond3A_235 {
          %mul3A_241 = arith.constant 512 : i32
          %mul3A_242 = arith.muli %sub3A_230, %mul3A_241 : i32
          %dma_wait3A = arith.constant 0 : i32
          %dma_wait3A_243 = tpu.memref_slice %arg2[%div3A_227, %dma_wait3A, %mul3A_242] : memref<26x64x100001xf32, #tpu.memory_space<hbm>> -> memref<1x64x512xf32, #tpu.memory_space<hbm>>
          %dma_wait3A_244 = tpu.memref_squeeze %dma_wait3A_243 : memref<1x64x512xf32, #tpu.memory_space<hbm>> -> memref<64x512xf32, #tpu.memory_space<hbm>>
          %dma_wait3A_245 = arith.constant 0 : i32
          %dma_wait3A_246 = tpu.memref_slice %arg2[%div3A_227, %dma_wait3A_245, %mul3A_242] : memref<26x64x100001xf32, #tpu.memory_space<hbm>> -> memref<1x64x512xf32, #tpu.memory_space<hbm>>
          %dma_wait3A_247 = tpu.memref_squeeze %dma_wait3A_246 : memref<1x64x512xf32, #tpu.memory_space<hbm>> -> memref<64x512xf32, #tpu.memory_space<hbm>>
          tpu.wait_dma2 semaphore(%arg16 : memref<!tpu.dma_semaphore, #tpu.memory_space<semaphore_mem>>) src(%dma_wait3A_247 : memref<64x512xf32, #tpu.memory_space<hbm>>) dst(%arg11 : memref<64x512xf32, #tpu.memory_space<vmem>>)
        } else {
        }
        %ge3A_236 = arith.constant 195 : i32
        %ge3A_237 = arith.cmpi sge, %sub3A_230, %ge3A_236 : i32
        %convert_element_type3A_238 = arith.extui %ge3A_237 : i1 to i32
        %cond3A_239 = arith.constant 0 : i32
        %cond3A_240 = arith.cmpi ne, %convert_element_type3A_238, %cond3A_239 : i32
        scf.if %cond3A_240 {
          %dma_wait3A = arith.constant 0 : i32
          %dma_wait3A_241 = arith.constant 0 : i32
          %dma_wait3A_242 = tpu.memref_slice %arg11[%dma_wait3A, %dma_wait3A_241] : memref<64x512xf32, #tpu.memory_space<vmem>> -> memref<64x128xf32, #tpu.memory_space<vmem>>
          %dma_wait3A_243 = arith.constant 0 : i32
          %dma_wait3A_244 = arith.constant 0 : i32
          %dma_wait3A_245 = tpu.memref_slice %arg4[%div3A_227, %dma_wait3A_243, %dma_wait3A_244] : memref<26x64x128xf32, #tpu.memory_space<hbm>> -> memref<1x64x128xf32, #tpu.memory_space<hbm>>
          %dma_wait3A_246 = tpu.memref_squeeze %dma_wait3A_245 : memref<1x64x128xf32, #tpu.memory_space<hbm>> -> memref<64x128xf32, #tpu.memory_space<hbm>>
          %dma_wait3A_247 = arith.constant 0 : i32
          %dma_wait3A_248 = arith.constant 0 : i32
          %dma_wait3A_249 = tpu.memref_slice %arg11[%dma_wait3A_247, %dma_wait3A_248] : memref<64x512xf32, #tpu.memory_space<vmem>> -> memref<64x128xf32, #tpu.memory_space<vmem>>
          %dma_wait3A_250 = arith.constant 0 : i32
          %dma_wait3A_251 = arith.constant 0 : i32
          %dma_wait3A_252 = tpu.memref_slice %arg4[%div3A_227, %dma_wait3A_250, %dma_wait3A_251] : memref<26x64x128xf32, #tpu.memory_space<hbm>> -> memref<1x64x128xf32, #tpu.memory_space<hbm>>
          %dma_wait3A_253 = tpu.memref_squeeze %dma_wait3A_252 : memref<1x64x128xf32, #tpu.memory_space<hbm>> -> memref<64x128xf32, #tpu.memory_space<hbm>>
          tpu.wait_dma2 semaphore(%arg16 : memref<!tpu.dma_semaphore, #tpu.memory_space<semaphore_mem>>) src(%dma_wait3A_253 : memref<64x128xf32, #tpu.memory_space<hbm>>) dst(%dma_wait3A_249 : memref<64x128xf32, #tpu.memory_space<vmem>>)
        } else {
        }
      } else {
      }
      %add3A_161 = arith.constant 1 : i32
      %add3A_162 = arith.addi %add3A_81, %add3A_161 : i32
      %lt3A_163 = arith.cmpi slt, %add3A_162, %add3A_9 : i32
      %convert_element_type3A_164 = arith.extui %lt3A_163 : i1 to i32
      %cond3A_165 = arith.constant 0 : i32
      %cond3A_166 = arith.cmpi ne, %convert_element_type3A_164, %cond3A_165 : i32
      scf.if %cond3A_166 {
        %add3A_226 = arith.constant 1 : i32
        %add3A_227 = arith.addi %add3A_81, %add3A_226 : i32
        %div3A_228 = arith.constant 197 : i32
        %div3A_229 = arith.divsi %add3A_227, %div3A_228 : i32
        %mul3A_230 = arith.constant 197 : i32
        %mul3A_231 = arith.muli %div3A_229, %mul3A_230 : i32
        %sub3A_232 = arith.subi %add3A_227, %mul3A_231 : i32
        %lt3A_233 = arith.constant 195 : i32
        %lt3A_234 = arith.cmpi slt, %sub3A_232, %lt3A_233 : i32
        %convert_element_type3A_235 = arith.extui %lt3A_234 : i1 to i32
        %cond3A_236 = arith.constant 0 : i32
        %cond3A_237 = arith.cmpi ne, %convert_element_type3A_235, %cond3A_236 : i32
        scf.if %cond3A_237 {
          %mul3A_248 = arith.constant 512 : i32
          %mul3A_249 = arith.muli %sub3A_232, %mul3A_248 : i32
          %dma_start3A = arith.constant 0 : i32
          %dma_start3A_250 = tpu.memref_slice %arg2[%div3A_229, %dma_start3A, %mul3A_249] : memref<26x64x100001xf32, #tpu.memory_space<hbm>> -> memref<1x64x512xf32, #tpu.memory_space<hbm>>
          %dma_start3A_251 = tpu.memref_squeeze %dma_start3A_250 : memref<1x64x512xf32, #tpu.memory_space<hbm>> -> memref<64x512xf32, #tpu.memory_space<hbm>>
          %dma_start3A_252 = arith.constant 0 : i32
          %dma_start3A_253 = tpu.memref_slice %arg2[%div3A_229, %dma_start3A_252, %mul3A_249] : memref<26x64x100001xf32, #tpu.memory_space<hbm>> -> memref<1x64x512xf32, #tpu.memory_space<hbm>>
          %dma_start3A_254 = tpu.memref_squeeze %dma_start3A_253 : memref<1x64x512xf32, #tpu.memory_space<hbm>> -> memref<64x512xf32, #tpu.memory_space<hbm>>
          tpu.enqueue_dma source(%dma_start3A_254 : memref<64x512xf32, #tpu.memory_space<hbm>>) target(%arg10 : memref<64x512xf32, #tpu.memory_space<vmem>>) target_semaphore(%arg15 : memref<!tpu.dma_semaphore, #tpu.memory_space<semaphore_mem>>)
        } else {
        }
        %eq3A_238 = arith.constant 195 : i32
        %eq3A_239 = arith.cmpi eq, %sub3A_232, %eq3A_238 : i32
        %convert_element_type3A_240 = arith.extui %eq3A_239 : i1 to i32
        %cond3A_241 = arith.constant 0 : i32
        %cond3A_242 = arith.cmpi ne, %convert_element_type3A_240, %cond3A_241 : i32
        scf.if %cond3A_242 {
          %dma_start3A = arith.constant 0 : i32
          %dma_start3A_248 = arith.constant 0 : i32
          %dma_start3A_249 = tpu.memref_slice %arg10[%dma_start3A, %dma_start3A_248] : memref<64x512xf32, #tpu.memory_space<vmem>> -> memref<64x128xf32, #tpu.memory_space<vmem>>
          %dma_start3A_250 = arith.constant 0 : i32
          %dma_start3A_251 = arith.constant 99840 : i32
          %dma_start3A_252 = tpu.memref_slice %arg2[%div3A_229, %dma_start3A_250, %dma_start3A_251] : memref<26x64x100001xf32, #tpu.memory_space<hbm>> -> memref<1x64x128xf32, #tpu.memory_space<hbm>>
          %dma_start3A_253 = tpu.memref_squeeze %dma_start3A_252 : memref<1x64x128xf32, #tpu.memory_space<hbm>> -> memref<64x128xf32, #tpu.memory_space<hbm>>
          %dma_start3A_254 = arith.constant 0 : i32
          %dma_start3A_255 = arith.constant 0 : i32
          %dma_start3A_256 = tpu.memref_slice %arg10[%dma_start3A_254, %dma_start3A_255] : memref<64x512xf32, #tpu.memory_space<vmem>> -> memref<64x128xf32, #tpu.memory_space<vmem>>
          %dma_start3A_257 = arith.constant 0 : i32
          %dma_start3A_258 = arith.constant 99840 : i32
          %dma_start3A_259 = tpu.memref_slice %arg2[%div3A_229, %dma_start3A_257, %dma_start3A_258] : memref<26x64x100001xf32, #tpu.memory_space<hbm>> -> memref<1x64x128xf32, #tpu.memory_space<hbm>>
          %dma_start3A_260 = tpu.memref_squeeze %dma_start3A_259 : memref<1x64x128xf32, #tpu.memory_space<hbm>> -> memref<64x128xf32, #tpu.memory_space<hbm>>
          tpu.enqueue_dma source(%dma_start3A_260 : memref<64x128xf32, #tpu.memory_space<hbm>>) target(%dma_start3A_256 : memref<64x128xf32, #tpu.memory_space<vmem>>) target_semaphore(%arg15 : memref<!tpu.dma_semaphore, #tpu.memory_space<semaphore_mem>>)
        } else {
        }
        %eq3A_243 = arith.constant 196 : i32
        %eq3A_244 = arith.cmpi eq, %sub3A_232, %eq3A_243 : i32
        %convert_element_type3A_245 = arith.extui %eq3A_244 : i1 to i32
        %cond3A_246 = arith.constant 0 : i32
        %cond3A_247 = arith.cmpi ne, %convert_element_type3A_245, %cond3A_246 : i32
        scf.if %cond3A_247 {
          %dma_start3A = arith.constant 0 : i32
          %dma_start3A_248 = arith.constant 0 : i32
          %dma_start3A_249 = tpu.memref_slice %arg10[%dma_start3A, %dma_start3A_248] : memref<64x512xf32, #tpu.memory_space<vmem>> -> memref<64x128xf32, #tpu.memory_space<vmem>>
          %dma_start3A_250 = arith.constant 0 : i32
          %dma_start3A_251 = arith.constant 0 : i32
          %dma_start3A_252 = tpu.memref_slice %arg4[%div3A_229, %dma_start3A_250, %dma_start3A_251] : memref<26x64x128xf32, #tpu.memory_space<hbm>> -> memref<1x64x128xf32, #tpu.memory_space<hbm>>
          %dma_start3A_253 = tpu.memref_squeeze %dma_start3A_252 : memref<1x64x128xf32, #tpu.memory_space<hbm>> -> memref<64x128xf32, #tpu.memory_space<hbm>>
          %dma_start3A_254 = arith.constant 0 : i32
          %dma_start3A_255 = arith.constant 0 : i32
          %dma_start3A_256 = tpu.memref_slice %arg10[%dma_start3A_254, %dma_start3A_255] : memref<64x512xf32, #tpu.memory_space<vmem>> -> memref<64x128xf32, #tpu.memory_space<vmem>>
          %dma_start3A_257 = arith.constant 0 : i32
          %dma_start3A_258 = arith.constant 0 : i32
          %dma_start3A_259 = tpu.memref_slice %arg4[%div3A_229, %dma_start3A_257, %dma_start3A_258] : memref<26x64x128xf32, #tpu.memory_space<hbm>> -> memref<1x64x128xf32, #tpu.memory_space<hbm>>
          %dma_start3A_260 = tpu.memref_squeeze %dma_start3A_259 : memref<1x64x128xf32, #tpu.memory_space<hbm>> -> memref<64x128xf32, #tpu.memory_space<hbm>>
          tpu.enqueue_dma source(%dma_start3A_260 : memref<64x128xf32, #tpu.memory_space<hbm>>) target(%dma_start3A_256 : memref<64x128xf32, #tpu.memory_space<vmem>>) target_semaphore(%arg15 : memref<!tpu.dma_semaphore, #tpu.memory_space<semaphore_mem>>)
        } else {
        }
      } else {
      }
      %lt3A_167 = arith.cmpi slt, %add3A_81, %add3A_9 : i32
      %div3A_168 = arith.constant 197 : i32
      %div3A_169 = arith.divsi %add3A_81, %div3A_168 : i32
      %mul3A_170 = arith.constant 197 : i32
      %mul3A_171 = arith.muli %div3A_169, %mul3A_170 : i32
      %sub3A_172 = arith.subi %add3A_81, %mul3A_171 : i32
      %sub3A_173 = arith.subi %div3A_169, %div3A_10 : i32
      %min3A_174 = arith.constant 1 : i32
      %min3A_175 = arith.minsi %sub3A_173, %min3A_174 : i32
      %shift_right_logical3A_176 = arith.constant 4 : i32
      %shift_right_logical3A_177 = arith.shrui %sub3A_172, %shift_right_logical3A_176 : i32
      %mul3A_178 = arith.constant 16 : i32
      %mul3A_179 = arith.muli %min3A_175, %mul3A_178 : i32
      %add3A_180 = arith.addi %mul3A_179, %shift_right_logical3A_177 : i32
      %get3A_181 = arith.index_cast %add3A_180 : i32 to index
      %get3A_182 = memref.load %arg14[%get3A_181] : memref<64xi32, #tpu.memory_space<smem>>
      %mul3A_183 = arith.constant 16 : i32
      %mul3A_184 = arith.muli %min3A_175, %mul3A_183 : i32
      %add3A_185 = arith.addi %mul3A_184, %shift_right_logical3A_177 : i32
      %add3A_186 = arith.constant 1 : i32
      %add3A_187 = arith.addi %add3A_185, %add3A_186 : i32
      %get3A_188 = arith.index_cast %add3A_187 : i32 to index
      %get3A_189 = memref.load %arg14[%get3A_188] : memref<64xi32, #tpu.memory_space<smem>>
      %sub3A_190 = arith.subi %get3A_189, %get3A_182 : i32
      %jit3A_191 = arith.constant 0 : i32
      %select_n3A_192 = arith.select %lt3A_167, %sub3A_190, %jit3A_191 : i32
      %add3A_193 = arith.constant 15 : i32
      %add3A_194 = arith.addi %select_n3A_192, %add3A_193 : i32
      %div3A_195 = arith.constant 16 : i32
      %div3A_196 = arith.divsi %add3A_194, %div3A_195 : i32
      %while3A_197 = arith.constant 0 : i32
      %while3A_198 = arith.constant 0 : i32
      %while3A_199 = arith.subi %div3A_196, %while3A_197 : i32
      %while3A_200 = arith.addi %while3A_197, %while3A_199 : i32
      %while3A_201 = arith.constant 1 : i32
      %while3A_202 = arith.divsi %while3A_199, %while3A_201 : i32
      %while3A_203 = arith.muli %while3A_202, %while3A_201 : i32
      %while3A_204 = arith.addi %while3A_197, %while3A_203 : i32
      %while3A_205 = arith.constant 1 : i32
      %while3A_206 = scf.for %while3A_226 = %while3A_197 to %while3A_204 step %while3A_205 iter_args(%while3A_227 = %while3A_198) -> (i32)  : i32 {
        %mul3A_228 = arith.constant 16 : i32
        %mul3A_229 = arith.muli %while3A_226, %mul3A_228 : i32
        %add3A_230 = arith.addi %get3A_182, %mul3A_229 : i32
        %get3A_231 = arith.index_cast %add3A_230 : i32 to index
        %get3A_232 = tpu.vector_load %arg8[%get3A_231] {strides = array<i32>} : memref<8240xi32, #tpu.memory_space<vmem>>, vector<16xi32>,
        %and3A_233 = arith.constant 131071 : i32
        %and3A_234 = vector.broadcast %and3A_233 : i32 to vector<16xi32>
        %and3A_235 = arith.andi %get3A_232, %and3A_234 : vector<16xi32>
        %mul3A_236 = arith.constant 16 : i32
        %mul3A_237 = arith.muli %while3A_226, %mul3A_236 : i32
        %add3A_238 = vector.broadcast %mul3A_237 : i32 to vector<16xi32>
        %add3A_239 = arith.addi %add3A_238, %iota3A : vector<16xi32>
        %lt3A_240 = vector.broadcast %select_n3A_192 : i32 to vector<16xi32>
        %lt3A_241 = arith.cmpi slt, %add3A_239, %lt3A_240 : vector<16xi32>
        %shift_right_logical3A_242 = arith.constant 9 : i32
        %shift_right_logical3A_243 = vector.broadcast %shift_right_logical3A_242 : i32 to vector<16xi32>
        %shift_right_logical3A_244 = arith.shrui %and3A_235, %shift_right_logical3A_243 : vector<16xi32>
        %ge3A_245 = arith.constant 99968 : i32
        %ge3A_246 = vector.broadcast %ge3A_245 : i32 to vector<16xi32>
        %ge3A_247 = arith.cmpi sge, %and3A_235, %ge3A_246 : vector<16xi32>
        %jit3A_248 = arith.constant 1 : i32
        %jit3A_249 = arith.constant 0 : i32
        %broadcast_in_dim3A_250 = vector.broadcast %jit3A_248 : i32 to vector<16xi32>
        %broadcast_in_dim3A_251 = vector.broadcast %jit3A_249 : i32 to vector<16xi32>
        %select_n3A_252 = arith.select %ge3A_247, %broadcast_in_dim3A_250, %broadcast_in_dim3A_251 : vector<16xi1>, vector<16xi32>
        %add3A_253 = arith.addi %shift_right_logical3A_244, %select_n3A_252 : vector<16xi32>
        %eq3A_254 = vector.broadcast %sub3A_172 : i32 to vector<16xi32>
        %eq3A_255 = arith.cmpi eq, %add3A_253, %eq3A_254 : vector<16xi32>
        %and3A_256 = arith.andi %lt3A_241, %eq3A_255 : vector<16xi1>
        %convert_element_type3A_257 = arith.extui %and3A_256 : vector<16xi1> to vector<16xi32>
        %broadcast_in_dim3A_258 = arith.constant true
        %broadcast_in_dim3A_259 = vector.broadcast %broadcast_in_dim3A_258 : i1 to vector<16xi1>
        %masked_cumsum3A = tpu.scan <sum>, %convert_element_type3A_257 masked %broadcast_in_dim3A_259 : vector<16xi32>, vector<16xi1> -> vector<16xi32>
        %sub3A_260 = arith.constant 1 : i32
        %sub3A_261 = vector.broadcast %sub3A_260 : i32 to vector<16xi32>
        %sub3A_262 = arith.subi %masked_cumsum3A, %sub3A_261 : vector<16xi32>
        %add3A_263 = vector.broadcast %while3A_227 : i32 to vector<16xi32>
        %add3A_264 = arith.addi %add3A_263, %sub3A_262 : vector<16xi32>
        %jit3A_265 = arith.constant 4112 : i32
        %broadcast_in_dim3A_266 = vector.broadcast %jit3A_265 : i32 to vector<16xi32>
        %select_n3A_267 = arith.select %and3A_256, %add3A_264, %broadcast_in_dim3A_266 : vector<16xi1>, vector<16xi32>
        tpu.vector_store_idx %arg9[%select_n3A_267], %get3A_232 : memref<4128xi32, #tpu.memory_space<vmem>>[vector<16xi32>], vector<16xi32>,
        %reduce_sum3A = arith.constant true
        %reduce_sum3A_268 = vector.broadcast %reduce_sum3A : i1 to vector<16xi1>
        %reduce_sum3A_269 = tpu.scan <sum>, %convert_element_type3A_257 masked %reduce_sum3A_268 : vector<16xi32>, vector<16xi1> -> vector<16xi32>
        %reduce_sum3A_270 = vector.extract %reduce_sum3A_269[15] : i32 from vector<16xi32>
        %add3A_271 = arith.addi %while3A_227, %reduce_sum3A_270 : i32
        scf.yield %add3A_271 : i32
      }
      %while3A_207 = arith.constant 1 : i32
      %while3A_208 = scf.for %while3A_226 = %while3A_204 to %while3A_200 step %while3A_207 iter_args(%while3A_227 = %while3A_206) -> (i32)  : i32 {
        %mul3A_228 = arith.constant 16 : i32
        %mul3A_229 = arith.muli %while3A_226, %mul3A_228 : i32
        %add3A_230 = arith.addi %get3A_182, %mul3A_229 : i32
        %get3A_231 = arith.index_cast %add3A_230 : i32 to index
        %get3A_232 = tpu.vector_load %arg8[%get3A_231] {strides = array<i32>} : memref<8240xi32, #tpu.memory_space<vmem>>, vector<16xi32>,
        %and3A_233 = arith.constant 131071 : i32
        %and3A_234 = vector.broadcast %and3A_233 : i32 to vector<16xi32>
        %and3A_235 = arith.andi %get3A_232, %and3A_234 : vector<16xi32>
        %mul3A_236 = arith.constant 16 : i32
        %mul3A_237 = arith.muli %while3A_226, %mul3A_236 : i32
        %add3A_238 = vector.broadcast %mul3A_237 : i32 to vector<16xi32>
        %add3A_239 = arith.addi %add3A_238, %iota3A : vector<16xi32>
        %lt3A_240 = vector.broadcast %select_n3A_192 : i32 to vector<16xi32>
        %lt3A_241 = arith.cmpi slt, %add3A_239, %lt3A_240 : vector<16xi32>
        %shift_right_logical3A_242 = arith.constant 9 : i32
        %shift_right_logical3A_243 = vector.broadcast %shift_right_logical3A_242 : i32 to vector<16xi32>
        %shift_right_logical3A_244 = arith.shrui %and3A_235, %shift_right_logical3A_243 : vector<16xi32>
        %ge3A_245 = arith.constant 99968 : i32
        %ge3A_246 = vector.broadcast %ge3A_245 : i32 to vector<16xi32>
        %ge3A_247 = arith.cmpi sge, %and3A_235, %ge3A_246 : vector<16xi32>
        %jit3A_248 = arith.constant 1 : i32
        %jit3A_249 = arith.constant 0 : i32
        %broadcast_in_dim3A_250 = vector.broadcast %jit3A_248 : i32 to vector<16xi32>
        %broadcast_in_dim3A_251 = vector.broadcast %jit3A_249 : i32 to vector<16xi32>
        %select_n3A_252 = arith.select %ge3A_247, %broadcast_in_dim3A_250, %broadcast_in_dim3A_251 : vector<16xi1>, vector<16xi32>
        %add3A_253 = arith.addi %shift_right_logical3A_244, %select_n3A_252 : vector<16xi32>
        %eq3A_254 = vector.broadcast %sub3A_172 : i32 to vector<16xi32>
        %eq3A_255 = arith.cmpi eq, %add3A_253, %eq3A_254 : vector<16xi32>
        %and3A_256 = arith.andi %lt3A_241, %eq3A_255 : vector<16xi1>
        %convert_element_type3A_257 = arith.extui %and3A_256 : vector<16xi1> to vector<16xi32>
        %broadcast_in_dim3A_258 = arith.constant true
        %broadcast_in_dim3A_259 = vector.broadcast %broadcast_in_dim3A_258 : i1 to vector<16xi1>
        %masked_cumsum3A = tpu.scan <sum>, %convert_element_type3A_257 masked %broadcast_in_dim3A_259 : vector<16xi32>, vector<16xi1> -> vector<16xi32>
        %sub3A_260 = arith.constant 1 : i32
        %sub3A_261 = vector.broadcast %sub3A_260 : i32 to vector<16xi32>
        %sub3A_262 = arith.subi %masked_cumsum3A, %sub3A_261 : vector<16xi32>
        %add3A_263 = vector.broadcast %while3A_227 : i32 to vector<16xi32>
        %add3A_264 = arith.addi %add3A_263, %sub3A_262 : vector<16xi32>
        %jit3A_265 = arith.constant 4112 : i32
        %broadcast_in_dim3A_266 = vector.broadcast %jit3A_265 : i32 to vector<16xi32>
        %select_n3A_267 = arith.select %and3A_256, %add3A_264, %broadcast_in_dim3A_266 : vector<16xi1>, vector<16xi32>
        tpu.vector_store_idx %arg9[%select_n3A_267], %get3A_232 : memref<4128xi32, #tpu.memory_space<vmem>>[vector<16xi32>], vector<16xi32>,
        %reduce_sum3A = arith.constant true
        %reduce_sum3A_268 = vector.broadcast %reduce_sum3A : i1 to vector<16xi1>
        %reduce_sum3A_269 = tpu.scan <sum>, %convert_element_type3A_257 masked %reduce_sum3A_268 : vector<16xi32>, vector<16xi1> -> vector<16xi32>
        %reduce_sum3A_270 = vector.extract %reduce_sum3A_269[15] : i32 from vector<16xi32>
        %add3A_271 = arith.addi %while3A_227, %reduce_sum3A_270 : i32
        scf.yield %add3A_271 : i32
      }
      %eq3A_209 = arith.constant 196 : i32
      %eq3A_210 = arith.cmpi eq, %sub3A_172, %eq3A_209 : i32
      %mul3A_211 = arith.constant 512 : i32
      %mul3A_212 = arith.muli %sub3A_172, %mul3A_211 : i32
      %jit3A_213 = arith.constant 99968 : i32
      %select_n3A_214 = arith.select %eq3A_210, %jit3A_213, %mul3A_212 : i32
      %while3A_215 = arith.constant 0 : i32
      %while3A_216 = arith.subi %while3A_208, %while3A_215 : i32
      %while3A_217 = arith.addi %while3A_215, %while3A_216 : i32
      %while3A_218 = arith.constant 1 : i32
      %while3A_219 = arith.divsi %while3A_216, %while3A_218 : i32
      %while3A_220 = arith.muli %while3A_219, %while3A_218 : i32
      %while3A_221 = arith.addi %while3A_215, %while3A_220 : i32
      %while3A_222 = arith.constant 1 : i32
      %while3A_223 = scf.for %while3A_226 = %while3A_215 to %while3A_221 step %while3A_222 iter_args(%while3A_227 = %while3A_156) -> (i32)  : i32 {
        %broadcast_in_dim3A_228 = vector.broadcast %while3A_226 : i32 to vector<16xi32>
        %gather3A = tpu.vector_load_idx %arg9[%broadcast_in_dim3A_228] : memref<4128xi32, #tpu.memory_space<vmem>>[vector<16xi32>], vector<16xi32>,
        %and3A_229 = arith.constant 131071 : i32
        %and3A_230 = vector.broadcast %and3A_229 : i32 to vector<16xi32>
        %and3A_231 = arith.andi %gather3A, %and3A_230 : vector<16xi32>
        %sub3A_232 = vector.broadcast %select_n3A_214 : i32 to vector<16xi32>
        %sub3A_233 = arith.subi %and3A_231, %sub3A_232 : vector<16xi32>
        %shift_right_logical3A_234 = arith.constant 17 : i32
        %shift_right_logical3A_235 = vector.broadcast %shift_right_logical3A_234 : i32 to vector<16xi32>
        %shift_right_logical3A_236 = arith.shrui %gather3A, %shift_right_logical3A_235 : vector<16xi32>
        %mul3A_237 = arith.constant 26 : i32
        %mul3A_238 = vector.broadcast %mul3A_237 : i32 to vector<16xi32>
        %mul3A_239 = arith.muli %shift_right_logical3A_236, %mul3A_238 : vector<16xi32>
        %add3A_240 = vector.broadcast %div3A_169 : i32 to vector<16xi32>
        %add3A_241 = arith.addi %mul3A_239, %add3A_240 : vector<16xi32>
        %and3A_242 = arith.constant 127 : i32
        %and3A_243 = arith.andi %while3A_227, %and3A_242 : i32
        %add3A_244 = arith.constant 0 : i32
        %add3A_245 = vector.broadcast %add3A_244 : i32 to vector<16xi32>
        %add3A_246 = arith.addi %iota3A, %add3A_245 : vector<16xi32>
        %gather3A_247 = tpu.vector_load_idx %arg11[%add3A_246, %sub3A_233] : memref<64x512xf32, #tpu.memory_space<vmem>>[vector<16xi32>, vector<16xi32>], vector<16xf32>,
        %swap3A = arith.index_cast %and3A_243 : i32 to index
        %swap3A_248 = arith.constant 0 : index
        %swap3A_249 = tpu.vector_load %arg12[%swap3A, %swap3A_248] {strides = array<i32>} : memref<128x128xf32, #tpu.memory_space<vmem>>, vector<16xf32>,
        tpu.vector_store %arg12[%swap3A, %swap3A_248], %gather3A_247 {strides = array<i32>} : memref<128x128xf32, #tpu.memory_space<vmem>>, vector<16xf32>,
        %add3A_250 = arith.constant 16 : i32
        %add3A_251 = vector.broadcast %add3A_250 : i32 to vector<16xi32>
        %add3A_252 = arith.addi %iota3A, %add3A_251 : vector<16xi32>
        %gather3A_253 = tpu.vector_load_idx %arg11[%add3A_252, %sub3A_233] : memref<64x512xf32, #tpu.memory_space<vmem>>[vector<16xi32>, vector<16xi32>], vector<16xf32>,
        %swap3A_254 = arith.index_cast %and3A_243 : i32 to index
        %swap3A_255 = arith.constant 16 : index
        %swap3A_256 = tpu.vector_load %arg12[%swap3A_254, %swap3A_255] {strides = array<i32>} : memref<128x128xf32, #tpu.memory_space<vmem>>, vector<16xf32>,
        tpu.vector_store %arg12[%swap3A_254, %swap3A_255], %gather3A_253 {strides = array<i32>} : memref<128x128xf32, #tpu.memory_space<vmem>>, vector<16xf32>,
        %add3A_257 = arith.constant 32 : i32
        %add3A_258 = vector.broadcast %add3A_257 : i32 to vector<16xi32>
        %add3A_259 = arith.addi %iota3A, %add3A_258 : vector<16xi32>
        %gather3A_260 = tpu.vector_load_idx %arg11[%add3A_259, %sub3A_233] : memref<64x512xf32, #tpu.memory_space<vmem>>[vector<16xi32>, vector<16xi32>], vector<16xf32>,
        %swap3A_261 = arith.index_cast %and3A_243 : i32 to index
        %swap3A_262 = arith.constant 32 : index
        %swap3A_263 = tpu.vector_load %arg12[%swap3A_261, %swap3A_262] {strides = array<i32>} : memref<128x128xf32, #tpu.memory_space<vmem>>, vector<16xf32>,
        tpu.vector_store %arg12[%swap3A_261, %swap3A_262], %gather3A_260 {strides = array<i32>} : memref<128x128xf32, #tpu.memory_space<vmem>>, vector<16xf32>,
        %add3A_264 = arith.constant 48 : i32
        %add3A_265 = vector.broadcast %add3A_264 : i32 to vector<16xi32>
        %add3A_266 = arith.addi %iota3A, %add3A_265 : vector<16xi32>
        %gather3A_267 = tpu.vector_load_idx %arg11[%add3A_266, %sub3A_233] : memref<64x512xf32, #tpu.memory_space<vmem>>[vector<16xi32>, vector<16xi32>], vector<16xf32>,
        %swap3A_268 = arith.index_cast %and3A_243 : i32 to index
        %swap3A_269 = arith.constant 48 : index
        %swap3A_270 = tpu.vector_load %arg12[%swap3A_268, %swap3A_269] {strides = array<i32>} : memref<128x128xf32, #tpu.memory_space<vmem>>, vector<16xf32>,
        tpu.vector_store %arg12[%swap3A_268, %swap3A_269], %gather3A_267 {strides = array<i32>} : memref<128x128xf32, #tpu.memory_space<vmem>>, vector<16xf32>,
        %broadcast_in_dim3A_271 = vector.broadcast %and3A_243 : i32 to vector<16xi32>
        tpu.vector_store_idx %arg13[%broadcast_in_dim3A_14, %broadcast_in_dim3A_271], %add3A_241 : memref<1x128xi32, #tpu.memory_space<vmem>>[vector<16xi32>, vector<16xi32>], vector<16xi32>,
        %eq3A_272 = arith.constant 127 : i32
        %eq3A_273 = arith.cmpi eq, %and3A_243, %eq3A_272 : i32
        %convert_element_type3A_274 = arith.extui %eq3A_273 : i1 to i32
        %cond3A_275 = arith.constant 0 : i32
        %cond3A_276 = arith.cmpi ne, %convert_element_type3A_274, %cond3A_275 : i32
        scf.if %cond3A_276 {
          %dma_start3A = arith.constant 0 : i32
          %dma_start3A_279 = arith.constant 0 : i32
          %dma_start3A_280 = tpu.memref_slice %arg13[%dma_start3A, %dma_start3A_279] : memref<1x128xi32, #tpu.memory_space<vmem>> -> memref<1x128xi32, #tpu.memory_space<vmem>>
          %dma_start3A_281 = tpu.memref_squeeze %dma_start3A_280 : memref<1x128xi32, #tpu.memory_space<vmem>> -> memref<128xi32, #tpu.memory_space<vmem>>
          %dma_start3A_282 = arith.constant 0 : i32
          %dma_start3A_283 = arith.constant 0 : i32
          %dma_start3A_284 = tpu.memref_slice %arg5[%dma_start3A_282, %dma_start3A_283] : memref<106496x128xf32, #tpu.memory_space<hbm>> -> memref<106496x128xf32, #tpu.memory_space<hbm>>
          tpu.enqueue_indirect_dma source(%arg12 : memref<128x128xf32, #tpu.memory_space<vmem>>) target(%dma_start3A_284 : memref<106496x128xf32, #tpu.memory_space<hbm>>) offsets(%dma_start3A_281 : memref<128xi32, #tpu.memory_space<vmem>>) semaphore(%arg17 : memref<!tpu.dma_semaphore, #tpu.memory_space<semaphore_mem>>)
          %dma_wait3A = arith.constant 0 : i32
          %dma_wait3A_285 = arith.constant 0 : i32
          %dma_wait3A_286 = tpu.memref_slice %arg13[%dma_wait3A, %dma_wait3A_285] : memref<1x128xi32, #tpu.memory_space<vmem>> -> memref<1x128xi32, #tpu.memory_space<vmem>>
          %dma_wait3A_287 = tpu.memref_squeeze %dma_wait3A_286 : memref<1x128xi32, #tpu.memory_space<vmem>> -> memref<128xi32, #tpu.memory_space<vmem>>
          %dma_wait3A_288 = arith.constant 0 : i32
          %dma_wait3A_289 = arith.constant 0 : i32
          %dma_wait3A_290 = tpu.memref_slice %arg5[%dma_wait3A_288, %dma_wait3A_289] : memref<106496x128xf32, #tpu.memory_space<hbm>> -> memref<106496x128xf32, #tpu.memory_space<hbm>>
          tpu.wait_indirect_dma semaphore(%arg17 : memref<!tpu.dma_semaphore, #tpu.memory_space<semaphore_mem>>) src(%arg12 : memref<128x128xf32, #tpu.memory_space<vmem>>) dst(%dma_wait3A_290 : memref<106496x128xf32, #tpu.memory_space<hbm>>)
        } else {
        }
        %add3A_277 = arith.constant 1 : i32
        %add3A_278 = arith.addi %while3A_227, %add3A_277 : i32
        scf.yield %add3A_278 : i32
      }
      %while3A_224 = arith.constant 1 : i32
      %while3A_225 = scf.for %while3A_226 = %while3A_221 to %while3A_217 step %while3A_224 iter_args(%while3A_227 = %while3A_223) -> (i32)  : i32 {
        %broadcast_in_dim3A_228 = vector.broadcast %while3A_226 : i32 to vector<16xi32>
        %gather3A = tpu.vector_load_idx %arg9[%broadcast_in_dim3A_228] : memref<4128xi32, #tpu.memory_space<vmem>>[vector<16xi32>], vector<16xi32>,
        %and3A_229 = arith.constant 131071 : i32
        %and3A_230 = vector.broadcast %and3A_229 : i32 to vector<16xi32>
        %and3A_231 = arith.andi %gather3A, %and3A_230 : vector<16xi32>
        %sub3A_232 = vector.broadcast %select_n3A_214 : i32 to vector<16xi32>
        %sub3A_233 = arith.subi %and3A_231, %sub3A_232 : vector<16xi32>
        %shift_right_logical3A_234 = arith.constant 17 : i32
        %shift_right_logical3A_235 = vector.broadcast %shift_right_logical3A_234 : i32 to vector<16xi32>
        %shift_right_logical3A_236 = arith.shrui %gather3A, %shift_right_logical3A_235 : vector<16xi32>
        %mul3A_237 = arith.constant 26 : i32
        %mul3A_238 = vector.broadcast %mul3A_237 : i32 to vector<16xi32>
        %mul3A_239 = arith.muli %shift_right_logical3A_236, %mul3A_238 : vector<16xi32>
        %add3A_240 = vector.broadcast %div3A_169 : i32 to vector<16xi32>
        %add3A_241 = arith.addi %mul3A_239, %add3A_240 : vector<16xi32>
        %and3A_242 = arith.constant 127 : i32
        %and3A_243 = arith.andi %while3A_227, %and3A_242 : i32
        %add3A_244 = arith.constant 0 : i32
        %add3A_245 = vector.broadcast %add3A_244 : i32 to vector<16xi32>
        %add3A_246 = arith.addi %iota3A, %add3A_245 : vector<16xi32>
        %gather3A_247 = tpu.vector_load_idx %arg11[%add3A_246, %sub3A_233] : memref<64x512xf32, #tpu.memory_space<vmem>>[vector<16xi32>, vector<16xi32>], vector<16xf32>,
        %swap3A = arith.index_cast %and3A_243 : i32 to index
        %swap3A_248 = arith.constant 0 : index
        %swap3A_249 = tpu.vector_load %arg12[%swap3A, %swap3A_248] {strides = array<i32>} : memref<128x128xf32, #tpu.memory_space<vmem>>, vector<16xf32>,
        tpu.vector_store %arg12[%swap3A, %swap3A_248], %gather3A_247 {strides = array<i32>} : memref<128x128xf32, #tpu.memory_space<vmem>>, vector<16xf32>,
        %add3A_250 = arith.constant 16 : i32
        %add3A_251 = vector.broadcast %add3A_250 : i32 to vector<16xi32>
        %add3A_252 = arith.addi %iota3A, %add3A_251 : vector<16xi32>
        %gather3A_253 = tpu.vector_load_idx %arg11[%add3A_252, %sub3A_233] : memref<64x512xf32, #tpu.memory_space<vmem>>[vector<16xi32>, vector<16xi32>], vector<16xf32>,
        %swap3A_254 = arith.index_cast %and3A_243 : i32 to index
        %swap3A_255 = arith.constant 16 : index
        %swap3A_256 = tpu.vector_load %arg12[%swap3A_254, %swap3A_255] {strides = array<i32>} : memref<128x128xf32, #tpu.memory_space<vmem>>, vector<16xf32>,
        tpu.vector_store %arg12[%swap3A_254, %swap3A_255], %gather3A_253 {strides = array<i32>} : memref<128x128xf32, #tpu.memory_space<vmem>>, vector<16xf32>,
        %add3A_257 = arith.constant 32 : i32
        %add3A_258 = vector.broadcast %add3A_257 : i32 to vector<16xi32>
        %add3A_259 = arith.addi %iota3A, %add3A_258 : vector<16xi32>
        %gather3A_260 = tpu.vector_load_idx %arg11[%add3A_259, %sub3A_233] : memref<64x512xf32, #tpu.memory_space<vmem>>[vector<16xi32>, vector<16xi32>], vector<16xf32>,
        %swap3A_261 = arith.index_cast %and3A_243 : i32 to index
        %swap3A_262 = arith.constant 32 : index
        %swap3A_263 = tpu.vector_load %arg12[%swap3A_261, %swap3A_262] {strides = array<i32>} : memref<128x128xf32, #tpu.memory_space<vmem>>, vector<16xf32>,
        tpu.vector_store %arg12[%swap3A_261, %swap3A_262], %gather3A_260 {strides = array<i32>} : memref<128x128xf32, #tpu.memory_space<vmem>>, vector<16xf32>,
        %add3A_264 = arith.constant 48 : i32
        %add3A_265 = vector.broadcast %add3A_264 : i32 to vector<16xi32>
        %add3A_266 = arith.addi %iota3A, %add3A_265 : vector<16xi32>
        %gather3A_267 = tpu.vector_load_idx %arg11[%add3A_266, %sub3A_233] : memref<64x512xf32, #tpu.memory_space<vmem>>[vector<16xi32>, vector<16xi32>], vector<16xf32>,
        %swap3A_268 = arith.index_cast %and3A_243 : i32 to index
        %swap3A_269 = arith.constant 48 : index
        %swap3A_270 = tpu.vector_load %arg12[%swap3A_268, %swap3A_269] {strides = array<i32>} : memref<128x128xf32, #tpu.memory_space<vmem>>, vector<16xf32>,
        tpu.vector_store %arg12[%swap3A_268, %swap3A_269], %gather3A_267 {strides = array<i32>} : memref<128x128xf32, #tpu.memory_space<vmem>>, vector<16xf32>,
        %broadcast_in_dim3A_271 = vector.broadcast %and3A_243 : i32 to vector<16xi32>
        tpu.vector_store_idx %arg13[%broadcast_in_dim3A_14, %broadcast_in_dim3A_271], %add3A_241 : memref<1x128xi32, #tpu.memory_space<vmem>>[vector<16xi32>, vector<16xi32>], vector<16xi32>,
        %eq3A_272 = arith.constant 127 : i32
        %eq3A_273 = arith.cmpi eq, %and3A_243, %eq3A_272 : i32
        %convert_element_type3A_274 = arith.extui %eq3A_273 : i1 to i32
        %cond3A_275 = arith.constant 0 : i32
        %cond3A_276 = arith.cmpi ne, %convert_element_type3A_274, %cond3A_275 : i32
        scf.if %cond3A_276 {
          %dma_start3A = arith.constant 0 : i32
          %dma_start3A_279 = arith.constant 0 : i32
          %dma_start3A_280 = tpu.memref_slice %arg13[%dma_start3A, %dma_start3A_279] : memref<1x128xi32, #tpu.memory_space<vmem>> -> memref<1x128xi32, #tpu.memory_space<vmem>>
          %dma_start3A_281 = tpu.memref_squeeze %dma_start3A_280 : memref<1x128xi32, #tpu.memory_space<vmem>> -> memref<128xi32, #tpu.memory_space<vmem>>
          %dma_start3A_282 = arith.constant 0 : i32
          %dma_start3A_283 = arith.constant 0 : i32
          %dma_start3A_284 = tpu.memref_slice %arg5[%dma_start3A_282, %dma_start3A_283] : memref<106496x128xf32, #tpu.memory_space<hbm>> -> memref<106496x128xf32, #tpu.memory_space<hbm>>
          tpu.enqueue_indirect_dma source(%arg12 : memref<128x128xf32, #tpu.memory_space<vmem>>) target(%dma_start3A_284 : memref<106496x128xf32, #tpu.memory_space<hbm>>) offsets(%dma_start3A_281 : memref<128xi32, #tpu.memory_space<vmem>>) semaphore(%arg17 : memref<!tpu.dma_semaphore, #tpu.memory_space<semaphore_mem>>)
          %dma_wait3A = arith.constant 0 : i32
          %dma_wait3A_285 = arith.constant 0 : i32
          %dma_wait3A_286 = tpu.memref_slice %arg13[%dma_wait3A, %dma_wait3A_285] : memref<1x128xi32, #tpu.memory_space<vmem>> -> memref<1x128xi32, #tpu.memory_space<vmem>>
          %dma_wait3A_287 = tpu.memref_squeeze %dma_wait3A_286 : memref<1x128xi32, #tpu.memory_space<vmem>> -> memref<128xi32, #tpu.memory_space<vmem>>
          %dma_wait3A_288 = arith.constant 0 : i32
          %dma_wait3A_289 = arith.constant 0 : i32
          %dma_wait3A_290 = tpu.memref_slice %arg5[%dma_wait3A_288, %dma_wait3A_289] : memref<106496x128xf32, #tpu.memory_space<hbm>> -> memref<106496x128xf32, #tpu.memory_space<hbm>>
          tpu.wait_indirect_dma semaphore(%arg17 : memref<!tpu.dma_semaphore, #tpu.memory_space<semaphore_mem>>) src(%arg12 : memref<128x128xf32, #tpu.memory_space<vmem>>) dst(%dma_wait3A_290 : memref<106496x128xf32, #tpu.memory_space<hbm>>)
        } else {
        }
        %add3A_277 = arith.constant 1 : i32
        %add3A_278 = arith.addi %while3A_227, %add3A_277 : i32
        scf.yield %add3A_278 : i32
      }
      scf.yield %while3A_225 : i32
    }
    %and3A = arith.constant 127 : i32
    %and3A_70 = arith.andi %while3A_69, %and3A : i32
    %gt3A = arith.constant 0 : i32
    %gt3A_71 = arith.cmpi sgt, %and3A_70, %gt3A : i32
    %convert_element_type3A_72 = arith.extui %gt3A_71 : i1 to i32
    %cond3A_73 = arith.constant 0 : i32
    %cond3A_74 = arith.cmpi ne, %convert_element_type3A_72, %cond3A_73 : i32
    scf.if %cond3A_74 {
      %sub3A_75 = arith.constant 1 : i32
      %sub3A_76 = arith.subi %and3A_70, %sub3A_75 : i32
      %broadcast_in_dim3A_77 = vector.broadcast %sub3A_76 : i32 to vector<16xi32>
      %gather3A = tpu.vector_load_idx %arg13[%broadcast_in_dim3A_14, %broadcast_in_dim3A_77] : memref<1x128xi32, #tpu.memory_space<vmem>>[vector<16xi32>, vector<16xi32>], vector<16xi32>,
      %sub3A_78 = arith.constant 128 : i32
      %sub3A_79 = arith.subi %sub3A_78, %and3A_70 : i32
      %while3A_80 = arith.constant 0 : i32
      %while3A_81 = arith.constant 0 : i32
      %while3A_82 = arith.subi %sub3A_79, %while3A_81 : i32
      %while3A_83 = arith.addi %while3A_81, %while3A_82 : i32
      %while3A_84 = arith.constant 1 : i32
      %while3A_85 = arith.divsi %while3A_82, %while3A_84 : i32
      %while3A_86 = arith.muli %while3A_85, %while3A_84 : i32
      %while3A_87 = arith.addi %while3A_81, %while3A_86 : i32
      %while3A_88 = arith.constant 1 : i32
      scf.for %while3A_107 = %while3A_81 to %while3A_87 step %while3A_88  : i32 {
        %add3A_108 = arith.addi %and3A_70, %while3A_107 : i32
        %sub3A_109 = arith.constant 1 : i32
        %sub3A_110 = arith.subi %and3A_70, %sub3A_109 : i32
        %get3A = arith.index_cast %sub3A_110 : i32 to index
        %get3A_111 = arith.constant 0 : index
        %get3A_112 = tpu.vector_load %arg12[%get3A, %get3A_111] {strides = array<i32>} : memref<128x128xf32, #tpu.memory_space<vmem>>, vector<16xf32>,
        %swap3A = arith.index_cast %add3A_108 : i32 to index
        %swap3A_113 = arith.constant 0 : index
        %swap3A_114 = tpu.vector_load %arg12[%swap3A, %swap3A_113] {strides = array<i32>} : memref<128x128xf32, #tpu.memory_space<vmem>>, vector<16xf32>,
        tpu.vector_store %arg12[%swap3A, %swap3A_113], %get3A_112 {strides = array<i32>} : memref<128x128xf32, #tpu.memory_space<vmem>>, vector<16xf32>,
        %sub3A_115 = arith.constant 1 : i32
        %sub3A_116 = arith.subi %and3A_70, %sub3A_115 : i32
        %get3A_117 = arith.index_cast %sub3A_116 : i32 to index
        %get3A_118 = arith.constant 16 : index
        %get3A_119 = tpu.vector_load %arg12[%get3A_117, %get3A_118] {strides = array<i32>} : memref<128x128xf32, #tpu.memory_space<vmem>>, vector<16xf32>,
        %swap3A_120 = arith.index_cast %add3A_108 : i32 to index
        %swap3A_121 = arith.constant 16 : index
        %swap3A_122 = tpu.vector_load %arg12[%swap3A_120, %swap3A_121] {strides = array<i32>} : memref<128x128xf32, #tpu.memory_space<vmem>>, vector<16xf32>,
        tpu.vector_store %arg12[%swap3A_120, %swap3A_121], %get3A_119 {strides = array<i32>} : memref<128x128xf32, #tpu.memory_space<vmem>>, vector<16xf32>,
        %sub3A_123 = arith.constant 1 : i32
        %sub3A_124 = arith.subi %and3A_70, %sub3A_123 : i32
        %get3A_125 = arith.index_cast %sub3A_124 : i32 to index
        %get3A_126 = arith.constant 32 : index
        %get3A_127 = tpu.vector_load %arg12[%get3A_125, %get3A_126] {strides = array<i32>} : memref<128x128xf32, #tpu.memory_space<vmem>>, vector<16xf32>,
        %swap3A_128 = arith.index_cast %add3A_108 : i32 to index
        %swap3A_129 = arith.constant 32 : index
        %swap3A_130 = tpu.vector_load %arg12[%swap3A_128, %swap3A_129] {strides = array<i32>} : memref<128x128xf32, #tpu.memory_space<vmem>>, vector<16xf32>,
        tpu.vector_store %arg12[%swap3A_128, %swap3A_129], %get3A_127 {strides = array<i32>} : memref<128x128xf32, #tpu.memory_space<vmem>>, vector<16xf32>,
        %sub3A_131 = arith.constant 1 : i32
        %sub3A_132 = arith.subi %and3A_70, %sub3A_131 : i32
        %get3A_133 = arith.index_cast %sub3A_132 : i32 to index
        %get3A_134 = arith.constant 48 : index
        %get3A_135 = tpu.vector_load %arg12[%get3A_133, %get3A_134] {strides = array<i32>} : memref<128x128xf32, #tpu.memory_space<vmem>>, vector<16xf32>,
        %swap3A_136 = arith.index_cast %add3A_108 : i32 to index
        %swap3A_137 = arith.constant 48 : index
        %swap3A_138 = tpu.vector_load %arg12[%swap3A_136, %swap3A_137] {strides = array<i32>} : memref<128x128xf32, #tpu.memory_space<vmem>>, vector<16xf32>,
        tpu.vector_store %arg12[%swap3A_136, %swap3A_137], %get3A_135 {strides = array<i32>} : memref<128x128xf32, #tpu.memory_space<vmem>>, vector<16xf32>,
      }
      %while3A_89 = arith.constant 1 : i32
      scf.for %while3A_107 = %while3A_87 to %while3A_83 step %while3A_89  : i32 {
        %add3A_108 = arith.addi %and3A_70, %while3A_107 : i32
        %sub3A_109 = arith.constant 1 : i32
        %sub3A_110 = arith.subi %and3A_70, %sub3A_109 : i32
        %get3A = arith.index_cast %sub3A_110 : i32 to index
        %get3A_111 = arith.constant 0 : index
        %get3A_112 = tpu.vector_load %arg12[%get3A, %get3A_111] {strides = array<i32>} : memref<128x128xf32, #tpu.memory_space<vmem>>, vector<16xf32>,
        %swap3A = arith.index_cast %add3A_108 : i32 to index
        %swap3A_113 = arith.constant 0 : index
        %swap3A_114 = tpu.vector_load %arg12[%swap3A, %swap3A_113] {strides = array<i32>} : memref<128x128xf32, #tpu.memory_space<vmem>>, vector<16xf32>,
        tpu.vector_store %arg12[%swap3A, %swap3A_113], %get3A_112 {strides = array<i32>} : memref<128x128xf32, #tpu.memory_space<vmem>>, vector<16xf32>,
        %sub3A_115 = arith.constant 1 : i32
        %sub3A_116 = arith.subi %and3A_70, %sub3A_115 : i32
        %get3A_117 = arith.index_cast %sub3A_116 : i32 to index
        %get3A_118 = arith.constant 16 : index
        %get3A_119 = tpu.vector_load %arg12[%get3A_117, %get3A_118] {strides = array<i32>} : memref<128x128xf32, #tpu.memory_space<vmem>>, vector<16xf32>,
        %swap3A_120 = arith.index_cast %add3A_108 : i32 to index
        %swap3A_121 = arith.constant 16 : index
        %swap3A_122 = tpu.vector_load %arg12[%swap3A_120, %swap3A_121] {strides = array<i32>} : memref<128x128xf32, #tpu.memory_space<vmem>>, vector<16xf32>,
        tpu.vector_store %arg12[%swap3A_120, %swap3A_121], %get3A_119 {strides = array<i32>} : memref<128x128xf32, #tpu.memory_space<vmem>>, vector<16xf32>,
        %sub3A_123 = arith.constant 1 : i32
        %sub3A_124 = arith.subi %and3A_70, %sub3A_123 : i32
        %get3A_125 = arith.index_cast %sub3A_124 : i32 to index
        %get3A_126 = arith.constant 32 : index
        %get3A_127 = tpu.vector_load %arg12[%get3A_125, %get3A_126] {strides = array<i32>} : memref<128x128xf32, #tpu.memory_space<vmem>>, vector<16xf32>,
        %swap3A_128 = arith.index_cast %add3A_108 : i32 to index
        %swap3A_129 = arith.constant 32 : index
        %swap3A_130 = tpu.vector_load %arg12[%swap3A_128, %swap3A_129] {strides = array<i32>} : memref<128x128xf32, #tpu.memory_space<vmem>>, vector<16xf32>,
        tpu.vector_store %arg12[%swap3A_128, %swap3A_129], %get3A_127 {strides = array<i32>} : memref<128x128xf32, #tpu.memory_space<vmem>>, vector<16xf32>,
        %sub3A_131 = arith.constant 1 : i32
        %sub3A_132 = arith.subi %and3A_70, %sub3A_131 : i32
        %get3A_133 = arith.index_cast %sub3A_132 : i32 to index
        %get3A_134 = arith.constant 48 : index
        %get3A_135 = tpu.vector_load %arg12[%get3A_133, %get3A_134] {strides = array<i32>} : memref<128x128xf32, #tpu.memory_space<vmem>>, vector<16xf32>,
        %swap3A_136 = arith.index_cast %add3A_108 : i32 to index
        %swap3A_137 = arith.constant 48 : index
        %swap3A_138 = tpu.vector_load %arg12[%swap3A_136, %swap3A_137] {strides = array<i32>} : memref<128x128xf32, #tpu.memory_space<vmem>>, vector<16xf32>,
        tpu.vector_store %arg12[%swap3A_136, %swap3A_137], %get3A_135 {strides = array<i32>} : memref<128x128xf32, #tpu.memory_space<vmem>>, vector<16xf32>,
      }
      %scan3A = arith.constant 0 : i32
      %scan3A_90 = arith.constant 0 : i32
      %scan3A_91 = arith.constant 8 : i32
      %scan3A_92 = arith.addi %scan3A_90, %scan3A_91 : i32
      %scan3A_93 = arith.constant 1 : i32
      scf.for %scan3A_107 = %scan3A_90 to %scan3A_92 step %scan3A_93  : i32 {
        %mul3A_108 = arith.constant 16 : i32
        %mul3A_109 = arith.muli %scan3A_107, %mul3A_108 : i32
        %add3A_110 = vector.broadcast %mul3A_109 : i32 to vector<16xi32>
        %add3A_111 = arith.addi %add3A_110, %iota3A : vector<16xi32>
        %mul3A_112 = arith.constant 16 : i32
        %mul3A_113 = arith.muli %scan3A_107, %mul3A_112 : i32
        %get3A = arith.constant 0 : i32
        %get3A_114 = arith.index_cast %get3A : i32 to index
        %get3A_115 = arith.index_cast %mul3A_113 : i32 to index
        %get3A_116 = tpu.vector_load %arg13[%get3A_114, %get3A_115] {strides = array<i32>} : memref<1x128xi32, #tpu.memory_space<vmem>>, vector<16xi32>,
        %lt3A_117 = vector.broadcast %and3A_70 : i32 to vector<16xi32>
        %lt3A_118 = arith.cmpi slt, %add3A_111, %lt3A_117 : vector<16xi32>
        %select_n3A_119 = arith.select %lt3A_118, %get3A_116, %gather3A : vector<16xi1>, vector<16xi32>
        %mul3A_120 = arith.constant 16 : i32
        %mul3A_121 = arith.muli %scan3A_107, %mul3A_120 : i32
        %swap3A = arith.constant 0 : i32
        %swap3A_122 = arith.index_cast %swap3A : i32 to index
        %swap3A_123 = arith.index_cast %mul3A_121 : i32 to index
        %swap3A_124 = tpu.vector_load %arg13[%swap3A_122, %swap3A_123] {strides = array<i32>} : memref<1x128xi32, #tpu.memory_space<vmem>>, vector<16xi32>,
        tpu.vector_store %arg13[%swap3A_122, %swap3A_123], %select_n3A_119 {strides = array<i32>} : memref<1x128xi32, #tpu.memory_space<vmem>>, vector<16xi32>,
      }
      %scan3A_94 = arith.constant 8 : i32
      %dma_start3A = arith.constant 0 : i32
      %dma_start3A_95 = arith.constant 0 : i32
      %dma_start3A_96 = tpu.memref_slice %arg13[%dma_start3A, %dma_start3A_95] : memref<1x128xi32, #tpu.memory_space<vmem>> -> memref<1x128xi32, #tpu.memory_space<vmem>>
      %dma_start3A_97 = tpu.memref_squeeze %dma_start3A_96 : memref<1x128xi32, #tpu.memory_space<vmem>> -> memref<128xi32, #tpu.memory_space<vmem>>
      %dma_start3A_98 = arith.constant 0 : i32
      %dma_start3A_99 = arith.constant 0 : i32
      %dma_start3A_100 = tpu.memref_slice %arg5[%dma_start3A_98, %dma_start3A_99] : memref<106496x128xf32, #tpu.memory_space<hbm>> -> memref<106496x128xf32, #tpu.memory_space<hbm>>
      tpu.enqueue_indirect_dma source(%arg12 : memref<128x128xf32, #tpu.memory_space<vmem>>) target(%dma_start3A_100 : memref<106496x128xf32, #tpu.memory_space<hbm>>) offsets(%dma_start3A_97 : memref<128xi32, #tpu.memory_space<vmem>>) semaphore(%arg17 : memref<!tpu.dma_semaphore, #tpu.memory_space<semaphore_mem>>)
      %dma_wait3A = arith.constant 0 : i32
      %dma_wait3A_101 = arith.constant 0 : i32
      %dma_wait3A_102 = tpu.memref_slice %arg13[%dma_wait3A, %dma_wait3A_101] : memref<1x128xi32, #tpu.memory_space<vmem>> -> memref<1x128xi32, #tpu.memory_space<vmem>>
      %dma_wait3A_103 = tpu.memref_squeeze %dma_wait3A_102 : memref<1x128xi32, #tpu.memory_space<vmem>> -> memref<128xi32, #tpu.memory_space<vmem>>
      %dma_wait3A_104 = arith.constant 0 : i32
      %dma_wait3A_105 = arith.constant 0 : i32
      %dma_wait3A_106 = tpu.memref_slice %arg5[%dma_wait3A_104, %dma_wait3A_105] : memref<106496x128xf32, #tpu.memory_space<hbm>> -> memref<106496x128xf32, #tpu.memory_space<hbm>>
      tpu.wait_indirect_dma semaphore(%arg17 : memref<!tpu.dma_semaphore, #tpu.memory_space<semaphore_mem>>) src(%arg12 : memref<128x128xf32, #tpu.memory_space<vmem>>) dst(%dma_wait3A_106 : memref<106496x128xf32, #tpu.memory_space<hbm>>)
    } else {
    }
    return
  }
}

module attributes {stable_mosaic.version = 14 : i64} {
  func.func @body(%arg0: i32, %arg1: memref<512x13xf32, #tpu.memory_space<vmem>>, %arg2: memref<13x64xf32, #tpu.memory_space<vmem>>, %arg3: memref<13x64xf32, #tpu.memory_space<vmem>>, %arg4: memref<1x64xf32, #tpu.memory_space<vmem>>, %arg5: memref<1x64xf32, #tpu.memory_space<vmem>>, %arg6: memref<512x13x64xf32, #tpu.memory_space<vmem>>) attributes {dimension_semantics = [#tpu.dimension_semantics<arbitrary>], iteration_bounds = array<i64: 8>, scalar_prefetch = 0 : i64, scratch_operands = 0 : i64, tpu.core_type = #tpu.core_type<tc>, window_params = [{transform_indices = @transform_0, window_bounds = array<i64: 512, 13>}, {pipeline_mode = #tpu.pipeline_mode<synchronous>, transform_indices = @transform_1, window_bounds = array<i64: 13, 64>}, {pipeline_mode = #tpu.pipeline_mode<synchronous>, transform_indices = @transform_2, window_bounds = array<i64: 13, 64>}, {pipeline_mode = #tpu.pipeline_mode<synchronous>, transform_indices = @transform_3, window_bounds = array<i64: 1, 64>}, {pipeline_mode = #tpu.pipeline_mode<synchronous>, transform_indices = @transform_4, window_bounds = array<i64: 1, 64>}, {transform_indices = @transform_5, window_bounds = array<i64: 512, 13, 64>}]} {
    %get3A = arith.constant 0 : index
    %get3A_0 = arith.constant 0 : index
    %get3A_1 = vector.load %arg1[%get3A, %get3A_0] : memref<512x13xf32, #tpu.memory_space<vmem>>, vector<512x13xf32>
    %broadcast_in_dim3A = vector.shape_cast %get3A_1 : vector<512x13xf32> to vector<512x13x1xf32>
    %get3A_2 = arith.constant 0 : index
    %get3A_3 = arith.constant 0 : index
    %get3A_4 = vector.load %arg2[%get3A_2, %get3A_3] : memref<13x64xf32, #tpu.memory_space<vmem>>, vector<13x64xf32>
    %broadcast_in_dim3A_5 = vector.shape_cast %get3A_4 : vector<13x64xf32> to vector<1x13x64xf32>
    %mul3A = vector.broadcast %broadcast_in_dim3A : vector<512x13x1xf32> to vector<512x13x64xf32>
    %mul3A_6 = vector.broadcast %broadcast_in_dim3A_5 : vector<1x13x64xf32> to vector<512x13x64xf32>
    %mul3A_7 = arith.mulf %mul3A, %mul3A_6 : vector<512x13x64xf32>
    %get3A_8 = arith.constant 0 : index
    %get3A_9 = arith.constant 0 : index
    %get3A_10 = vector.load %arg3[%get3A_8, %get3A_9] : memref<13x64xf32, #tpu.memory_space<vmem>>, vector<13x64xf32>
    %broadcast_in_dim3A_11 = vector.shape_cast %get3A_10 : vector<13x64xf32> to vector<1x13x64xf32>
    %add3A = vector.broadcast %broadcast_in_dim3A_11 : vector<1x13x64xf32> to vector<512x13x64xf32>
    %add3A_12 = arith.addf %mul3A_7, %add3A : vector<512x13x64xf32>
    %reduce_sum3A = arith.constant dense<0.000000e+00> : vector<512x13xf32>
    %reduce_sum3A_13 = vector.multi_reduction <add>, %add3A_12, %reduce_sum3A [2] : vector<512x13x64xf32> to vector<512x13xf32>
    %broadcast_in_dim3A_14 = vector.shape_cast %reduce_sum3A_13 : vector<512x13xf32> to vector<512x13x1xf32>
    %div3A = arith.constant 6.400000e+01 : f32
    %div3A_15 = vector.broadcast %div3A : f32 to vector<512x13x1xf32>
    %div3A_16 = arith.divf %broadcast_in_dim3A_14, %div3A_15 : vector<512x13x1xf32>
    %sub3A = vector.broadcast %div3A_16 : vector<512x13x1xf32> to vector<512x13x64xf32>
    %sub3A_17 = arith.subf %add3A_12, %sub3A : vector<512x13x64xf32>
    %sub3A_18 = vector.broadcast %div3A_16 : vector<512x13x1xf32> to vector<512x13x64xf32>
    %sub3A_19 = arith.subf %add3A_12, %sub3A_18 : vector<512x13x64xf32>
    %mul3A_20 = arith.mulf %sub3A_17, %sub3A_19 : vector<512x13x64xf32>
    %reduce_sum3A_21 = arith.constant dense<0.000000e+00> : vector<512x13xf32>
    %reduce_sum3A_22 = vector.multi_reduction <add>, %mul3A_20, %reduce_sum3A_21 [2] : vector<512x13x64xf32> to vector<512x13xf32>
    %broadcast_in_dim3A_23 = vector.shape_cast %reduce_sum3A_22 : vector<512x13xf32> to vector<512x13x1xf32>
    %div3A_24 = arith.constant 6.400000e+01 : f32
    %div3A_25 = vector.broadcast %div3A_24 : f32 to vector<512x13x1xf32>
    %div3A_26 = arith.divf %broadcast_in_dim3A_23, %div3A_25 : vector<512x13x1xf32>
    %sub3A_27 = vector.broadcast %div3A_16 : vector<512x13x1xf32> to vector<512x13x64xf32>
    %sub3A_28 = arith.subf %add3A_12, %sub3A_27 : vector<512x13x64xf32>
    %add3A_29 = arith.constant 9.99999974E-6 : f32
    %add3A_30 = vector.broadcast %add3A_29 : f32 to vector<512x13x1xf32>
    %add3A_31 = arith.addf %div3A_26, %add3A_30 : vector<512x13x1xf32>
    %sqrt3A = math.sqrt %add3A_31 : vector<512x13x1xf32>
    %div3A_32 = vector.broadcast %sqrt3A : vector<512x13x1xf32> to vector<512x13x64xf32>
    %div3A_33 = arith.divf %sub3A_28, %div3A_32 : vector<512x13x64xf32>
    %get3A_34 = arith.constant 0 : index
    %get3A_35 = arith.constant 0 : index
    %get3A_36 = vector.load %arg4[%get3A_34, %get3A_35] : memref<1x64xf32, #tpu.memory_space<vmem>>, vector<1x64xf32>
    %broadcast_in_dim3A_37 = vector.shape_cast %get3A_36 : vector<1x64xf32> to vector<1x1x64xf32>
    %mul3A_38 = vector.broadcast %broadcast_in_dim3A_37 : vector<1x1x64xf32> to vector<512x13x64xf32>
    %mul3A_39 = arith.mulf %div3A_33, %mul3A_38 : vector<512x13x64xf32>
    %get3A_40 = arith.constant 0 : index
    %get3A_41 = arith.constant 0 : index
    %get3A_42 = vector.load %arg5[%get3A_40, %get3A_41] : memref<1x64xf32, #tpu.memory_space<vmem>>, vector<1x64xf32>
    %broadcast_in_dim3A_43 = vector.shape_cast %get3A_42 : vector<1x64xf32> to vector<1x1x64xf32>
    %add3A_44 = vector.broadcast %broadcast_in_dim3A_43 : vector<1x1x64xf32> to vector<512x13x64xf32>
    %add3A_45 = arith.addf %mul3A_39, %add3A_44 : vector<512x13x64xf32>
    %swap3A = arith.constant 0 : index
    %swap3A_46 = arith.constant 0 : index
    %swap3A_47 = arith.constant 0 : index
    %swap3A_48 = vector.load %arg6[%swap3A, %swap3A_46, %swap3A_47] : memref<512x13x64xf32, #tpu.memory_space<vmem>>, vector<512x13x64xf32>
    tpu.vector_store %arg6[%swap3A, %swap3A_46, %swap3A_47], %add3A_45 {strides = array<i32>} : memref<512x13x64xf32, #tpu.memory_space<vmem>>, vector<512x13x64xf32>,
    return
  }
  func.func @transform_0(%arg0: i32) -> (i32, i32) {
    %c0_i32 = arith.constant 0 : i32
    %c0_i32_0 = arith.constant 0 : i32
    return %arg0, %c0_i32 : i32, i32
  }
  func.func @transform_1(%arg0: i32) -> (i32, i32) {
    %c0_i32 = arith.constant 0 : i32
    %c0_i32_0 = arith.constant 0 : i32
    %c0_i32_1 = arith.constant 0 : i32
    return %c0_i32, %c0_i32_0 : i32, i32
  }
  func.func @transform_2(%arg0: i32) -> (i32, i32) {
    %c0_i32 = arith.constant 0 : i32
    %c0_i32_0 = arith.constant 0 : i32
    %c0_i32_1 = arith.constant 0 : i32
    return %c0_i32, %c0_i32_0 : i32, i32
  }
  func.func @transform_3(%arg0: i32) -> (i32, i32) {
    %c0_i32 = arith.constant 0 : i32
    %c0_i32_0 = arith.constant 0 : i32
    %c0_i32_1 = arith.constant 0 : i32
    return %c0_i32, %c0_i32_0 : i32, i32
  }
  func.func @transform_4(%arg0: i32) -> (i32, i32) {
    %c0_i32 = arith.constant 0 : i32
    %c0_i32_0 = arith.constant 0 : i32
    %c0_i32_1 = arith.constant 0 : i32
    return %c0_i32, %c0_i32_0 : i32, i32
  }
  func.func @transform_5(%arg0: i32) -> (i32, i32, i32) {
    %c0_i32 = arith.constant 0 : i32
    %c0_i32_0 = arith.constant 0 : i32
    %c0_i32_1 = arith.constant 0 : i32
    return %arg0, %c0_i32, %c0_i32_0 : i32, i32, i32
  }
}

</mosaic_0001>

<sc_bundles>
// kernel: kernel.4.cloned.1.call-start
scs
__scs_entry_jumppad:
0x0: {  	(pc) =	sbr.rel $0x88, $3  }
0x1: {  	(tag) =	ssettag $0x0;
	lr =	simm.s32 $0x1  }
0x2: {  	[smem:$0x3F9A] =	sst lr;
	_ =	strace $0xD0000000  }
0x3: {  	_ = 	snop  }
0x4: {  	_ = 	snop  }
0x5: {  	_ = 	snop  }
0x6: {  	_ = 	snop  }
0x7: {  	_ = 	snop  }
__scs_overlays_trampoline_lowered:
0x8: {  	[smem:$0x3FA9] =	sst s0  }
0x9: {  	[smem:$0x3FAA] =	sst s1  }
0xa: {  	[smem:$0x3FAB] =	sst s2  }
0xb: {  	[smem:$0x3FAC] =	sst s3  }
0xc: {  	[smem:$0x3FAD] =	sst s4  }
0xd: {  	[smem:$0x3FAE] =	sst s5  }
0xe: {  	[smem:$0x3FAF] =	sst s6  }
0xf: {  	[smem:$0x3FB0] =	sst s7  }
0x10: {  	[smem:$0x3FB1] =	sst s8  }
0x11: {  	[smem:$0x3FB2] =	sst s9;
	s0 =	simm.s32 @!p0 $0x0  }
0x12: {  	s1 =	sld [smem:$0x3F98];
	s0 =	simm.s32 @p0 $0x1  }
0x13: {  	[smem:$0x3FB3] =	sst s0;
	s0 =	simm.s32 @!p1 $0x0  }
0x14: {  	s2 =	sld [smem:$0x3F97];
	s0 =	simm.s32 @p1 $0x1  }
0x15: {  	[smem:$0x3FB4] =	sst s0;
	s0 =	simm.s32 @!p2 $0x0  }
0x16: {  	s3 =	sld [smem:$0x3FDB];
	s0 =	simm.s32 @p2 $0x1  }
0x17: {  	s4 =	simm.s32 $0x1BF5;
	[smem:$0x3FB6] =	sst s0  }
0x18: {  	s0 =	sld [smem:$0x3F99];
	_ =	swait.ge [sflag:s4], $0x0  }
0x19: {  	s7 =	sld [smem:$0x3F9A]  }
0x1a: {  	s8 =	sadd.s32 $0xFFFFE003, lr  }
0x1b: {  	s9 =	sadd.s32 $0xFFFFFEF7, lr;
	s5 =	simm.s32 $0xFFFFFFFF;
	p2 =	slt.u32 s8, $0xFFFFF086  }
0x1c: {  	p1 =	slt.u32 s9, $0xF7A;
	s5 =	simm.s32 @!p2 $0x0  }
0x1d: {  	s5 =	simm.s32 @p1 $0x1;
	p0 =	seq.s32 s7, s2  }
0x1e: {  	s7 =	smul.u32 @!p0 $0xF7A, s2;
	p2 =	seq.s32 @!p0 s5, $0x0  }
0x1f: {  	s9 =	smul.u32 $0xF7A, s1;
	s8 =	simm.s32 @!p0 $0x1BF5;
	p2 =	por !p2, p0  }
0x20: {  	[sflag:s8] =	ssyncset.s32 @!p0 $0xFFFFF086;
	s6 =	sadd.s32 @!p0 s3, s7;
	s7 =	simm.s32 @!p0 $0x108  }
0x21: {  	s3 =	sadd.s32 s3, s9;
	s6 =	sadd.s32 @!p0 $0x88, s6;
	s7 =	simm.s32 @p2 $0x1082  }
0x22: {  	[simem:s7], [sflag:s8] =	dma.local @!p0 [hbm:s6], $0xF7A  }
0x23: {  	s9 =	sor.u32 $0xD0000000, s2;
	s6 =	simm.s32 $0x108;
	_ =	swait.ge @!p0 [sflag:s8], $0x0  }
0x24: {  	s3 =	sadd.s32 $0x88, s3;
	s6 =	simm.s32 @!p1 $0x1082;
	[sflag:s4] =	ssyncset.s32 $0xFFFFF086  }
0x25: {  	[simem:s6], [sflag:s4] =	dma.local [hbm:s3], $0xF7A  }
0x26: {  	[smem:$0x3F9A] =	sst s1;
	(tag) =	ssettag s2;
	_ =	strace s9  }
0x27: {  	s1 =	sld [smem:$0x3FAA]  }
0x28: {  	s2 =	sld [smem:$0x3FAB]  }
0x29: {  	s4 =	sld [smem:$0x3FAD]  }
0x2a: {  	p0 =	seq.s32 s5, $0x0;
	s5 =	sld [smem:$0x3FAE]  }
0x2b: {  	s6 =	sld [smem:$0x3FAF]  }
0x2c: {  	s7 =	sld [smem:$0x3FB0]  }
0x2d: {  	s3 =	simm.s32 $0x108;
	s8 =	sld [smem:$0x3FB1]  }
0x2e: {  	s3 =	simm.s32 @!p0 $0x1082;
	s9 =	sld [smem:$0x3FB2]  }
0x2f: {  	lr =	sadd.s32 s0, s3;
	s0 =	sld [smem:$0x3FA9]  }
0x30: {  	s3 =	sld [smem:$0x3FAC]  }
0x31: {  	[smem:$0x3FB5] =	sst s10  }
0x32: {  	s10 =	sld [smem:$0x3FB3];
	_ =	sdelay $0x3  }
0x33: {  	p0 =	seq.s32 s10, $0x1;
	s10 =	sld [smem:$0x3FB5];
	_ =	sdelay $0x3  }
0x34: {  	[smem:$0x3FB5] =	sst s10  }
0x35: {  	s10 =	sld [smem:$0x3FB4];
	_ =	sdelay $0x3  }
0x36: {  	p1 =	seq.s32 s10, $0x1;
	s10 =	sld [smem:$0x3FB5];
	_ =	sdelay $0x3  }
0x37: {  	[smem:$0x3FB5] =	sst s10  }
0x38: {  	s10 =	sld [smem:$0x3FB6]  }
0x39: {  	_ = 	snop;
	(pc) =	sbr.ind lr, $3  }
0x3a: {  	_ = 	snop  }
0x3b: {  	_ = 	snop  }
0x3c: {  	p2 =	seq.s32 s10, $0x1;
	s10 =	sld [smem:$0x3FB5]  }
0x3d: {  	_ =	shalt  }
0x3e: {  	_ =	shalt  }
0x3f: {  	_ =	shalt  }
0x40: {  	_ =	shalt  }
0x41: {  	_ =	shalt  }
0x42: {  	_ =	shalt  }
0x43: {  	_ =	shalt  }
0x44: {  	_ =	shalt  }
0x45: {  	_ =	shalt  }
0x46: {  	_ =	shalt  }
0x47: {  	_ =	shalt  }
0x48: {  	_ =	shalt  }
0x49: {  	_ =	shalt  }
0x4a: {  	_ =	shalt  }
0x4b: {  	_ =	shalt  }
0x4c: {  	_ =	shalt  }
0x4d: {  	_ =	shalt  }
0x4e: {  	_ =	shalt  }
0x4f: {  	_ =	shalt  }
0x50: {  	_ =	shalt  }
0x51: {  	_ =	shalt  }
0x52: {  	_ =	shalt  }
0x53: {  	_ =	shalt  }
0x54: {  	_ =	shalt  }
0x55: {  	_ =	shalt  }
0x56: {  	_ =	shalt  }
0x57: {  	_ =	shalt  }
0x58: {  	_ =	shalt  }
0x59: {  	_ =	shalt  }
0x5a: {  	_ =	shalt  }
0x5b: {  	_ =	shalt  }
0x5c: {  	_ =	shalt  }
0x5d: {  	_ =	shalt  }
0x5e: {  	_ =	shalt  }
0x5f: {  	_ =	shalt  }
0x60: {  	_ =	shalt  }
0x61: {  	_ =	shalt  }
0x62: {  	_ =	shalt  }
0x63: {  	_ =	shalt  }
0x64: {  	_ =	shalt  }
0x65: {  	_ =	shalt  }
0x66: {  	_ =	shalt  }
0x67: {  	_ =	shalt  }
0x68: {  	_ =	shalt  }
0x69: {  	_ =	shalt  }
0x6a: {  	_ =	shalt  }
0x6b: {  	_ =	shalt  }
0x6c: {  	_ =	shalt  }
0x6d: {  	_ =	shalt  }
0x6e: {  	_ =	shalt  }
0x6f: {  	_ =	shalt  }
0x70: {  	_ =	shalt  }
0x71: {  	_ =	shalt  }
0x72: {  	_ =	shalt  }
0x73: {  	_ =	shalt  }
0x74: {  	_ =	shalt  }
0x75: {  	_ =	shalt  }
0x76: {  	_ =	shalt  }
0x77: {  	_ =	shalt  }
0x78: {  	_ =	shalt  }
0x79: {  	_ =	shalt  }
0x7a: {  	_ =	shalt  }
0x7b: {  	_ =	shalt  }
0x7c: {  	_ =	shalt  }
0x7d: {  	_ =	shalt  }
0x7e: {  	_ =	shalt  }
0x7f: {  	_ =	shalt  }
0x80: {  	_ =	shalt  }
0x81: {  	_ =	shalt  }
0x82: {  	_ =	shalt  }
0x83: {  	_ =	shalt  }
0x84: {  	_ =	shalt  }
0x85: {  	_ =	shalt  }
0x86: {  	_ =	shalt  }
0x87: {  	_ =	shalt  }
.Lfunc_end0:
.L_simem_size_0:
called_computation_lowered:
.L_overlay_start_0:
0x88: {  	s2 =	sld [smem:$0x3FD9]  }
0x89: {  	s3 =	sld [smem:$0x3FFE];
	_ =	sdelay $0x1  }
0x8a: {  	s1 =	srdreg.scid  }
0x8b: {  	s0 =	sand.u32 $0x1, s1  }
0x8c: {  	s17 =	sshll.u32 s0, $0xA;
	s2 =	sadd.s32 s3, s2  }
0x8d: {  	s2 =	sadd.s32 s2, s17  }
0x8e: {  	[smem:$0x3FC1] =	sst s2  }
0x8f: {  	_ = 	snop  }
0x90: {  	s2 =	sld [smem:$0x3FC3];
	(tm) =	ssettm $0x1  }
0x91: {  	s18 =	sld [smem:$0x3FFB];
	_ =	sdelay $0x3  }
0x92: {  	_ =	strace s18  }
0x93: {  	s3 =	sld [smem:$0x3FFC];
	_ =	sdelay $0x3  }
0x94: {  	_ =	strace s3  }
0x95: {  	s3 =	sld [smem:$0x3FFD];
	_ =	sdelay $0x3  }
0x96: {  	_ =	strace s3  }
0x97: {  	_ =	strace $0x8FFFFFFF  }
0x98: {  	s19 =	sld [smem:$0x3FDB];
	_ =	sdelay $0x1  }
0x99: {  	s4 =	simm.s32 $_scs_section_size  }
0x9a: {  	s5 =	simm.s32 $_size__tile_overlayer_lowered;
	s6 =	simm.s32 $_tile_overlayer_lowered  }
0x9b: {  	s22 =	simm.s32 $0x1BFF;
	s21 =	sshll.u32 s6, $0x1;
	s3 =	sadd.s32 s4, s19  }
0x9c: {  	s7 =	simm.s32 $0x0;
	s20 =	sshll.u32 s5, $0x1;
	s5 =	sadd.s32 s21, s3  }
0x9d: {  	[timem:s7], [sflag:s22] =	dma.local [hbm:s5], s20  }
0x9e: {  	_ =	swait.ge [sflag:s22], s20  }
0x9f: {  	s4 =	ssub.s32 $0x0, s20;
	[sflag:s22] =	ssyncset.done $0x0  }
0xa0: {  	[sflag:s22] =	ssyncadd.s32 s4;
	_ =	sdelay $0x1  }
0xa1: {  	s23 =	simm.s32 $0x1B8B  }
0xa2: {  	_ =	swait.ge [sflag:s23], $0x1  }
0xa3: {  	[sflag:s23] =	ssyncset.done $0x0  }
0xa4: {  	s25 =	simm.s32 $0x1B8E;
	s24 =	sld [smem:$0x3FFE];
	[sflag:s23] =	ssyncadd.s32 $0xFFFFFFFF  }
0xa5: {  	s26 =	simm.s32 $execute0_lowered;
	[smem:$0x3FD2] =	sst s25  }
0xa6: {  	s5 =	sshll.u32 s26, $0x1;
	_ =	strace $0x80000046;
	[dreg:$0x1] =	wrdreg $0xFFFFFFFF  }
0xa7: {  	s28 =	simm.s32 $_size_execute0_lowered;
	s3 =	sadd.s32 s3, s5;
	[dreg:$0x0] =	wrdreg $0x0  }
0xa8: {  	s5 =	sshll.u32 s28, $0x1;
	[dreg:$0x2] =	wrdreg s3  }
0xa9: {  	[dreg:$0x3] =	wrdreg s5  }
0xaa: {  	[dreg:$0x4] =	wrdreg $0xC0  }
0xab: {  	_ =	task [dreg:s7], $0x5FFFF  }
0xac: {  	[dreg:$0x1] =	wrdreg $0xFFFFFFFF  }
0xad: {  	[dreg:$0x0] =	wrdreg $0x60  }
0xae: {  	[dreg:$0x2] =	wrdreg s2  }
0xaf: {  	[dreg:$0x3] =	wrdreg s24  }
0xb0: {  	[dreg:$0x4] =	wrdreg $0x9  }
0xb1: {  	_ =	task.clear_ibuf [dreg:s7], $0x5FFFF;
	_ =	strace $0x90000046  }
0xb2: {  	s29 =	simm.s32 $0x9;
	_ =	strace $0x80000048  }
0xb3: {  	_ =	swait.ge [sflag:s29], $0x1  }
0xb4: {  	[sflag:s29] =	ssyncadd.s32 $0xFFFFFFFF  }
0xb5: {  	_ =	strace $0x90000048  }
0xb6: {  	_ =	sfence  }
0xb7: {  	s30 =	sld [smem:$0x0];
	_ =	sdelay $0x2  }
0xb8: {  	s31 =	sshll.u32 s1, $0xD;
	s1 =	sshrl.u32 s1, $0x2  }
0xb9: {  	s3 =	sand.u32 $0x4000, s31;
	s1 =	sadd.s32 s1, s30  }
0xba: {  	s0 =	sor.u32 s3, s0;
	s1 =	sshll.u32 s1, $0x11  }
0xbb: {  	s0 =	sor.u32 s1, s0  }
0xbc: {  	s0 =	sadd.s32 $0x8F2B, s0  }
0xbd: {  	[sflag:s0] =	ssyncadd.remote.s32 $0x1  }
0xbe: {  	_ =	sfence.sel $0xFFFF  }
0xbf: {  	[dreg:$0x0] =	wrdreg $0xFFFFFFFF;
	(pc) =	sbr.abs _section_cstart, $3  }
0xc0: {  	[dreg:$0x1] =	wrdreg $0xFFFFFFFF  }
0xc1: {  	_ =	task.clear_ibuf [dreg:s7], $0x2FFFF;
	_ =	strace $0x9FFFFFFF  }
0xc2: {  	(tm) =	ssettm $0x7FFFFFFF  }
0xc3: {  	_ =	shalt  }
tec
execute0_lowered:
.L_overlay_start_1:
0x0: {  	(tag) =	ssettag $0x1  }
0x1: {  	v0 =	vimm.s32 $0x1380  }
0x2: {  	vm14 =	vcmask $0x300;
	vm13 =	vcmask $0x704;
	vm12 =	vcmask $0xB08  }
0x3: {  	vm11 =	vcmask $0xF0C;
	vm10 =	vcmask $0x1310;
	vm9 =	vcmask $0x1714  }
0x4: {  	vm8 =	vcmask $0x1B18;
	vm7 =	vcmask $0x1F1C;
	vm5 =	vcmask $0x2320  }
0x5: {  	vm4 =	vcmask $0x2724;
	vm6 =	vcmask $0x2B28;
	vm3 =	vcmask $0x2F2C  }
0x6: {  	s0 =	srdreg.scid;
	vm1 =	vcmask $0x3330;
	vm0 =	vcmask $0x3734;
	vm2 =	vcmask $0x3B38  }
0x7: {  	s5 =	stileid.u32;
	s1 =	rddreg [dreg:$0x0];
	v3 =	vimm.s32 $0x3380;
	v4 =	vimm.s32 $0x5380;
	v5 =	vimm.s32 $0x7380  }
0x8: {  	s6 =	rddreg [dreg:$0x1];
	s4 =	simm.s32 $0x0;
	s7 =	simm.s32 $0xA1;
	v0 =	vsel vm14, $0x0, v0;
	v3 =	vsel vm14, $0x2000, v3;
	v4 =	vsel vm14, $0x4000, v4  }
0x9: {  	s16 =	simm.s32 $0x6180;
	s2 =	sand.u32 $0x1, s0;
	s28 =	sshll.u32 s5, $0x1;
	v5 =	vsel vm14, $0x6000, v5;
	v0 =	vsel vm13, $0x80, v0;
	v3 =	vsel vm13, $0x2080, v3  }
0xa: {  	s24 =	simm.s32 $0xE180;
	s15 =	simm.s32 $0x3080;
	s0 =	sor.u32 s2, s28;
	v4 =	vsel vm13, $0x4080, v4;
	v5 =	vsel vm13, $0x6080, v5;
	v0 =	vsel vm12, $0x100, v0  }
0xb: {  	[smem:$0x7FF] =	sst s4;
	p0 =	seq.s32 s5, $0x0;
	s3 =	smul.u32 $0xA0, s0;
	v3 =	vsel vm12, $0x2100, v3;
	v4 =	vsel vm12, $0x4100, v4;
	v5 =	vsel vm12, $0x6100, v5  }
0xc: {  	s23 =	sadd.s32 $0xE00, s6;
	s14 =	sadd.s32 $0x4200, s6;
	s0 =	smin.u32 s0, $0x2;
	v0 =	vsel vm11, $0x180, v0;
	v3 =	vsel vm11, $0x2180, v3;
	v4 =	vsel vm11, $0x4180, v4  }
0xd: {  	_ =	strace $0x80000047;
	s2 =	ssub.s32 $0x2, s2;
	v5 =	vsel vm11, $0x6180, v5;
	v0 =	vsel vm10, $0x200, v0;
	s3 =	sor.u32 s0, s3;
	v3 =	vsel vm10, $0x2200, v3  }
0xe: {  	[dreg:$0x4] =	wrdreg s14;
	s12 =	sshrl.u32 s2, $0x1;
	v4 =	vsel vm10, $0x4200, v4;
	v5 =	vsel vm10, $0x6200, v5;
	v0 =	vsel vm9, $0x280, v0;
	s0 =	smul.u32 $0x14CB, s3  }
0xf: {  	s7 =	simm.s32 @!p0 $0xA0;
	[dreg:$0x3] =	wrdreg s23;
	s2 =	ssub.s32 s2, s12;
	v3 =	vsel vm9, $0x2280, v3;
	v4 =	vsel vm9, $0x4280, v4;
	v5 =	vsel vm9, $0x6280, v5  }
0x10: {  	s12 =	simm.s32 $0x1A180;
	s8 =	sadd.s32 s3, s7;
	v0 =	vsel vm8, $0x300, v0;
	v3 =	vsel vm8, $0x2300, v3;
	v4 =	vsel vm8, $0x4300, v4;
	s5 =	sshrl.u32 s0, $0x14  }
0x11: {  	s2 =	smax.u32 s2, $0x1;
	s9 =	sadd.s32 $0xFFFFFFFF, s8;
	v5 =	vsel vm8, $0x6300, v5;
	v0 =	vsel vm7, $0x380, v0;
	v3 =	vsel vm7, $0x2380, v3;
	s0 =	smul.u32 $0xFFFFFF3B, s5  }
0x12: {  	s7 =	sadd.s32 $0x1, s7;
	s9 =	sand.u32 $0xFFFF, s9;
	v4 =	vsel vm7, $0x4380, v4;
	v5 =	vsel vm7, $0x6380, v5;
	v0 =	vsel vm5, $0x1000, v0;
	s11 =	smul.u32 $0x61C000, s5  }
0x13: {  	[dreg:$0x8] =	wrdreg s2;
	s13 =	smul.u32 $0x532B, s9;
	s9 =	sadd.s32 $0xAA00, s6;
	v3 =	vsel vm5, $0x3000, v3;
	v4 =	vsel vm5, $0x5000, v4;
	v5 =	vsel vm5, $0x7000, v5  }
0x14: {  	s31 =	sshll.u32 s5, $0xA;
	v0 =	vsel vm4, $0x1080, v0;
	v3 =	vsel vm4, $0x3080, v3;
	v4 =	vsel vm4, $0x5080, v4;
	s0 =	sadd.s32 s3, s0;
	s30 =	sshrl.u32 s11, $0x3  }
0x15: {  	v5 =	vsel vm4, $0x7080, v5;
	v0 =	vsel vm6, $0x1100, v0;
	v3 =	vsel vm6, $0x3100, v3;
	s10 =	sshll.u32 s0, $0xC;
	p0 =	sgt.s32 s0, $0xC2;
	p1 =	seq.s32 s0, $0xC3  }
0x16: {  	v4 =	vsel vm6, $0x5100, v4;
	v5 =	vsel vm6, $0x7100, v5;
	v0 =	vsel vm3, $0x1180, v0;
	p3 =	sne.s32 s0, $0xC4;
	s10 =	sadd.s32 s11, s10;
	s11 =	sadd.s32 s14, s31  }
0x17: {  	v3 =	vsel vm3, $0x3180, v3;
	v4 =	vsel vm3, $0x5180, v4;
	v5 =	vsel vm3, $0x7180, v5;
	s14 =	sshrl.u32 s7, $0x1;
	s0 =	simm.s32 @!p3 $0x0;
	s29 =	sshrl.u32 s10, $0x3  }
.Ltmp0:
0x18: {  	v1 =	vsel vm1, $0x1200, v0;
	v0 =	vlaneseq.u32;
	v3 =	vsel vm1, $0x3200, v3;
	s10 =	sshrl.u32 s13, $0x16;
	[dreg:$0x6] =	wrdreg s11;
	(pc) =	sbr.rel .LBB2_1-.Ltmp0, $4  }
0x19: {  	v4 =	vsel vm1, $0x5200, v4;
	v5 =	vsel vm1, $0x7200, v5;
	v2 =	vsel vm0, $0x1280, v1;
	s0 =	simm.s32 @p3 $0x1;
	s13 =	simm.s32 $0x4;
	s6 =	sadd.s32 s1, s29  }
0x1a: {  	v1 =	vimm.s32 $0x0;
	v3 =	vsel vm0, $0x3280, v3;
	v4 =	vsel vm0, $0x5280, v4;
	s11 =	simm.s32 $0x1000;
	[dreg:$0x5] =	wrdreg s6;
	s6 =	sadd.s32 s1, s30  }
0x1b: {  	v5 =	vsel vm0, $0x7280, v5;
	v6 =	vmul.u32 $0x20000, v0;
	v2 =	vsel vm2, $0x1300, v2;
	p2 =	sgt.u32 s5, s10;
	[smem:$0x7FD] =	sst s0;
	s6 =	sadd.s32 $0x18600, s6  }
0x1c: {  	s0 =	simm.s32 $0x5100;
	v3 =	vsel vm2, $0x3300, v3;
	v4 =	vsel vm2, $0x5300, v4;
	v5 =	vsel vm2, $0x7300, v5;
	[dreg:$0x7] =	wrdreg s6;
	s6 =	simm.s32 $0x0  }
.LBB2_70:
0x1d: {  	s6 =	sadd.s32 $0x1, s6;
	s2 =	rddreg [dreg:$0x8]  }
0x1e: {  	p3 =	sne.s32 s6, s2  }
.Ltmp1:
0x1f: {  	_ = 	snop;
	(pc) =	sbr.rel @!p3 .LBB2_71-.Ltmp1, $1  }
0x20: {  	_ =	sdelay $0x3  }
.LBB2_1:
.Ltmp2:
0x21: {  	(pc) =	sbr.rel @p1 .LBB2_2-.Ltmp2, $4  }
0x22: {  	_ = 	snop  }
0x23: {  	[dreg:$0x9] =	wrdreg s6;
	s2 =	simm.s32 @!p0 $0x1000  }
0x24: {  	s6 =	simm.s32 @!p0 $0xC3800;
	s7 =	simm.s32 @!p0 $0x6180;
	s17 =	rddreg [dreg:$0x5]  }
0x25: {  	[tilespmem:s7], [sflag:$0x1] =	stream.strided.gather @!p0 [hbm4b:s17+s2], $0x8000, s6, s2, $0x38;
	[tilespmem:$0x1A200] =	vst v63  }
0x26: {  	s2 =	sld [smem:$0x7FD];
	_ =	sdelay $0x2  }
0x27: {  	p3 =	seq.s32 s2, $0x1  }
.Ltmp3:
0x28: {  	_ = 	snop;
	(pc) =	sbr.rel @p3 .LBB2_6-.Ltmp3, $1  }
0x29: {  	_ =	sdelay $0x3  }
.Ltmp4:
0x2a: {  	(pc) =	sbr.rel .LBB2_5-.Ltmp4, $4  }
0x2b: {  	_ = 	snop  }
0x2c: {  	s2 =	simm.s32 $0x380;
	s17 =	simm.s32 $0x300  }
0x2d: {  	s18 =	simm.s32 $0x280;
	s19 =	simm.s32 $0x200;
	s21 =	simm.s32 $0x180  }
0x2e: {  	s22 =	simm.s32 $0x100;
	s7 =	simm.s32 $0x80;
	s20 =	rddreg [dreg:$0x6]  }
.LBB2_2:
0x2f: {  	s2 =	simm.s32 $0xAB100;
	s17 =	simm.s32 $0x92A00  }
0x30: {  	s18 =	simm.s32 $0x7A300;
	s19 =	simm.s32 $0x61C00;
	s21 =	simm.s32 $0x49500  }
0x31: {  	s22 =	simm.s32 $0x30E00;
	s7 =	simm.s32 $0x18700;
	s20 =	rddreg [dreg:$0x7]  }
.LBB2_5:
0x32: {  	[tilespmem:s16], [sflag:$0x1] =	stream.linear.gather [hbm4b:s20+s4], $0x400, $0x38;
	[tilespmem:$0x1A200] =	vst v63  }
0x33: {  	s6 =	sadd.s32 s7, s20;
	s29 =	simm.s32 $0x7180  }
0x34: {  	[tilespmem:s29], [sflag:$0x1] =	stream.linear.gather [hbm4b:s6+s4], $0x400, $0x38;
	[tilespmem:$0x1A200] =	vst v63  }
0x35: {  	s30 =	sadd.s32 s22, s20;
	s31 =	simm.s32 $0x8180  }
0x36: {  	[tilespmem:s31], [sflag:$0x1] =	stream.linear.gather [hbm4b:s30+s4], $0x400, $0x38;
	[tilespmem:$0x1A200] =	vst v63  }
0x37: {  	s7 =	sadd.s32 s21, s20;
	s21 =	simm.s32 $0x9180  }
0x38: {  	[tilespmem:s21], [sflag:$0x1] =	stream.linear.gather [hbm4b:s7+s4], $0x400, $0x38;
	[tilespmem:$0x1A200] =	vst v63  }
0x39: {  	s22 =	sadd.s32 s19, s20;
	s25 =	simm.s32 $0xA180  }
0x3a: {  	[tilespmem:s25], [sflag:$0x1] =	stream.linear.gather [hbm4b:s22+s4], $0x400, $0x38;
	[tilespmem:$0x1A200] =	vst v63  }
0x3b: {  	s26 =	sadd.s32 s18, s20;
	s28 =	simm.s32 $0xB180  }
0x3c: {  	[tilespmem:s28], [sflag:$0x1] =	stream.linear.gather [hbm4b:s26+s4], $0x400, $0x38;
	[tilespmem:$0x1A200] =	vst v63  }
0x3d: {  	s29 =	sadd.s32 s17, s20;
	s30 =	simm.s32 $0xC180  }
0x3e: {  	[tilespmem:s30], [sflag:$0x1] =	stream.linear.gather [hbm4b:s29+s4], $0x400, $0x38;
	[tilespmem:$0x1A200] =	vst v63  }
0x3f: {  	s2 =	sadd.s32 s2, s20;
	s31 =	simm.s32 $0xD180  }
0x40: {  	[tilespmem:s31], [sflag:$0x1] =	stream.linear.gather [hbm4b:s2+s4], $0x400, $0x38;
	[tilespmem:$0x1A200] =	vst v63  }
.LBB2_6:
.Ltmp5:
0x41: {  	(pc) =	sbr.rel @!p2 .LBB2_7-.Ltmp5, $1  }
0x42: {  	_ =	sdelay $0x3  }
.LBB2_22:
.Ltmp6:
0x43: {  	(pc) =	sbr.rel .LBB2_23-.Ltmp6, $2  }
0x44: {  	_ =	sdelay $0x2  }
0x45: {  	s26 =	simm.s32 $0x0;
	s28 =	simm.s32 $0x0  }
.LBB2_7:
0x46: {  	s2 =	smov.u32 s5  }
.LBB2_8:
0x47: {  	s6 =	sshll.u32 s2, $0x9  }
0x48: {  	s18 =	simm.s32 $0x0;
	s26 =	simm.s32 $0x0;
	s6 =	sadd.s32 s23, s6  }
0x49: {  	[tilespmem:s18], [sflag:$0x4] =	stream.linear.gather [hbm4b:s6+s18], $0x1000, $0x38;
	[tilespmem:$0x1A200] =	vst v63  }
0x4a: {  	s6 =	sand.u32 $0xFFFFF000, s26  }
0x4b: {  	s7 =	simm.s32 $0x0;
	s6 =	ssub.s32 $0x0, s6  }
0x4c: {  	s7 =	sand.u32 $0x3FFFFF80, s7;
	_ =	swait.ge [sflag:s13], $0x1000;
	s6 =	sand.u32 $0xFFFFFC00, s6  }
0x4d: {  	s17 =	sand.u32 $0x70, s18;
	[sflag:s13] =	ssyncset.done $0x0;
	s6 =	sadd.s32 s7, s6  }
0x4e: {  	[sflag:s13] =	ssyncadd.s32 $0xFFFFF000;
	s6 =	sor.u32 s17, s6  }
0x4f: {  	v7 =	vld [tilespmem:s6+$0x0];
	_ =	sdelay $0x3  }
0x50: {  	s30 =	smul.u32 $0xC5, s2  }
0x51: {  	vm0 =	vgt.s32 v7, $0x0  }
0x52: {  	s7 =	ssub.s32 s3, s30;
	s6 =	ssub.s32 s8, s30;
	v8 =	vnsel vm0, $0x0, v7  }
0x53: {  	p3 =	sgt.s32 s7, $0x0;
	p4 =	slt.s32 s6, $0xC5;
	vm14 =	vgt.s32 v7, $0x1867F;
	v9 =	vmin.u32 v8, $0x186A0  }
0x54: {  	s7 =	simm.s32 @!p3 $0x0;
	s6 =	simm.s32 @!p4 $0xC5;
	v11 =	vsel vm14, $0x1, v1;
	v10 =	vshrl.u32 v9, $0x9  }
0x55: {  	v7 =	vmov s7;
	v8 =	vmov s6;
	v10 =	vadd.s32 v11, v10  }
0x56: {  	vm15 =	vge.u32 v10, v7;
	vm1 =	vlt.s32 v10, v8  }
0x57: {  	vm0 =	vmand vm15, vm1  }
0x58: {  	s17 =	ssub.s32 s2, s5;
	v10 =	vsel vm0, $0x1, v1  }
0x59: {  	s19 =	smul.u32 $0x1010, s17;
	(xrf0) =	vadd.scan.msk.s32 $0xffff, v10;
	_ =	sdelay $0x1  }
0x5a: {  	s31 =	sadd.s32 $0x0, s19  }
0x5b: {  	v10 =	vmov s31  }
0x5c: {  	v10 =	vadd.s32 $0xFFFFFFFF, v10  }
0x5d: {  	v11 =	vmov s18;
	v10 =	vbroadcast v10, $0x0  }
0x5e: {  	v11 =	vshll.u32 v11, $0x11;
	v12, _, _ =	vpop (xrf0)  }
0x5f: {  	s28 =	simm.s32 $0x1;
	s21 =	simm.s32 $0x80;
	v11 =	vor.u32 v6, v11;
	v10 =	vadd.s32 v10, v12;
	(v2sf) =	vpush v12, $0xF  }
0x60: {  	s20 =	simm.s32 $0x2;
	s29 =	simm.s32 $0x0;
	s26 =	simm.s32 $0x0;
	v9 =	vor.u32 v11, v9;
	v10 =	vnsel vm0, $0x2020, v10  }
.LBB2_9:
0x61: {  	p4 =	sne.s32 s20, $0xFF;
	s6 =	sand.u32 $0xFFFFF000, s21;
	s18 =	sadd.s32 $0x80, s18  }
0x62: {  	s7 =	sshll.u32 s28, $0x2;
	s28 =	smov.u32 s20;
	s6 =	ssub.s32 s18, s6  }
0x63: {  	s29 =	sadd.s32 $0x10, s29;
	s7 =	sand.u32 $0x3FFFFF80, s7;
	s6 =	sand.u32 $0xFFFFFC00, s6  }
0x64: {  	s21 =	sand.u32 $0x70, s29;
	s6 =	sadd.s32 s7, s6  }
0x65: {  	s6 =	sor.u32 s21, s6;
	[tilespmem:v10+s11+$0x0] =	vst.idx.msk $0xffff, v9  }
0x66: {  	v9 =	vld [tilespmem:s6+$0x0];
	_ =	sdelay $0x4  }
0x67: {  	v10 =	vmov s29;
	vm0 =	vgt.s32 v9, $0x0  }
0x68: {  	v10 =	vshll.u32 v10, $0x11;
	v11 =	vnsel vm0, $0x0, v9  }
0x69: {  	vm0 =	vgt.s32 v9, $0x1867F;
	v9 =	vor.u32 v6, v10;
	v11 =	vmin.u32 v11, $0x186A0  }
0x6a: {  	v12 =	vsel vm0, $0x1, v1;
	v10 =	vshrl.u32 v11, $0x9;
	v9 =	vor.u32 v9, v11;
	s6 =	spop (v2sf)  }
0x6b: {  	v10 =	vadd.s32 v12, v10;
	s26 =	sadd.s32 s26, s6  }
0x6c: {  	vm0 =	vge.u32 v10, v7;
	vm1 =	vlt.s32 v10, v8;
	s6 =	sadd.s32 s19, s26  }
0x6d: {  	vm0 =	vmand vm0, vm1;
	v10 =	vmov s6  }
0x6e: {  	v11 =	vsel vm0, $0x1, v1;
	v10 =	vadd.s32 $0xFFFFFFFF, v10  }
0x6f: {  	v10 =	vbroadcast v10, $0x0;
	(xrf0) =	vadd.scan.msk.s32 $0xffff, v11;
	_ =	sdelay $0x3  }
.Ltmp7:
0x70: {  	(pc) =	sbr.rel @p4 .LBB2_9-.Ltmp7, $4  }
0x71: {  	_ = 	snop  }
0x72: {  	v11, _, _ =	vpop (xrf0)  }
0x73: {  	v10 =	vadd.s32 v10, v11;
	(v2sf) =	vpush v11, $0xF  }
0x74: {  	s20 =	sadd.s32 $0x1, s20;
	s21 =	sshll.u32 s28, $0x7;
	v10 =	vnsel vm0, $0x2020, v10  }
0x75: {  	s6 =	sand.u32 $0xFFFFF000, s21;
	s7 =	sadd.s32 $0x80, s18  }
0x76: {  	s21 =	sshll.u32 s28, $0x2;
	s6 =	ssub.s32 s7, s6  }
0x77: {  	s22 =	sadd.s32 $0x10, s29;
	s7 =	sand.u32 $0x3FFFFF80, s21;
	s6 =	sand.u32 $0xFFFFFC00, s6  }
0x78: {  	s20 =	sand.u32 $0x70, s22;
	s6 =	sadd.s32 s7, s6  }
0x79: {  	[tilespmem:v10+s11+$0x0] =	vst.idx.msk $0xffff, v9;
	s6 =	sor.u32 s20, s6  }
0x7a: {  	v9 =	vld [tilespmem:s6+$0x0];
	_ =	sdelay $0x4  }
0x7b: {  	vm0 =	vgt.s32 v9, $0x0  }
0x7c: {  	v62 =	vnsel vm0, $0x0, v9  }
0x7d: {  	vm14 =	vgt.s32 v9, $0x1867F;
	v10 =	vmin.u32 v62, $0x186A0  }
0x7e: {  	v11 =	vsel vm14, $0x1, v1;
	v63 =	vshrl.u32 v10, $0x9  }
0x7f: {  	v9 =	vadd.s32 v11, v63  }
0x80: {  	vm15 =	vge.u32 v9, v7;
	vm1 =	vlt.s32 v9, v8  }
0x81: {  	vm0 =	vmand vm15, vm1  }
0x82: {  	v7 =	vsel vm0, $0x1, v1  }
0x83: {  	(xrf0) =	vadd.scan.msk.s32 $0xffff, v7;
	_ =	sdelay $0x5  }
0x84: {  	v7, _, _ =	vpop (xrf0)  }
0x85: {  	(v2sf) =	vpush v7, $0xF;
	_ =	sdelay $0x3  }
0x86: {  	s25 =	spop (v2sf)  }
0x87: {  	s6 =	sadd.s32 s26, s25  }
0x88: {  	s28 =	sadd.s32 s19, s6  }
0x89: {  	v8 =	vmov s28  }
0x8a: {  	v8 =	vadd.s32 $0xFFFFFFFF, v8  }
0x8b: {  	v8 =	vbroadcast v8, $0x0;
	_ =	sdelay $0x1  }
0x8c: {  	v7 =	vadd.s32 v8, v7  }
0x8d: {  	p3 =	sne.s32 s2, s10;
	v7 =	vnsel vm0, $0x2020, v7  }
.Ltmp8:
0x8e: {  	v8 =	vmov s22;
	(pc) =	sbr.rel @p3 .LBB2_8-.Ltmp8, $4  }
0x8f: {  	v8 =	vshll.u32 v8, $0x11  }
0x90: {  	s30 =	sshll.u32 s17, $0x6;
	v8 =	vor.u32 v6, v8;
	s29 =	spop (v2sf)  }
0x91: {  	s31 =	sadd.s32 $0x1, s2;
	s7 =	sshra.s32 s30, $0x2;
	v8 =	vor.u32 v8, v10;
	s6 =	sadd.s32 s6, s29  }
0x92: {  	s2 =	smov.u32 s31;
	[tilespmem:v7+s11+$0x0] =	vst.idx.msk $0xffff, v8;
	[smem:s7+$0xE] =	sst s6  }
.Ltmp9:
0x93: {  	(pc) =	sbr.rel .LBB2_12-.Ltmp9, $2  }
0x94: {  	_ =	sdelay $0x2  }
0x95: {  	s2 =	simm.s32 $0x1000;
	s17 =	smov.u32 s5  }
.LBB2_21:
0x96: {  	p3 =	sne.s32 s17, s10  }
.Ltmp10:
0x97: {  	_ = 	snop;
	(pc) =	sbr.rel @!p3 .LBB2_22-.Ltmp10, $3  }
0x98: {  	_ =	sdelay $0x1  }
0x99: {  	s6 =	sadd.s32 $0x1, s17  }
0x9a: {  	[smem:s18+$0xD] =	sst s26;
	s2 =	sadd.s32 $0x1010, s2;
	s17 =	smov.u32 s6  }
.LBB2_12:
0x9b: {  	s6 =	ssub.s32 s17, s5  }
0x9c: {  	s7 =	sshll.u32 s6, $0x6  }
0x9d: {  	s18 =	sshra.s32 s7, $0x2  }
0x9e: {  	s7 =	sor.u32 $0xE, s18  }
0x9f: {  	s7 =	sld [smem:s7+$0x0];
	_ =	sdelay $0x2  }
.Ltmp11:
0xa0: {  	s20 =	sadd.s32 $0xF, s7;
	(pc) =	sbr.rel .LBB2_13-.Ltmp11, $4  }
0xa1: {  	s19 =	sshra.s32 s20, $0x1F  }
0xa2: {  	s19 =	sshrl.u32 s19, $0x1C  }
0xa3: {  	s26 =	smul.u32 $0x1010, s6;
	s19 =	sadd.s32 s19, s20  }
0xa4: {  	v7 =	vmov s7;
	p4 =	slt.s32 s20, $0x10;
	s28 =	sshra.s32 s19, $0x4;
	s19 =	simm.s32 $0x0  }
.LBB2_15:
0xa5: {  	s20 =	simm.s32 $0x0;
	s30 =	smov.u32 s26  }
.LBB2_19:
0xa6: {  	v10 =	vand.u32 $0x1FFFF, v8  }
0xa7: {  	vm0 =	vgt.u32 v10, $0x1867F  }
0xa8: {  	s6 =	sadd.s32 @p5 $0x10, s20;
	v10 =	vshrl.u32 v10, $0x9;
	v11 =	vsel vm0, $0x1, v1  }
0xa9: {  	s29 =	smov.u32 @p5 s6;
	v10 =	vadd.s32 v11, v10  }
0xaa: {  	v61 =	vor.u32 s29, v0;
	v10 =	vshrl.u32 v10, $0x4  }
0xab: {  	vm15 =	vlt.s32 v61, v7;
	vm1 =	veq.s32 v10, v9  }
0xac: {  	vm0 =	vmand vm15, vm1  }
0xad: {  	v62 =	vsel vm0, $0x1, v1  }
0xae: {  	(xrf0) =	vadd.scan.msk.s32 $0xffff, v62;
	_ =	sdelay $0x5  }
0xaf: {  	v9, _, _ =	vpop (xrf0)  }
0xb0: {  	(v2sf) =	vpush v9, $0xF;
	_ =	sdelay $0x2  }
0xb1: {  	s6 =	spop @p5 (v2sf)  }
0xb2: {  	s6 =	sadd.s32 @p5 s30, s6  }
0xb3: {  	s26 =	smov.u32 @p5 s6  }
0xb4: {  	v63 =	vmov s26  }
0xb5: {  	v10 =	vadd.s32 $0xFFFFFFFF, v63  }
0xb6: {  	v10 =	vbroadcast v10, $0x0;
	_ =	sdelay $0x1  }
0xb7: {  	v9 =	vadd.s32 v10, v9  }
0xb8: {  	v9 =	vnsel vm0, $0x2020, v9;
	_ =	sdelay $0x3  }
0xb9: {  	s31 =	spop (v2sf)  }
0xba: {  	[tilespmem:v9+s15+$0x0] =	vst.idx.msk $0xffff, v8;
	s26 =	sadd.s32 s26, s31  }
.LBB2_20:
0xbb: {  	s19 =	sadd.s32 $0x1, s19  }
0xbc: {  	p3 =	sne.s32 s19, $0xD  }
.Ltmp12:
0xbd: {  	_ = 	snop;
	(pc) =	sbr.rel @!p3 .LBB2_21-.Ltmp12, $1  }
0xbe: {  	_ =	sdelay $0x3  }
.LBB2_13:
.Ltmp13:
0xbf: {  	(pc) =	sbr.rel @p4 .LBB2_20-.Ltmp13, $3  }
0xc0: {  	_ =	sdelay $0x1  }
0xc1: {  	s6 =	sadd.s32 s19, s18  }
0xc2: {  	[smem:s6] =	sst s26  }
0xc3: {  	p3 =	sne.s32 s28, $0x1  }
.Ltmp14:
0xc4: {  	v8 =	vld [tilespmem:s2+$0x0];
	(pc) =	sbr.rel @!p3 .LBB2_15-.Ltmp14, $2  }
0xc5: {  	_ =	sdelay $0x2  }
0xc6: {  	v9 =	vmov s19;
	s29 =	simm.s32 $0x0;
	s20 =	sadd.s32 $0xFFFFFFFF, s28;
	p5 =	por $0x0, $0x0  }
0xc7: {  	v10 =	vand.u32 $0x1FFFF, v8  }
0xc8: {  	vm0 =	vgt.u32 v10, $0x1867F  }
0xc9: {  	v10 =	vshrl.u32 v10, $0x9;
	v11 =	vsel vm0, $0x1, v1  }
0xca: {  	v10 =	vadd.s32 v11, v10  }
0xcb: {  	v11 =	vor.u32 s29, v0;
	v10 =	vshrl.u32 v10, $0x4  }
0xcc: {  	vm15 =	vlt.s32 v11, v7;
	vm1 =	veq.s32 v10, v9  }
0xcd: {  	vm0 =	vmand vm15, vm1  }
0xce: {  	v10 =	vsel vm0, $0x1, v1  }
0xcf: {  	(xrf0) =	vadd.scan.msk.s32 $0xffff, v10;
	_ =	sdelay $0x2  }
0xd0: {  	v10 =	vmov s26  }
0xd1: {  	v10 =	vadd.s32 $0xFFFFFFFF, v10  }
0xd2: {  	v10 =	vbroadcast v10, $0x0  }
0xd3: {  	v11, _, _ =	vpop (xrf0)  }
0xd4: {  	v10 =	vadd.s32 v10, v11  }
0xd5: {  	v10 =	vnsel vm0, $0x2020, v10;
	_ =	sdelay $0x2  }
0xd6: {  	(v2sf) =	vpush v11, $0xF;
	_ =	sdelay $0x1  }
0xd7: {  	p3 =	sne.s32 s20, $0x1;
	s21 =	sadd.s32 $0x10, s2;
	[tilespmem:v10+s15+$0x0] =	vst.idx.msk $0xffff, v8  }
.Ltmp15:
0xd8: {  	v8 =	vld [tilespmem:s21+$0x0];
	(pc) =	sbr.rel @!p3 .LBB2_17-.Ltmp15, $3  }
0xd9: {  	_ =	sdelay $0x1  }
0xda: {  	s22 =	sadd.s32 $0xFFFFFFFF, s20  }
0xdb: {  	p5 =	por $0x1, $0x1;
	s20 =	simm.s32 $0x0;
	s30 =	smov.u32 s26  }
.LBB2_18:
0xdc: {  	p6 =	sne.s32 s22, $0x1;
	_ =	sdelay $0x3  }
0xdd: {  	v10 =	vand.u32 $0x1FFFF, v8  }
0xde: {  	vm0 =	vgt.u32 v10, $0x1867F  }
0xdf: {  	v10 =	vshrl.u32 v10, $0x9;
	v11 =	vsel vm0, $0x1, v1  }
0xe0: {  	s20 =	sadd.s32 $0x10, s20;
	v10 =	vadd.s32 v11, v10;
	s6 =	spop (v2sf)  }
0xe1: {  	v11 =	vor.u32 s20, v0;
	v10 =	vshrl.u32 v10, $0x4;
	s30 =	sadd.s32 s30, s6  }
0xe2: {  	vm0 =	vlt.s32 v11, v7;
	vm1 =	veq.s32 v10, v9;
	v10 =	vmov s30  }
0xe3: {  	vm0 =	vmand vm0, vm1;
	v10 =	vadd.s32 $0xFFFFFFFF, v10  }
0xe4: {  	v11 =	vsel vm0, $0x1, v1;
	v10 =	vbroadcast v10, $0x0  }
0xe5: {  	(xrf0) =	vadd.scan.msk.s32 $0xffff, v11;
	_ =	sdelay $0x5  }
0xe6: {  	v11, _, _ =	vpop (xrf0)  }
0xe7: {  	v10 =	vadd.s32 v10, v11;
	(v2sf) =	vpush v11, $0xF  }
0xe8: {  	v10 =	vnsel vm0, $0x2020, v10;
	_ =	sdelay $0x1  }
.Ltmp16:
0xe9: {  	(pc) =	sbr.rel @p6 .LBB2_18-.Ltmp16, $3  }
0xea: {  	_ =	sdelay $0x1  }
0xeb: {  	s21 =	sadd.s32 $0x10, s21;
	[tilespmem:v10+s15+$0x0] =	vst.idx.msk $0xffff, v8  }
0xec: {  	s22 =	sadd.s32 $0xFFFFFFFF, s22;
	v8 =	vld [tilespmem:s21+$0x0]  }
.Ltmp17:
0xed: {  	_ = 	snop;
	(pc) =	sbr.rel .LBB2_19-.Ltmp17, $1  }
0xee: {  	_ =	sdelay $0x3  }
.LBB2_17:
.Ltmp18:
0xef: {  	(pc) =	sbr.rel .LBB2_19-.Ltmp18, $2  }
0xf0: {  	_ =	sdelay $0x2  }
0xf1: {  	s20 =	simm.s32 $0x0;
	s30 =	smov.u32 s26  }
.LBB2_57:
0xf2: {  	s2 =	simm.s32 $0x1  }
.LBB2_62:
0xf3: {  	_ = 	snop  }
0xf4: {  	p3 =	por p3, !p4  }
0xf5: {  	[sflag:s19] =	ssyncset.done @!p3 $0x0  }
0xf6: {  	[sflag:s19] =	ssyncadd.s32 @!p3 $0xFFFFC000  }
0xf7: {  	v9 =	vld.idx.msk [tilespmem:v9+s0+$0x0], $0xffff;
	_ =	sdelay $0x4  }
0xf8: {  	v10 =	vand.u32 $0x1FF80, v9  }
0xf9: {  	v8 =	vsub.s32 v10, v8  }
0xfa: {  	v61 =	vand.u32 $0x7F, v9;
	v8 =	vshll.u32 v8, $0x3  }
0xfb: {  	v8 =	vadd.s32 v61, v8  }
0xfc: {  	v10 =	vadd.s32 v2, v8;
	_ =	sdelay $0x4  }
0xfd: {  	v10 =	vld.idx.msk [tilespmem:v10+s24+$0x0], $0xffff  }
0xfe: {  	v11 =	vadd.s32 v3, v8  }
0xff: {  	s6 =	sadd.s32 s20, s26  }
0x100: {  	s6 =	sand.u32 $0x7F, s6  }
0x101: {  	s7 =	sshll.u32 s6, $0x7  }
0x102: {  	[tilespmem:s7+$0x16180] =	vst v10  }
0x103: {  	v10 =	vld.idx.msk [tilespmem:v11+s24+$0x0], $0xffff  }
0x104: {  	v62 =	vadd.s32 v4, v8;
	_ =	sdelay $0x3  }
0x105: {  	[tilespmem:s7+$0x16190] =	vst v10  }
0x106: {  	v10 =	vld.idx.msk [tilespmem:v62+s24+$0x0], $0xffff  }
0x107: {  	v8 =	vadd.s32 v5, v8;
	_ =	sdelay $0x3  }
0x108: {  	[tilespmem:s7+$0x161A0] =	vst v10  }
0x109: {  	v8 =	vld.idx.msk [tilespmem:v8+s24+$0x0], $0xffff  }
0x10a: {  	v63 =	vmov s6  }
0x10b: {  	v9 =	vshrl.u32 v9, $0x11  }
0x10c: {  	v9 =	vmul.u32 $0x1A, v9  }
0x10d: {  	p3 =	sne.s32 s6, $0x7F  }
0x10e: {  	s6 =	simm.s32 @!p3 $0x80;
	v7 =	vadd.s32 v7, v9;
	[tilespmem:s7+$0x161B0] =	vst v8  }
0x10f: {  	s17 =	simm.s32 @!p3 $0x16180;
	s18 =	simm.s32 @!p3 $0x3;
	s7 =	simm.s32 @!p3 $0x1A180;
	[tilespmem:v63+s12+$0x0] =	vst.idx.msk $0xffff, v7  }
0x110: {  	[hbm4b:s9+s6] =	stream.indirect.scatter @!p3 [tilespmem:s17], [sflag:$0x3], $0x80, s7, s6, $0xb8;
	[tilespmem:$0x1A200] =	vst v63  }
0x111: {  	_ =	swait.ge @!p3 [sflag:s18], $0x4000  }
0x112: {  	[sflag:s18] =	ssyncset.done @!p3 $0x0  }
0x113: {  	s26 =	sadd.s32 s2, s26;
	[sflag:s18] =	ssyncadd.s32 @!p3 $0xFFFFC000  }
.LBB2_63:
0x114: {  	s28 =	sadd.s32 $0x1, s28  }
0x115: {  	p3 =	sne.s32 s28, s14  }
.Ltmp19:
0x116: {  	_ = 	snop;
	(pc) =	sbr.rel @!p3 .LBB2_64-.Ltmp19, $1  }
0x117: {  	_ =	sdelay $0x3  }
.LBB2_23:
0x118: {  	s2 =	sshll.u32 s28, $0x1  }
0x119: {  	s2 =	sadd.s32 s3, s2  }
0x11a: {  	s6 =	smulhi.u32 $0x532AE21D, s2;
	s7 =	sshra.s32 s2, $0x1F  }
0x11b: {  	s7 =	smul.u32 $0x532AE21D, s7;
	_ =	sdelay $0x1  }
0x11c: {  	s6 =	sadd.s32 s7, s6  }
0x11d: {  	s7 =	sshrl.u32 s6, $0x1F;
	s6 =	sshra.s32 s6, $0x6  }
0x11e: {  	s17 =	sadd.s32 s7, s6  }
0x11f: {  	s6 =	smul.u32 $0xFFFFFF3B, s17;
	_ =	sdelay $0x1  }
0x120: {  	s18 =	sadd.s32 s2, s6  }
0x121: {  	p3 =	sgt.s32 s18, $0xC2  }
0x122: {  	s29 =	sadd.s32 $0x1, s2;
	s6 =	simm.s32 @p3 $0x1  }
0x123: {  	p4 =	sge.s32 s29, s8;
	_ =	swait.ge @p3 [sflag:s6], $0x2000  }
.Ltmp20:
0x124: {  	[sflag:s6] =	ssyncset.done @p3 $0x0;
	(pc) =	sbr.rel @p4 .LBB2_29-.Ltmp20, $4  }
0x125: {  	[sflag:s6] =	ssyncadd.s32 @p3 $0xFFFFE000;
	s6 =	simm.s32 @!p3 $0x1  }
0x126: {  	_ =	swait.ge @!p3 [sflag:s6], $0x8000  }
0x127: {  	s30 =	smulhi.u32 $0x532AE21D, s29;
	s25 =	sshra.s32 s29, $0x1F;
	[sflag:s6] =	ssyncset.done @!p3 $0x0  }
0x128: {  	s31 =	smul.u32 $0x532AE21D, s25;
	[sflag:s6] =	ssyncadd.s32 @!p3 $0xFFFF8000  }
0x129: {  	_ = 	snop  }
0x12a: {  	s6 =	sadd.s32 s31, s30  }
0x12b: {  	s7 =	sshrl.u32 s6, $0x1F;
	s6 =	sshra.s32 s6, $0x6  }
0x12c: {  	s19 =	sadd.s32 s7, s6  }
0x12d: {  	s6 =	smul.u32 $0xFFFFFF3B, s19;
	_ =	sdelay $0x1  }
0x12e: {  	s20 =	sadd.s32 s29, s6  }
0x12f: {  	p3 =	sgt.s32 s20, $0xC2  }
0x130: {  	s6 =	smul.u32 @!p3 $0x61C000, s19  }
0x131: {  	s7 =	sshll.u32 @!p3 s20, $0xC  }
0x132: {  	s6 =	sadd.s32 @!p3 s6, s7  }
0x133: {  	s21 =	simm.s32 @!p3 $0xC3800;
	s6 =	sshrl.u32 @!p3 s6, $0x3  }
0x134: {  	s22 =	simm.s32 @!p3 $0xE180;
	s7 =	simm.s32 @!p3 $0x1000;
	s6 =	sadd.s32 @!p3 s1, s6  }
0x135: {  	[tilespmem:s22], [sflag:$0x2] =	stream.strided.gather @!p3 [hbm4b:s6+s7], $0x8000, s21, s7, $0x38;
	[tilespmem:$0x1A200] =	vst v63  }
0x136: {  	p3 =	seq.s32 s20, $0xC4  }
.Ltmp21:
0x137: {  	_ = 	snop;
	(pc) =	sbr.rel @p3 .LBB2_27-.Ltmp21, $1  }
0x138: {  	_ =	sdelay $0x3  }
0x139: {  	p3 =	sne.s32 s20, $0xC3  }
.Ltmp22:
0x13a: {  	_ = 	snop;
	(pc) =	sbr.rel @p3 .LBB2_29-.Ltmp22, $1  }
0x13b: {  	_ =	sdelay $0x3  }
0x13c: {  	s6 =	smul.u32 $0x61C000, s19  }
.Ltmp23:
0x13d: {  	_ = 	snop;
	(pc) =	sbr.rel .LBB2_28-.Ltmp23, $4  }
0x13e: {  	s20 =	simm.s32 $0xAB100  }
0x13f: {  	s21 =	simm.s32 $0x92A00;
	s22 =	simm.s32 $0x7A300;
	s6 =	sadd.s32 $0xC3000, s6  }
0x140: {  	s23 =	simm.s32 $0x61C00;
	s25 =	simm.s32 $0x49500;
	s6 =	sshrl.u32 s6, $0x3  }
0x141: {  	s7 =	simm.s32 $0x30E00;
	s19 =	sadd.s32 s1, s6;
	s6 =	simm.s32 $0x18700  }
.LBB2_27:
0x142: {  	s6 =	sshll.u32 s19, $0xA;
	s7 =	rddreg [dreg:$0x4]  }
0x143: {  	s20 =	simm.s32 $0x380;
	s21 =	simm.s32 $0x300;
	s22 =	simm.s32 $0x280  }
0x144: {  	s23 =	simm.s32 $0x200;
	s25 =	simm.s32 $0x180;
	s6 =	sand.u32 $0x1FFFFC00, s6  }
0x145: {  	s19 =	sadd.s32 s7, s6;
	s7 =	simm.s32 $0x100;
	s6 =	simm.s32 $0x80  }
.LBB2_28:
0x146: {  	[tilespmem:s24], [sflag:$0x2] =	stream.linear.gather [hbm4b:s19+s4], $0x400, $0x38;
	[tilespmem:$0x1A200] =	vst v63  }
0x147: {  	s6 =	sadd.s32 s6, s19;
	s1 =	simm.s32 $0xF180  }
0x148: {  	[tilespmem:s1], [sflag:$0x2] =	stream.linear.gather [hbm4b:s6+s4], $0x400, $0x38;
	[tilespmem:$0x1A200] =	vst v63  }
0x149: {  	s1 =	sadd.s32 s7, s19;
	s7 =	simm.s32 $0x10180  }
0x14a: {  	[tilespmem:s7], [sflag:$0x2] =	stream.linear.gather [hbm4b:s1+s4], $0x400, $0x38;
	[tilespmem:$0x1A200] =	vst v63  }
0x14b: {  	s1 =	sadd.s32 s25, s19;
	s7 =	simm.s32 $0x11180  }
0x14c: {  	[tilespmem:s7], [sflag:$0x2] =	stream.linear.gather [hbm4b:s1+s4], $0x400, $0x38;
	[tilespmem:$0x1A200] =	vst v63  }
0x14d: {  	s23 =	sadd.s32 s23, s19;
	s25 =	simm.s32 $0x12180  }
0x14e: {  	[tilespmem:s25], [sflag:$0x2] =	stream.linear.gather [hbm4b:s23+s4], $0x400, $0x38;
	[tilespmem:$0x1A200] =	vst v63  }
0x14f: {  	s1 =	sadd.s32 s22, s19;
	s7 =	simm.s32 $0x13180  }
0x150: {  	[tilespmem:s7], [sflag:$0x2] =	stream.linear.gather [hbm4b:s1+s4], $0x400, $0x38;
	[tilespmem:$0x1A200] =	vst v63  }
0x151: {  	s21 =	sadd.s32 s21, s19;
	s22 =	simm.s32 $0x14180  }
0x152: {  	[tilespmem:s22], [sflag:$0x2] =	stream.linear.gather [hbm4b:s21+s4], $0x400, $0x38;
	[tilespmem:$0x1A200] =	vst v63  }
0x153: {  	s23 =	sadd.s32 s20, s19;
	s25 =	simm.s32 $0x15180;
	s1 =	rddreg [dreg:$0x0]  }
0x154: {  	[tilespmem:s25], [sflag:$0x2] =	stream.linear.gather [hbm4b:s23+s4], $0x400, $0x38;
	[tilespmem:$0x1A200] =	vst v63  }
.LBB2_29:
0x155: {  	s6 =	ssub.s32 s17, s5  }
0x156: {  	p3 =	slt.s32 s6, $0x1  }
0x157: {  	s6 =	simm.s32 @!p3 $0x1  }
0x158: {  	s6 =	sshll.u32 s6, $0x6  }
0x159: {  	s7 =	sshrl.u32 s18, $0x4;
	s6 =	sshra.s32 s6, $0x2  }
0x15a: {  	s20 =	sadd.s32 s7, s6;
	s19 =	sld [smem:s6+s7]  }
0x15b: {  	s25 =	sld [smem:s20+$0x1];
	_ =	sdelay $0x2  }
0x15c: {  	p3 =	slt.s32 s2, s8;
	s21 =	ssub.s32 s25, s19  }
0x15d: {  	s21 =	simm.s32 @!p3 $0x0  }
0x15e: {  	s7 =	sadd.s32 $0xF, s21  }
0x15f: {  	p3 =	slt.s32 s7, $0x10  }
.Ltmp24:
0x160: {  	_ = 	snop;
	(pc) =	sbr.rel @p3 .LBB2_43-.Ltmp24, $1  }
0x161: {  	_ =	sdelay $0x3  }
0x162: {  	s6 =	sshra.s32 s7, $0x1F  }
0x163: {  	s6 =	sshrl.u32 s6, $0x1C  }
0x164: {  	s6 =	sadd.s32 s6, s7  }
0x165: {  	s6 =	sshra.s32 s6, $0x4  }
0x166: {  	p3 =	sne.s32 s6, $0x1  }
.Ltmp25:
0x167: {  	_ = 	snop;
	(pc) =	sbr.rel @!p3 .LBB2_31-.Ltmp25, $3  }
0x168: {  	_ =	sdelay $0x1  }
0x169: {  	s20 =	sadd.s32 $0x3080, s19  }
0x16a: {  	v8 =	vmov s21;
	v9 =	vmov s18;
	s19 =	simm.s32 $0x0;
	p5 =	por $0x0, $0x0;
	v7 =	vld [tilespmem:s20+$0x0];
	s21 =	sadd.s32 $0xFFFFFFFF, s6  }
0x16b: {  	_ =	sdelay $0x3  }
0x16c: {  	v10 =	vand.u32 $0x1FFFF, v7  }
0x16d: {  	vm0 =	vgt.u32 v10, $0x1867F  }
0x16e: {  	v10 =	vshrl.u32 v10, $0x9;
	v11 =	vsel vm0, $0x1, v1  }
0x16f: {  	v12 =	vor.u32 s19, v0;
	v10 =	vadd.s32 v11, v10  }
0x170: {  	vm15 =	vlt.s32 v12, v8;
	vm1 =	veq.s32 v10, v9  }
0x171: {  	vm0 =	vmand vm15, vm1  }
0x172: {  	v10 =	vsel vm0, $0x1, v1  }
0x173: {  	(xrf0) =	vadd.scan.msk.s32 $0xffff, v10;
	_ =	sdelay $0x2  }
0x174: {  	v10 =	vmov s19  }
0x175: {  	v10 =	vadd.s32 $0xFFFFFFFF, v10  }
0x176: {  	v10 =	vbroadcast v10, $0x0  }
0x177: {  	v11, _, _ =	vpop (xrf0)  }
0x178: {  	v10 =	vadd.s32 v10, v11;
	(v2sf) =	vpush v11, $0xF  }
0x179: {  	v10 =	vnsel vm0, $0x1010, v10  }
0x17a: {  	p3 =	sne.s32 s21, $0x1  }
.Ltmp26:
0x17b: {  	_ = 	snop;
	(pc) =	sbr.rel @!p3 .LBB2_33-.Ltmp26, $3  }
0x17c: {  	_ =	sdelay $0x1  }
0x17d: {  	s22 =	sadd.s32 $0x10, s20;
	s23 =	sadd.s32 $0xFFFFFFFF, s21;
	[tilespmem:v10+s0+$0x0] =	vst.idx.msk $0xffff, v7  }
0x17e: {  	p5 =	por $0x1, $0x1;
	s21 =	simm.s32 $0x0;
	s20 =	simm.s32 $0x0;
	v7 =	vld [tilespmem:s22+$0x0]  }
.LBB2_34:
0x17f: {  	p6 =	sne.s32 s23, $0x1;
	_ =	sdelay $0x3  }
0x180: {  	v10 =	vand.u32 $0x1FFFF, v7  }
0x181: {  	vm0 =	vgt.u32 v10, $0x1867F  }
0x182: {  	s21 =	sadd.s32 $0x10, s21;
	v10 =	vshrl.u32 v10, $0x9;
	v11 =	vsel vm0, $0x1, v1  }
0x183: {  	v12 =	vor.u32 s21, v0;
	v10 =	vadd.s32 v11, v10;
	s6 =	spop (v2sf)  }
0x184: {  	vm0 =	vlt.s32 v12, v8;
	vm1 =	veq.s32 v10, v9;
	s20 =	sadd.s32 s20, s6  }
0x185: {  	vm0 =	vmand vm0, vm1;
	v10 =	vmov s20  }
0x186: {  	v11 =	vsel vm0, $0x1, v1;
	v10 =	vadd.s32 $0xFFFFFFFF, v10  }
0x187: {  	v10 =	vbroadcast v10, $0x0;
	(xrf0) =	vadd.scan.msk.s32 $0xffff, v11;
	_ =	sdelay $0x5  }
0x188: {  	v11, _, _ =	vpop (xrf0)  }
0x189: {  	v10 =	vadd.s32 v10, v11;
	(v2sf) =	vpush v11, $0xF  }
0x18a: {  	v10 =	vnsel vm0, $0x1010, v10;
	_ =	sdelay $0x1  }
.Ltmp27:
0x18b: {  	(pc) =	sbr.rel @p6 .LBB2_34-.Ltmp27, $3  }
0x18c: {  	_ =	sdelay $0x1  }
0x18d: {  	s22 =	sadd.s32 $0x10, s22;
	[tilespmem:v10+s0+$0x0] =	vst.idx.msk $0xffff, v7  }
0x18e: {  	s23 =	sadd.s32 $0xFFFFFFFF, s23;
	v7 =	vld [tilespmem:s22+$0x0]  }
.LBB2_35:
0x18f: {  	_ =	sdelay $0x3  }
0x190: {  	v10 =	vand.u32 $0x1FFFF, v7  }
0x191: {  	s6 =	sadd.s32 @p5 $0x10, s21;
	s7 =	simm.s32 $0x0;
	vm0 =	vgt.u32 v10, $0x1867F  }
0x192: {  	s7 =	smov.u32 @p5 s6;
	v10 =	vshrl.u32 v10, $0x9;
	v11 =	vsel vm0, $0x1, v1  }
0x193: {  	v12 =	vor.u32 s7, v0;
	v10 =	vadd.s32 v11, v10  }
0x194: {  	vm15 =	vlt.s32 v12, v8;
	vm1 =	veq.s32 v10, v9  }
0x195: {  	vm0 =	vmand vm15, vm1  }
0x196: {  	v8 =	vsel vm0, $0x1, v1  }
0x197: {  	(xrf0) =	vadd.scan.msk.s32 $0xffff, v8;
	_ =	sdelay $0x5  }
0x198: {  	v8, _, _ =	vpop (xrf0)  }
0x199: {  	(v2sf) =	vpush v8, $0xF;
	_ =	sdelay $0x8  }
0x19a: {  	s6 =	spop @p5 (v2sf)  }
0x19b: {  	s6 =	sadd.s32 @p5 s20, s6  }
0x19c: {  	s19 =	smov.u32 @p5 s6  }
0x19d: {  	v63 =	vmov s19  }
0x19e: {  	v9 =	vadd.s32 $0xFFFFFFFF, v63  }
0x19f: {  	v9 =	vbroadcast v9, $0x0  }
0x1a0: {  	s25 =	spop (v2sf)  }
0x1a1: {  	v8 =	vadd.s32 v9, v8;
	s19 =	sadd.s32 s19, s25  }
0x1a2: {  	v8 =	vnsel vm0, $0x1010, v8;
	p3 =	slt.s32 s19, $0x1  }
.Ltmp28:
0x1a3: {  	_ = 	snop;
	(pc) =	sbr.rel @p3 .LBB2_43-.Ltmp28, $2  }
0x1a4: {  	_ =	sdelay $0x2  }
0x1a5: {  	[tilespmem:v8+s0+$0x0] =	vst.idx.msk $0xffff, v7  }
0x1a6: {  	p3 =	seq.s32 s18, $0xC4;
	s6 =	sshll.u32 s18, $0x9  }
0x1a7: {  	s6 =	simm.s32 @p3 $0x18680;
	p3 =	sne.s32 s19, $0x1  }
.Ltmp29:
0x1a8: {  	_ = 	snop;
	(pc) =	sbr.rel @!p3 .LBB2_37-.Ltmp29, $3  }
0x1a9: {  	_ =	sdelay $0x1  }
0x1aa: {  	s21 =	simm.s32 $0x0  }
0x1ab: {  	v7 =	vmov s17;
	s18 =	simm.s32 $0x1;
	p5 =	por $0x0, $0x0;
	v9 =	vmov s21;
	v8 =	vmov s6  }
0x1ac: {  	_ =	sdelay $0x3  }
0x1ad: {  	v9 =	vld.idx.msk [tilespmem:v9+s0+$0x0], $0xffff;
	_ =	sdelay $0x4  }
0x1ae: {  	v10 =	vand.u32 $0x1FF80, v9  }
0x1af: {  	v10 =	vsub.s32 v10, v8  }
0x1b0: {  	v11 =	vand.u32 $0x7F, v9;
	v10 =	vshll.u32 v10, $0x3  }
0x1b1: {  	v10 =	vadd.s32 v11, v10  }
0x1b2: {  	v11 =	vadd.s32 v2, v10;
	_ =	sdelay $0x4  }
0x1b3: {  	v11 =	vld.idx.msk [tilespmem:v11+s16+$0x0], $0xffff  }
0x1b4: {  	v12 =	vadd.s32 v3, v10  }
0x1b5: {  	s6 =	sadd.s32 $0x0, s26  }
0x1b6: {  	s6 =	sand.u32 $0x7F, s6  }
0x1b7: {  	s7 =	sshll.u32 s6, $0x7  }
0x1b8: {  	[tilespmem:s7+$0x16180] =	vst v11  }
0x1b9: {  	v11 =	vld.idx.msk [tilespmem:v12+s16+$0x0], $0xffff  }
0x1ba: {  	v63 =	vadd.s32 v4, v10;
	_ =	sdelay $0x3  }
0x1bb: {  	[tilespmem:s7+$0x16190] =	vst v11  }
0x1bc: {  	v11 =	vld.idx.msk [tilespmem:v63+s16+$0x0], $0xffff  }
0x1bd: {  	v10 =	vadd.s32 v5, v10;
	_ =	sdelay $0x3  }
0x1be: {  	[tilespmem:s7+$0x161A0] =	vst v11  }
0x1bf: {  	v10 =	vld.idx.msk [tilespmem:v10+s16+$0x0], $0xffff  }
0x1c0: {  	v11 =	vmov s6  }
0x1c1: {  	v9 =	vshrl.u32 v9, $0x11  }
0x1c2: {  	p6 =	sne.s32 s19, $0x2;
	v9 =	vmul.u32 $0x1A, v9  }
.Ltmp30:
0x1c3: {  	p3 =	sne.s32 s6, $0x7F;
	(pc) =	sbr.rel @!p6 .LBB2_39-.Ltmp30, $4  }
0x1c4: {  	s17 =	simm.s32 @!p3 $0x16180;
	v9 =	vadd.s32 v7, v9;
	[tilespmem:s7+$0x161B0] =	vst v10  }
0x1c5: {  	s20 =	simm.s32 @!p3 $0x3;
	s6 =	simm.s32 @!p3 $0x80;
	s7 =	simm.s32 @!p3 $0x1A180;
	[tilespmem:v11+s12+$0x0] =	vst.idx.msk $0xffff, v9;
	v9 =	vmov s18  }
0x1c6: {  	[hbm4b:s9+s6] =	stream.indirect.scatter @!p3 [tilespmem:s17], [sflag:$0x3], $0x80, s7, s6, $0xb8;
	[tilespmem:$0x1A200] =	vst v63  }
0x1c7: {  	p5 =	por $0x1, $0x1;
	s17 =	simm.s32 $0x2;
	_ =	swait.ge @!p3 [sflag:s20], $0x4000  }
.LBB2_40:
0x1c8: {  	[sflag:s20] =	ssyncset.done @!p3 $0x0;
	s6 =	smov.u32 s17;
	s17 =	sadd.s32 $0x1, s17  }
0x1c9: {  	p6 =	sne.s32 s19, s17;
	[sflag:s20] =	ssyncadd.s32 @!p3 $0xFFFFC000  }
0x1ca: {  	v9 =	vld.idx.msk [tilespmem:v9+s0+$0x0], $0xffff;
	_ =	sdelay $0x5  }
0x1cb: {  	v10 =	vand.u32 $0x1FF80, v9;
	v11 =	vshrl.u32 v9, $0x11  }
0x1cc: {  	v9 =	vand.u32 $0x7F, v9;
	v10 =	vsub.s32 v10, v8  }
0x1cd: {  	v10 =	vshll.u32 v10, $0x3  }
0x1ce: {  	v9 =	vadd.s32 v9, v10  }
0x1cf: {  	v10 =	vadd.s32 v2, v9;
	_ =	sdelay $0x4  }
0x1d0: {  	v10 =	vld.idx.msk [tilespmem:v10+s16+$0x0], $0xffff  }
0x1d1: {  	v12 =	vadd.s32 v3, v9  }
0x1d2: {  	s7 =	sadd.s32 s18, s26;
	s18 =	smov.u32 s6  }
0x1d3: {  	s6 =	sand.u32 $0x7F, s7  }
0x1d4: {  	s7 =	sshll.u32 s6, $0x7;
	_ =	sdelay $0x1  }
0x1d5: {  	[tilespmem:s7+$0x16180] =	vst v10  }
0x1d6: {  	v10 =	vld.idx.msk [tilespmem:v12+s16+$0x0], $0xffff  }
0x1d7: {  	v12 =	vadd.s32 v4, v9;
	_ =	sdelay $0x4  }
0x1d8: {  	[tilespmem:s7+$0x16190] =	vst v10  }
0x1d9: {  	v10 =	vld.idx.msk [tilespmem:v12+s16+$0x0], $0xffff  }
0x1da: {  	v9 =	vadd.s32 v5, v9;
	_ =	sdelay $0x4  }
0x1db: {  	[tilespmem:s7+$0x161A0] =	vst v10  }
0x1dc: {  	v10 =	vld.idx.msk [tilespmem:v9+s16+$0x0], $0xffff  }
0x1dd: {  	v12 =	vmov s6;
	_ =	sdelay $0x1  }
0x1de: {  	v9 =	vmul.u32 $0x1A, v11;
	_ =	sdelay $0x1  }
.Ltmp31:
0x1df: {  	p3 =	sne.s32 s6, $0x7F;
	v11 =	vadd.s32 v7, v9;
	(pc) =	sbr.rel @p6 .LBB2_40-.Ltmp31, $4  }
0x1e0: {  	s21 =	simm.s32 @!p3 $0x16180;
	s6 =	simm.s32 @!p3 $0x80;
	v9 =	vmov s18;
	[tilespmem:s7+$0x161B0] =	vst v10;
	s7 =	simm.s32 @!p3 $0x1A180  }
0x1e1: {  	s20 =	simm.s32 @!p3 $0x3;
	[tilespmem:v12+s12+$0x0] =	vst.idx.msk $0xffff, v11  }
0x1e2: {  	[hbm4b:s9+s6] =	stream.indirect.scatter @!p3 [tilespmem:s21], [sflag:$0x3], $0x80, s7, s6, $0xb8;
	[tilespmem:$0x1A200] =	vst v63  }
0x1e3: {  	_ =	swait.ge @!p3 [sflag:s20], $0x4000  }
0x1e4: {  	s21 =	smov.u32 s18  }
.LBB2_42:
0x1e5: {  	_ = 	snop  }
0x1e6: {  	p3 =	por p3, !p5  }
0x1e7: {  	[sflag:s20] =	ssyncset.done @!p3 $0x0  }
0x1e8: {  	[sflag:s20] =	ssyncadd.s32 @!p3 $0xFFFFC000  }
0x1e9: {  	v9 =	vld.idx.msk [tilespmem:v9+s0+$0x0], $0xffff;
	_ =	sdelay $0x4  }
0x1ea: {  	v10 =	vand.u32 $0x1FF80, v9  }
0x1eb: {  	v8 =	vsub.s32 v10, v8  }
0x1ec: {  	v61 =	vand.u32 $0x7F, v9;
	v8 =	vshll.u32 v8, $0x3  }
0x1ed: {  	v8 =	vadd.s32 v61, v8  }
0x1ee: {  	v10 =	vadd.s32 v2, v8;
	_ =	sdelay $0x4  }
0x1ef: {  	v10 =	vld.idx.msk [tilespmem:v10+s16+$0x0], $0xffff  }
0x1f0: {  	v11 =	vadd.s32 v3, v8  }
0x1f1: {  	s6 =	sadd.s32 s21, s26  }
0x1f2: {  	s6 =	sand.u32 $0x7F, s6  }
0x1f3: {  	s7 =	sshll.u32 s6, $0x7  }
0x1f4: {  	[tilespmem:s7+$0x16180] =	vst v10  }
0x1f5: {  	v10 =	vld.idx.msk [tilespmem:v11+s16+$0x0], $0xffff  }
0x1f6: {  	v62 =	vadd.s32 v4, v8;
	_ =	sdelay $0x3  }
0x1f7: {  	[tilespmem:s7+$0x16190] =	vst v10  }
0x1f8: {  	v10 =	vld.idx.msk [tilespmem:v62+s16+$0x0], $0xffff  }
0x1f9: {  	v8 =	vadd.s32 v5, v8;
	_ =	sdelay $0x3  }
0x1fa: {  	[tilespmem:s7+$0x161A0] =	vst v10  }
0x1fb: {  	v8 =	vld.idx.msk [tilespmem:v8+s16+$0x0], $0xffff  }
0x1fc: {  	v63 =	vmov s6  }
0x1fd: {  	v9 =	vshrl.u32 v9, $0x11  }
0x1fe: {  	v9 =	vmul.u32 $0x1A, v9  }
0x1ff: {  	p3 =	sne.s32 s6, $0x7F  }
0x200: {  	s6 =	simm.s32 @!p3 $0x80;
	v7 =	vadd.s32 v7, v9;
	[tilespmem:s7+$0x161B0] =	vst v8  }
0x201: {  	s18 =	simm.s32 @!p3 $0x16180;
	s19 =	simm.s32 @!p3 $0x3;
	s7 =	simm.s32 @!p3 $0x1A180;
	[tilespmem:v63+s12+$0x0] =	vst.idx.msk $0xffff, v7  }
0x202: {  	[hbm4b:s9+s6] =	stream.indirect.scatter @!p3 [tilespmem:s18], [sflag:$0x3], $0x80, s7, s6, $0xb8;
	[tilespmem:$0x1A200] =	vst v63  }
0x203: {  	_ =	swait.ge @!p3 [sflag:s19], $0x4000  }
0x204: {  	[sflag:s19] =	ssyncset.done @!p3 $0x0  }
0x205: {  	s26 =	sadd.s32 s17, s26;
	[sflag:s19] =	ssyncadd.s32 @!p3 $0xFFFFC000  }
.LBB2_43:
0x206: {  	s6 =	smulhi.u32 @!p4 $0x532AE21D, s29;
	s7 =	sshra.s32 @!p4 s29, $0x1F  }
0x207: {  	s7 =	smul.u32 @!p4 $0x532AE21D, s7;
	_ =	sdelay $0x1  }
0x208: {  	s6 =	sadd.s32 @!p4 s7, s6  }
0x209: {  	s7 =	sshrl.u32 @!p4 s6, $0x1F;
	s6 =	sshra.s32 @!p4 s6, $0x6  }
0x20a: {  	s6 =	sadd.s32 @!p4 s7, s6  }
0x20b: {  	s6 =	smul.u32 @!p4 $0xC5, s6;
	_ =	sdelay $0x1  }
0x20c: {  	s6 =	ssub.s32 @!p4 s29, s6  }
0x20d: {  	p3 =	sgt.s32 @!p4 s6, $0xC2  }
0x20e: {  	p5 =	por !p3, p4  }
0x20f: {  	s17 =	sadd.s32 $0x2, s2;
	s6 =	simm.s32 @!p5 $0x2  }
0x210: {  	p3 =	por p3, p4;
	p4 =	sge.s32 s17, s8;
	_ =	swait.ge @!p5 [sflag:s6], $0x2000  }
.Ltmp32:
0x211: {  	[sflag:s6] =	ssyncset.done @!p5 $0x0;
	(pc) =	sbr.rel @p4 .LBB2_49-.Ltmp32, $4  }
0x212: {  	[sflag:s6] =	ssyncadd.s32 @!p5 $0xFFFFE000;
	s6 =	simm.s32 @!p3 $0x2  }
0x213: {  	_ =	swait.ge @!p3 [sflag:s6], $0x8000  }
0x214: {  	[sflag:s6] =	ssyncset.done @!p3 $0x0  }
0x215: {  	[sflag:s6] =	ssyncadd.s32 @!p3 $0xFFFF8000  }
0x216: {  	s2 =	smulhi.u32 $0x532AE21D, s17;
	s6 =	sshra.s32 s17, $0x1F  }
0x217: {  	s6 =	smul.u32 $0x532AE21D, s6;
	_ =	sdelay $0x1  }
0x218: {  	s2 =	sadd.s32 s6, s2  }
0x219: {  	s6 =	sshrl.u32 s2, $0x1F;
	s2 =	sshra.s32 s2, $0x6  }
0x21a: {  	s2 =	sadd.s32 s6, s2  }
0x21b: {  	s6 =	smul.u32 $0xFFFFFF3B, s2;
	_ =	sdelay $0x1  }
0x21c: {  	s17 =	sadd.s32 s17, s6  }
0x21d: {  	p3 =	sgt.s32 s17, $0xC2  }
0x21e: {  	s6 =	smul.u32 @!p3 $0x61C000, s2  }
0x21f: {  	s7 =	sshll.u32 @!p3 s17, $0xC  }
0x220: {  	s6 =	sadd.s32 @!p3 s6, s7  }
0x221: {  	s18 =	simm.s32 @!p3 $0xC3800;
	s6 =	sshrl.u32 @!p3 s6, $0x3  }
0x222: {  	s19 =	simm.s32 @!p3 $0x6180;
	s7 =	simm.s32 @!p3 $0x1000;
	s6 =	sadd.s32 @!p3 s1, s6  }
0x223: {  	[tilespmem:s19], [sflag:$0x1] =	stream.strided.gather @!p3 [hbm4b:s6+s7], $0x8000, s18, s7, $0x38;
	[tilespmem:$0x1A200] =	vst v63  }
0x224: {  	p3 =	seq.s32 s17, $0xC4  }
.Ltmp33:
0x225: {  	_ = 	snop;
	(pc) =	sbr.rel @p3 .LBB2_47-.Ltmp33, $1  }
0x226: {  	_ =	sdelay $0x3  }
0x227: {  	p3 =	sne.s32 s17, $0xC3  }
.Ltmp34:
0x228: {  	_ = 	snop;
	(pc) =	sbr.rel @p3 .LBB2_49-.Ltmp34, $1  }
0x229: {  	_ =	sdelay $0x3  }
0x22a: {  	s2 =	smul.u32 $0x61C000, s2  }
.Ltmp35:
0x22b: {  	_ = 	snop;
	(pc) =	sbr.rel .LBB2_48-.Ltmp35, $4  }
0x22c: {  	s17 =	simm.s32 $0xAB100  }
0x22d: {  	s18 =	simm.s32 $0x92A00;
	s19 =	simm.s32 $0x7A300;
	s2 =	sadd.s32 $0xC3000, s2  }
0x22e: {  	s20 =	simm.s32 $0x61C00;
	s21 =	simm.s32 $0x49500;
	s2 =	sshrl.u32 s2, $0x3  }
0x22f: {  	s7 =	simm.s32 $0x30E00;
	s6 =	simm.s32 $0x18700;
	s2 =	sadd.s32 s1, s2  }
.LBB2_47:
0x230: {  	s2 =	sshll.u32 s2, $0xA;
	s6 =	rddreg [dreg:$0x4]  }
0x231: {  	s17 =	simm.s32 $0x380;
	s18 =	simm.s32 $0x300;
	s19 =	simm.s32 $0x280  }
0x232: {  	s20 =	simm.s32 $0x200;
	s21 =	simm.s32 $0x180;
	s2 =	sand.u32 $0x1FFFFC00, s2  }
0x233: {  	s7 =	simm.s32 $0x100;
	s2 =	sadd.s32 s6, s2;
	s6 =	simm.s32 $0x80  }
.LBB2_48:
0x234: {  	[tilespmem:s16], [sflag:$0x1] =	stream.linear.gather [hbm4b:s2+s4], $0x400, $0x38;
	[tilespmem:$0x1A200] =	vst v63  }
0x235: {  	s6 =	sadd.s32 s6, s2;
	s22 =	simm.s32 $0x7180  }
0x236: {  	[tilespmem:s22], [sflag:$0x1] =	stream.linear.gather [hbm4b:s6+s4], $0x400, $0x38;
	[tilespmem:$0x1A200] =	vst v63  }
0x237: {  	s23 =	sadd.s32 s7, s2;
	s25 =	simm.s32 $0x8180  }
0x238: {  	[tilespmem:s25], [sflag:$0x1] =	stream.linear.gather [hbm4b:s23+s4], $0x400, $0x38;
	[tilespmem:$0x1A200] =	vst v63  }
0x239: {  	s21 =	sadd.s32 s21, s2;
	s22 =	simm.s32 $0x9180  }
0x23a: {  	[tilespmem:s22], [sflag:$0x1] =	stream.linear.gather [hbm4b:s21+s4], $0x400, $0x38;
	[tilespmem:$0x1A200] =	vst v63  }
0x23b: {  	s23 =	sadd.s32 s20, s2;
	s25 =	simm.s32 $0xA180  }
0x23c: {  	[tilespmem:s25], [sflag:$0x1] =	stream.linear.gather [hbm4b:s23+s4], $0x400, $0x38;
	[tilespmem:$0x1A200] =	vst v63  }
0x23d: {  	s19 =	sadd.s32 s19, s2;
	s20 =	simm.s32 $0xB180  }
0x23e: {  	[tilespmem:s20], [sflag:$0x1] =	stream.linear.gather [hbm4b:s19+s4], $0x400, $0x38;
	[tilespmem:$0x1A200] =	vst v63  }
0x23f: {  	s21 =	sadd.s32 s18, s2;
	s22 =	simm.s32 $0xC180  }
0x240: {  	[tilespmem:s22], [sflag:$0x1] =	stream.linear.gather [hbm4b:s21+s4], $0x400, $0x38;
	[tilespmem:$0x1A200] =	vst v63  }
0x241: {  	s23 =	sadd.s32 s17, s2;
	s25 =	simm.s32 $0xD180  }
0x242: {  	[tilespmem:s25], [sflag:$0x1] =	stream.linear.gather [hbm4b:s23+s4], $0x400, $0x38;
	[tilespmem:$0x1A200] =	vst v63  }
.LBB2_49:
0x243: {  	s2 =	sadd.s32 s31, s30  }
0x244: {  	s6 =	sshrl.u32 s2, $0x1F;
	s2 =	sshra.s32 s2, $0x6  }
0x245: {  	s2 =	sadd.s32 s6, s2  }
0x246: {  	s6 =	ssub.s32 s2, s5  }
0x247: {  	s7 =	smul.u32 $0xFFFFFF3B, s2;
	p3 =	slt.s32 s6, $0x1  }
0x248: {  	s6 =	simm.s32 @!p3 $0x1  }
0x249: {  	s17 =	sadd.s32 s29, s7;
	s6 =	sshll.u32 s6, $0x6  }
0x24a: {  	s7 =	sshrl.u32 s17, $0x4;
	s6 =	sshra.s32 s6, $0x2  }
0x24b: {  	s19 =	sadd.s32 s7, s6;
	s18 =	sld [smem:s6+s7]  }
0x24c: {  	s31 =	sld [smem:s19+$0x1];
	_ =	sdelay $0x2  }
0x24d: {  	p3 =	slt.s32 s29, s8;
	s20 =	ssub.s32 s31, s18  }
0x24e: {  	s20 =	simm.s32 @!p3 $0x0  }
0x24f: {  	s7 =	sadd.s32 $0xF, s20  }
0x250: {  	p3 =	slt.s32 s7, $0x10  }
.Ltmp36:
0x251: {  	_ = 	snop;
	(pc) =	sbr.rel @p3 .LBB2_63-.Ltmp36, $1  }
0x252: {  	_ =	sdelay $0x3  }
0x253: {  	s6 =	sshra.s32 s7, $0x1F  }
0x254: {  	s6 =	sshrl.u32 s6, $0x1C  }
0x255: {  	s6 =	sadd.s32 s6, s7  }
0x256: {  	s6 =	sshra.s32 s6, $0x4  }
0x257: {  	p3 =	sne.s32 s6, $0x1  }
.Ltmp37:
0x258: {  	_ = 	snop;
	(pc) =	sbr.rel @!p3 .LBB2_51-.Ltmp37, $3  }
0x259: {  	_ =	sdelay $0x1  }
0x25a: {  	s19 =	sadd.s32 $0x3080, s18  }
0x25b: {  	v8 =	vmov s20;
	v9 =	vmov s17;
	s18 =	simm.s32 $0x0;
	p4 =	por $0x0, $0x0;
	v7 =	vld [tilespmem:s19+$0x0];
	s20 =	sadd.s32 $0xFFFFFFFF, s6  }
0x25c: {  	_ =	sdelay $0x3  }
0x25d: {  	v10 =	vand.u32 $0x1FFFF, v7  }
0x25e: {  	vm0 =	vgt.u32 v10, $0x1867F  }
0x25f: {  	v10 =	vshrl.u32 v10, $0x9;
	v11 =	vsel vm0, $0x1, v1  }
0x260: {  	v12 =	vor.u32 s18, v0;
	v10 =	vadd.s32 v11, v10  }
0x261: {  	vm15 =	vlt.s32 v12, v8;
	vm1 =	veq.s32 v10, v9  }
0x262: {  	vm0 =	vmand vm15, vm1  }
0x263: {  	v10 =	vsel vm0, $0x1, v1  }
0x264: {  	(xrf0) =	vadd.scan.msk.s32 $0xffff, v10;
	_ =	sdelay $0x2  }
0x265: {  	v10 =	vmov s18  }
0x266: {  	v10 =	vadd.s32 $0xFFFFFFFF, v10  }
0x267: {  	v10 =	vbroadcast v10, $0x0  }
0x268: {  	v11, _, _ =	vpop (xrf0)  }
0x269: {  	v10 =	vadd.s32 v10, v11;
	(v2sf) =	vpush v11, $0xF  }
0x26a: {  	v10 =	vnsel vm0, $0x1010, v10  }
0x26b: {  	p3 =	sne.s32 s20, $0x1  }
.Ltmp38:
0x26c: {  	_ = 	snop;
	(pc) =	sbr.rel @!p3 .LBB2_53-.Ltmp38, $3  }
0x26d: {  	_ =	sdelay $0x1  }
0x26e: {  	s21 =	sadd.s32 $0x10, s19;
	s22 =	sadd.s32 $0xFFFFFFFF, s20;
	[tilespmem:v10+s0+$0x0] =	vst.idx.msk $0xffff, v7  }
0x26f: {  	p4 =	por $0x1, $0x1;
	s20 =	simm.s32 $0x0;
	s19 =	simm.s32 $0x0;
	v7 =	vld [tilespmem:s21+$0x0]  }
.LBB2_54:
0x270: {  	p5 =	sne.s32 s22, $0x1;
	_ =	sdelay $0x3  }
0x271: {  	v10 =	vand.u32 $0x1FFFF, v7  }
0x272: {  	vm0 =	vgt.u32 v10, $0x1867F  }
0x273: {  	s20 =	sadd.s32 $0x10, s20;
	v10 =	vshrl.u32 v10, $0x9;
	v11 =	vsel vm0, $0x1, v1  }
0x274: {  	v12 =	vor.u32 s20, v0;
	v10 =	vadd.s32 v11, v10;
	s6 =	spop (v2sf)  }
0x275: {  	vm0 =	vlt.s32 v12, v8;
	vm1 =	veq.s32 v10, v9;
	s19 =	sadd.s32 s19, s6  }
0x276: {  	vm0 =	vmand vm0, vm1;
	v10 =	vmov s19  }
0x277: {  	v11 =	vsel vm0, $0x1, v1;
	v10 =	vadd.s32 $0xFFFFFFFF, v10  }
0x278: {  	v10 =	vbroadcast v10, $0x0;
	(xrf0) =	vadd.scan.msk.s32 $0xffff, v11;
	_ =	sdelay $0x5  }
0x279: {  	v11, _, _ =	vpop (xrf0)  }
0x27a: {  	v10 =	vadd.s32 v10, v11;
	(v2sf) =	vpush v11, $0xF  }
0x27b: {  	v10 =	vnsel vm0, $0x1010, v10;
	_ =	sdelay $0x1  }
.Ltmp39:
0x27c: {  	(pc) =	sbr.rel @p5 .LBB2_54-.Ltmp39, $3  }
0x27d: {  	_ =	sdelay $0x1  }
0x27e: {  	s21 =	sadd.s32 $0x10, s21;
	[tilespmem:v10+s0+$0x0] =	vst.idx.msk $0xffff, v7  }
0x27f: {  	s22 =	sadd.s32 $0xFFFFFFFF, s22;
	v7 =	vld [tilespmem:s21+$0x0]  }
.LBB2_55:
0x280: {  	_ =	sdelay $0x3  }
0x281: {  	v10 =	vand.u32 $0x1FFFF, v7  }
0x282: {  	s6 =	sadd.s32 @p4 $0x10, s20;
	s7 =	simm.s32 $0x0;
	vm0 =	vgt.u32 v10, $0x1867F  }
0x283: {  	s7 =	smov.u32 @p4 s6;
	v10 =	vshrl.u32 v10, $0x9;
	v11 =	vsel vm0, $0x1, v1  }
0x284: {  	v12 =	vor.u32 s7, v0;
	v10 =	vadd.s32 v11, v10  }
0x285: {  	vm15 =	vlt.s32 v12, v8;
	vm1 =	veq.s32 v10, v9  }
0x286: {  	vm0 =	vmand vm15, vm1  }
0x287: {  	v8 =	vsel vm0, $0x1, v1  }
0x288: {  	(xrf0) =	vadd.scan.msk.s32 $0xffff, v8;
	_ =	sdelay $0x5  }
0x289: {  	v8, _, _ =	vpop (xrf0)  }
0x28a: {  	(v2sf) =	vpush v8, $0xF;
	_ =	sdelay $0x8  }
0x28b: {  	s6 =	spop @p4 (v2sf)  }
0x28c: {  	s6 =	sadd.s32 @p4 s19, s6  }
0x28d: {  	s18 =	smov.u32 @p4 s6  }
0x28e: {  	v63 =	vmov s18  }
0x28f: {  	v9 =	vadd.s32 $0xFFFFFFFF, v63  }
0x290: {  	v9 =	vbroadcast v9, $0x0  }
0x291: {  	s31 =	spop (v2sf)  }
0x292: {  	v8 =	vadd.s32 v9, v8;
	s18 =	sadd.s32 s18, s31  }
0x293: {  	v8 =	vnsel vm0, $0x1010, v8;
	p3 =	slt.s32 s18, $0x1  }
.Ltmp40:
0x294: {  	_ = 	snop;
	(pc) =	sbr.rel @p3 .LBB2_63-.Ltmp40, $2  }
0x295: {  	_ =	sdelay $0x2  }
0x296: {  	[tilespmem:v8+s0+$0x0] =	vst.idx.msk $0xffff, v7  }
0x297: {  	p3 =	seq.s32 s17, $0xC4;
	s6 =	sshll.u32 s17, $0x9  }
0x298: {  	s6 =	simm.s32 @p3 $0x18680;
	p3 =	sne.s32 s18, $0x1  }
.Ltmp41:
0x299: {  	_ = 	snop;
	(pc) =	sbr.rel @!p3 .LBB2_57-.Ltmp41, $3  }
0x29a: {  	_ =	sdelay $0x1  }
0x29b: {  	s20 =	simm.s32 $0x0  }
0x29c: {  	v7 =	vmov s2;
	s17 =	simm.s32 $0x1;
	p4 =	por $0x0, $0x0;
	v9 =	vmov s20;
	v8 =	vmov s6  }
0x29d: {  	_ =	sdelay $0x3  }
0x29e: {  	v9 =	vld.idx.msk [tilespmem:v9+s0+$0x0], $0xffff;
	_ =	sdelay $0x4  }
0x29f: {  	v10 =	vand.u32 $0x1FF80, v9  }
0x2a0: {  	v10 =	vsub.s32 v10, v8  }
0x2a1: {  	v11 =	vand.u32 $0x7F, v9;
	v10 =	vshll.u32 v10, $0x3  }
0x2a2: {  	v10 =	vadd.s32 v11, v10  }
0x2a3: {  	v11 =	vadd.s32 v2, v10;
	_ =	sdelay $0x4  }
0x2a4: {  	v11 =	vld.idx.msk [tilespmem:v11+s24+$0x0], $0xffff  }
0x2a5: {  	v12 =	vadd.s32 v3, v10  }
0x2a6: {  	s2 =	sadd.s32 $0x0, s26  }
0x2a7: {  	s2 =	sand.u32 $0x7F, s2  }
0x2a8: {  	s6 =	sshll.u32 s2, $0x7  }
0x2a9: {  	[tilespmem:s6+$0x16180] =	vst v11  }
0x2aa: {  	v11 =	vld.idx.msk [tilespmem:v12+s24+$0x0], $0xffff  }
0x2ab: {  	v63 =	vadd.s32 v4, v10;
	_ =	sdelay $0x3  }
0x2ac: {  	[tilespmem:s6+$0x16190] =	vst v11  }
0x2ad: {  	v11 =	vld.idx.msk [tilespmem:v63+s24+$0x0], $0xffff  }
0x2ae: {  	v10 =	vadd.s32 v5, v10;
	_ =	sdelay $0x3  }
0x2af: {  	[tilespmem:s6+$0x161A0] =	vst v11  }
0x2b0: {  	v10 =	vld.idx.msk [tilespmem:v10+s24+$0x0], $0xffff  }
0x2b1: {  	v11 =	vmov s2  }
0x2b2: {  	v9 =	vshrl.u32 v9, $0x11  }
0x2b3: {  	p5 =	sne.s32 s18, $0x2;
	v9 =	vmul.u32 $0x1A, v9  }
.Ltmp42:
0x2b4: {  	p3 =	sne.s32 s2, $0x7F;
	(pc) =	sbr.rel @!p5 .LBB2_59-.Ltmp42, $4  }
0x2b5: {  	s7 =	simm.s32 @!p3 $0x16180;
	v9 =	vadd.s32 v7, v9;
	[tilespmem:s6+$0x161B0] =	vst v10  }
0x2b6: {  	s19 =	simm.s32 @!p3 $0x3;
	s2 =	simm.s32 @!p3 $0x80;
	s6 =	simm.s32 @!p3 $0x1A180;
	[tilespmem:v11+s12+$0x0] =	vst.idx.msk $0xffff, v9;
	v9 =	vmov s17  }
0x2b7: {  	[hbm4b:s9+s2] =	stream.indirect.scatter @!p3 [tilespmem:s7], [sflag:$0x3], $0x80, s6, s2, $0xb8;
	[tilespmem:$0x1A200] =	vst v63  }
0x2b8: {  	p4 =	por $0x1, $0x1;
	s2 =	simm.s32 $0x2;
	_ =	swait.ge @!p3 [sflag:s19], $0x4000  }
.LBB2_60:
0x2b9: {  	[sflag:s19] =	ssyncset.done @!p3 $0x0;
	s6 =	smov.u32 s2;
	s2 =	sadd.s32 $0x1, s2  }
0x2ba: {  	p5 =	sne.s32 s18, s2;
	[sflag:s19] =	ssyncadd.s32 @!p3 $0xFFFFC000  }
0x2bb: {  	v9 =	vld.idx.msk [tilespmem:v9+s0+$0x0], $0xffff;
	_ =	sdelay $0x5  }
0x2bc: {  	v10 =	vand.u32 $0x1FF80, v9;
	v11 =	vshrl.u32 v9, $0x11  }
0x2bd: {  	v9 =	vand.u32 $0x7F, v9;
	v10 =	vsub.s32 v10, v8  }
0x2be: {  	v10 =	vshll.u32 v10, $0x3  }
0x2bf: {  	v9 =	vadd.s32 v9, v10  }
0x2c0: {  	v10 =	vadd.s32 v2, v9;
	_ =	sdelay $0x4  }
0x2c1: {  	v10 =	vld.idx.msk [tilespmem:v10+s24+$0x0], $0xffff  }
0x2c2: {  	v12 =	vadd.s32 v3, v9  }
0x2c3: {  	s7 =	sadd.s32 s17, s26;
	s17 =	smov.u32 s6  }
0x2c4: {  	s6 =	sand.u32 $0x7F, s7  }
0x2c5: {  	s7 =	sshll.u32 s6, $0x7;
	_ =	sdelay $0x1  }
0x2c6: {  	[tilespmem:s7+$0x16180] =	vst v10  }
0x2c7: {  	v10 =	vld.idx.msk [tilespmem:v12+s24+$0x0], $0xffff  }
0x2c8: {  	v12 =	vadd.s32 v4, v9;
	_ =	sdelay $0x4  }
0x2c9: {  	[tilespmem:s7+$0x16190] =	vst v10  }
0x2ca: {  	v10 =	vld.idx.msk [tilespmem:v12+s24+$0x0], $0xffff  }
0x2cb: {  	v9 =	vadd.s32 v5, v9;
	_ =	sdelay $0x4  }
0x2cc: {  	[tilespmem:s7+$0x161A0] =	vst v10  }
0x2cd: {  	v10 =	vld.idx.msk [tilespmem:v9+s24+$0x0], $0xffff  }
0x2ce: {  	v12 =	vmov s6;
	_ =	sdelay $0x1  }
0x2cf: {  	v9 =	vmul.u32 $0x1A, v11;
	_ =	sdelay $0x1  }
.Ltmp43:
0x2d0: {  	p3 =	sne.s32 s6, $0x7F;
	v11 =	vadd.s32 v7, v9;
	(pc) =	sbr.rel @p5 .LBB2_60-.Ltmp43, $4  }
0x2d1: {  	s20 =	simm.s32 @!p3 $0x16180;
	s6 =	simm.s32 @!p3 $0x80;
	v9 =	vmov s17;
	[tilespmem:s7+$0x161B0] =	vst v10;
	s7 =	simm.s32 @!p3 $0x1A180  }
0x2d2: {  	s19 =	simm.s32 @!p3 $0x3;
	[tilespmem:v12+s12+$0x0] =	vst.idx.msk $0xffff, v11  }
0x2d3: {  	[hbm4b:s9+s6] =	stream.indirect.scatter @!p3 [tilespmem:s20], [sflag:$0x3], $0x80, s7, s6, $0xb8;
	[tilespmem:$0x1A200] =	vst v63  }
0x2d4: {  	_ =	swait.ge @!p3 [sflag:s19], $0x4000  }
.Ltmp44:
0x2d5: {  	(pc) =	sbr.rel .LBB2_62-.Ltmp44, $2  }
0x2d6: {  	_ =	sdelay $0x2  }
0x2d7: {  	s20 =	smov.u32 s17  }
.LBB2_31:
.Ltmp45:
0x2d8: {  	(pc) =	sbr.rel .LBB2_35-.Ltmp45, $2  }
0x2d9: {  	_ =	sdelay $0x2  }
0x2da: {  	s21 =	simm.s32 $0x0;
	s20 =	simm.s32 $0x0  }
.LBB2_51:
.Ltmp46:
0x2db: {  	(pc) =	sbr.rel .LBB2_55-.Ltmp46, $2  }
0x2dc: {  	_ =	sdelay $0x2  }
0x2dd: {  	s20 =	simm.s32 $0x0;
	s19 =	simm.s32 $0x0  }
.LBB2_33:
.Ltmp47:
0x2de: {  	(pc) =	sbr.rel .LBB2_35-.Ltmp47, $2  }
0x2df: {  	_ =	sdelay $0x2  }
0x2e0: {  	s21 =	simm.s32 $0x0;
	s20 =	simm.s32 $0x0  }
.LBB2_53:
.Ltmp48:
0x2e1: {  	(pc) =	sbr.rel .LBB2_55-.Ltmp48, $2  }
0x2e2: {  	_ =	sdelay $0x2  }
0x2e3: {  	s20 =	simm.s32 $0x0;
	s19 =	simm.s32 $0x0  }
.LBB2_37:
.Ltmp49:
0x2e4: {  	(pc) =	sbr.rel .LBB2_42-.Ltmp49, $2  }
0x2e5: {  	_ =	sdelay $0x2  }
0x2e6: {  	s17 =	simm.s32 $0x1  }
.LBB2_39:
.Ltmp50:
0x2e7: {  	(pc) =	sbr.rel .LBB2_42-.Ltmp50, $2  }
0x2e8: {  	_ =	sdelay $0x2  }
0x2e9: {  	s21 =	simm.s32 $0x1  }
.LBB2_59:
.Ltmp51:
0x2ea: {  	(pc) =	sbr.rel .LBB2_62-.Ltmp51, $2  }
0x2eb: {  	_ =	sdelay $0x2  }
0x2ec: {  	s20 =	simm.s32 $0x1  }
.LBB2_64:
0x2ed: {  	s2 =	sand.u32 $0x7F, s26  }
0x2ee: {  	p3 =	seq.s32 s2, $0x0  }
.Ltmp52:
0x2ef: {  	_ = 	snop;
	(pc) =	sbr.rel @p3 .LBB2_70-.Ltmp52, $3  }
0x2f0: {  	_ =	sdelay $0x1  }
0x2f1: {  	s23 =	rddreg [dreg:$0x3]  }
0x2f2: {  	s6 =	rddreg [dreg:$0x9]  }
0x2f3: {  	s6 =	sadd.s32 $0xFFFFFFFF, s2;
	s18 =	sshll.u32 s2, $0x9  }
0x2f4: {  	v7 =	vmov s6;
	p3 =	seq.s32 s18, $0xFE00  }
.Ltmp53:
0x2f5: {  	_ = 	snop;
	(pc) =	sbr.rel @p3 .LBB2_67-.Ltmp53, $4  }
0x2f6: {  	s6 =	sshll.u32 s6, $0x7  }
0x2f7: {  	s17 =	sand.u32 $0x3FFFFF80, s6  }
0x2f8: {  	v8 =	vld [tilespmem:s17+$0x16180]  }
0x2f9: {  	s19 =	sadd.s32 $0x200, s18;
	v7 =	vld.idx.msk [tilespmem:v7+s12+$0x0], $0xffff  }
.LBB2_66:
0x2fa: {  	p3 =	seq.s32 s19, $0xFE00;
	_ =	sdelay $0x2  }
0x2fb: {  	s6 =	sshra.s32 s18, $0x2;
	s18 =	smov.u32 s19  }
0x2fc: {  	[tilespmem:s6+$0x16180] =	vst v8  }
0x2fd: {  	v8 =	vld [tilespmem:s17+$0x16190];
	_ =	sdelay $0x4  }
0x2fe: {  	[tilespmem:s6+$0x16190] =	vst v8  }
0x2ff: {  	v8 =	vld [tilespmem:s17+$0x161A0];
	_ =	sdelay $0x4  }
0x300: {  	[tilespmem:s6+$0x161A0] =	vst v8  }
0x301: {  	v8 =	vld [tilespmem:s17+$0x161B0];
	_ =	sdelay $0x1  }
.Ltmp54:
0x302: {  	(pc) =	sbr.rel @!p3 .LBB2_66-.Ltmp54, $3  }
0x303: {  	_ =	sdelay $0x1  }
0x304: {  	[tilespmem:s6+$0x161B0] =	vst v8  }
0x305: {  	s19 =	sadd.s32 $0x200, s19;
	v8 =	vld [tilespmem:s17+$0x16180]  }
.LBB2_67:
0x306: {  	_ =	sdelay $0x2  }
0x307: {  	s6 =	sshra.s32 s18, $0x2  }
0x308: {  	[tilespmem:s6+$0x16180] =	vst v8  }
0x309: {  	v8 =	vld [tilespmem:s17+$0x16190];
	_ =	sdelay $0x4  }
0x30a: {  	[tilespmem:s6+$0x16190] =	vst v8  }
0x30b: {  	v8 =	vld [tilespmem:s17+$0x161A0];
	_ =	sdelay $0x4  }
0x30c: {  	[tilespmem:s6+$0x161A0] =	vst v8  }
0x30d: {  	v8 =	vld [tilespmem:s17+$0x161B0];
	_ =	sdelay $0x4  }
0x30e: {  	[tilespmem:s6+$0x161B0] =	vst v8;
	v8 =	vmov s2;
	s2 =	simm.s32 $0x1A180  }
0x30f: {  	s18 =	simm.s32 $0x10;
	s17 =	simm.s32 $0x0;
	v9 =	vld [tilespmem:s2+$0x0]  }
.LBB2_68:
0x310: {  	p3 =	sne.s32 s18, $0x70;
	_ =	sdelay $0x1  }
.Ltmp55:
0x311: {  	v10 =	vor.u32 s17, v0;
	s17 =	smov.u32 s18;
	(pc) =	sbr.rel @p3 .LBB2_68-.Ltmp55, $4  }
0x312: {  	vm0 =	vlt.u32 v10, v8  }
0x313: {  	v9 =	vsel vm0, v9, v7  }
0x314: {  	[tilespmem:s2+$0x0] =	vst v9;
	s2 =	sadd.s32 $0x10, s2  }
0x315: {  	s18 =	sadd.s32 $0x10, s18;
	v9 =	vld [tilespmem:s2+$0x0]  }
0x316: {  	_ =	sdelay $0x1  }
0x317: {  	v10 =	vor.u32 s17, v0  }
0x318: {  	vm0 =	vlt.u32 v10, v8  }
0x319: {  	s30 =	simm.s32 $0x80;
	v7 =	vsel vm0, v9, v7  }
.Ltmp56:
0x31a: {  	s6 =	simm.s32 $0x16180;
	s31 =	simm.s32 $0x3;
	[tilespmem:s2+$0x0] =	vst v7;
	(pc) =	sbr.rel .LBB2_70-.Ltmp56, $4  }
0x31b: {  	[hbm4b:s9+s30] =	stream.indirect.scatter [tilespmem:s6], [sflag:$0x3], $0x80, s12, s30, $0xb8;
	[tilespmem:$0x1A200] =	vst v63  }
0x31c: {  	_ =	swait.ge [sflag:s31], $0x4000  }
0x31d: {  	[sflag:s31] =	ssyncset.done $0x0  }
0x31e: {  	s6 =	rddreg [dreg:$0x9];
	[sflag:s31] =	ssyncadd.s32 $0xFFFFC000  }
.LBB2_71:
0x31f: {  	_ =	sfence.sel $0x180000  }
0x320: {  	[bflag:$0x0] =	sbarrier.arrive $0xFFFF  }
0x321: {  	_ =	strace $0x90000047  }
0x322: {  	s0 =	stileid.u32;
	[bflag:$0x2] =	sbarrier.arrive $0xFFFF  }
0x323: {  	p0 =	sne.s32 s0, $0x0;
	s0 =	rddreg [dreg:$0x2]  }
0x324: {  	s0 =	sadd.s32 @!p0 $0x100000, s0  }
0x325: {  	[sflag:s0] =	ssyncadd.tile.s32 @!p0 $0x1;
	_ =	shalt  }
.Lfunc_end2:
_tile_overlayer_lowered:
.L_overlay_start_2:
0x326: {  	(tag) =	ssettag $0x2  }
0x327: {  	s0 =	rddreg [dreg:$0x0];
	s2 =	stileid.u32  }
0x328: {  	s1 =	rddreg [dreg:$0x1];
	p0 =	sne.s32 s2, $0x0  }
0x329: {  	s3 =	rddreg [dreg:$0x2];
	[bflag:$0x3] =	sbarrier.arrive $0xFFFF;
	s2 =	simm.s32 @!p0 $0x1C04  }
0x32a: {  	[timem:s3], [sflag:s2] =	dma.local @!p0 [hbm:s0], s1  }
0x32b: {  	s0 =	simm.s32 @!p0 $0x4  }
0x32c: {  	_ =	swait.ge @!p0 [sflag:s0], s1  }
0x32d: {  	s1 =	ssub.s32 @!p0 $0x0, s1;
	[sflag:s0] =	ssyncset.done @!p0 $0x0  }
0x32e: {  	[sflag:s0] =	ssyncadd.s32 @!p0 s1  }
0x32f: {  	[bflag:$0x3] =	sbarrier.arrive $0xFFFF  }
0x330: {  	_ =	shalt  }

</sc_bundles>
